<compile_context>
chip_gen: v7x
topology: tpu7x:2x2x1
jax: 0.10.2.dev20260603
libtpu: 0.0.44.dev20260713+nightly
codegen_flags: <defaults>
</compile_context>

<pallas_src>
import functools

import jax
import jax.numpy as jnp
from jax import lax
from jax.experimental import pallas as pl
from jax.experimental.pallas import tpu as pltpu
from jax.experimental.pallas import tpu_sc as plsc

_H = 16
_EMB = 100000
_TP = 32
_B = 1024
_T2 = 512
_NW = 32
_RPW = _T2 // _NW



def _sc_gather_body(idx_hbm, table_hbm, out_hbm, idx_v, out_v, sem):
    wid = lax.axis_index("s") * 2 + lax.axis_index("c")
    base = wid * _RPW
    pltpu.sync_copy(idx_hbm.at[pl.ds(base, _RPW)], idx_v)
    iv = idx_v[...]
    copies = [
        pltpu.async_copy(
            table_hbm.at[jnp.int32(k)].at[iv], out_v.at[jnp.int32(k)], sem)
        for k in range(_TP)
    ]
    for cp in copies:
        cp.wait()
    pltpu.sync_copy(out_v, out_hbm.at[:, pl.ds(base, _RPW)])


def _sc_gather(idx2_i32, table_flat_i32):
    mesh = plsc.VectorSubcoreMesh(core_axis_name="c", subcore_axis_name="s")
    f = functools.partial(
        pl.kernel,
        mesh=mesh,
        compiler_params=pltpu.CompilerParams(use_tc_tiling_on_sc=False),
        out_type=jax.ShapeDtypeStruct((_TP, _T2), jnp.int32),
        scratch_types=[
            pltpu.VMEM((_RPW,), jnp.int32),
            pltpu.VMEM((_TP, _RPW), jnp.int32),
            pltpu.SemaphoreType.DMA,
        ],
    )(_sc_gather_body)
    return f(idx2_i32, table_flat_i32)



def _tc_body(i1c_ref, i1r_ref, i2r_ref, cand_ref, candt_ref, gt_ref,
             norm_ref, out_ref):
    i1c = i1c_ref[:, :]
    i1r = i1r_ref[:, :]
    i2r = i2r_ref[:, :]
    cand = cand_ref[:, :]
    candt = candt_ref[:, :]

    jrow = lax.broadcasted_iota(jnp.int32, (_B, _B), 1)
    eq = i1c == i1r
    wj = jnp.max(jnp.where(eq, jrow, jnp.int32(-1)), axis=1, keepdims=True)
    onehot = jnp.logical_and(eq, jrow == wj).astype(jnp.float32)
    hi = (cand >> 8).astype(jnp.float32)
    lo = (cand & 255).astype(jnp.float32)
    dot = functools.partial(
        lax.dot_general,
        dimension_numbers=(((1,), (0,)), ((), ())),
        preferred_element_type=jnp.float32,
    )
    sta = (dot(onehot, hi) * 256.0 + dot(onehot, lo)).astype(jnp.int32)

    jcol = lax.broadcasted_iota(jnp.int32, (_B, _T2), 0)
    eq2 = i1c == i2r
    w2 = jnp.max(jnp.where(eq2, jcol, jnp.int32(-1)), axis=0, keepdims=True)
    onehot2 = jnp.logical_and(eq2, jcol == w2).astype(jnp.float32)
    hit = (candt >> 8).astype(jnp.float32)
    lot = (candt & 255).astype(jnp.float32)
    pos_c = (dot(hit, onehot2) * 256.0 + dot(lot, onehot2)).astype(jnp.int32)
    has = w2 >= 0
    gt = gt_ref[:, :]

    acc = jnp.zeros((_B, _T2), jnp.int32)
    s_sum = jnp.zeros((1, _T2), jnp.int32)
    for k in range(_TP):
        pos_ck = lax.slice(pos_c, (k, 0), (k + 1, _T2))
        g_k = lax.slice(gt, (k, 0), (k + 1, _T2))
        pos_k = jnp.where(has, pos_ck, g_k)
        sb_k = jnp.where(pos_k >= 0, jnp.int32(1), jnp.int32(-1))
        pb_k = jnp.abs(pos_k)
        s_sum = s_sum + sb_k
        sa_k = lax.slice(sta, (0, k), (_B, k + 1))
        xorv = lax.bitwise_xor(sa_k, pb_k)
        acc = acc + sb_k * lax.clz(xorv + 1)
    m = (acc - jnp.int32(16) * s_sum).astype(jnp.float32) * 0.0625
    out_ref[:, :] = norm_ref[:, :] * m


def _tc_main(idx1_i32, idx2_i32, cand_i32, gathered_t, norm):
    return pl.pallas_call(
        _tc_body,
        out_shape=jax.ShapeDtypeStruct((_B, _T2), jnp.float32),
    )(
        idx1_i32.reshape(_B, 1),
        idx1_i32.reshape(1, _B),
        idx2_i32.reshape(1, _T2),
        cand_i32,
        cand_i32.T,
        gathered_t,
        norm,
    )



def kernel(idx1, idx2, norm, cand_loc, locations):
    idx1_i = idx1.astype(jnp.int32)
    idx2_i = idx2.astype(jnp.int32)
    cand_i = cand_loc.astype(jnp.int32)
    table_t = locations.T.astype(jnp.int32)
    gathered_t = _sc_gather(idx2_i, table_t)
    return _tc_main(idx1_i, idx2_i, cand_i, gathered_t, norm)

# --- scband reference (transcript-rebuilt; emitter-appended) ---
"""Pipeline reference for scband-criti-graph-83708912599576 (READ-ONLY COPY).

The authoritative reference and input builder live on the scoring server;
editing this copy changes nothing except your own understanding.
"""

import jax, jax.numpy as jnp
import numpy as np

jax.config.update("jax_enable_x64", True)

H = 16
N = 1 << H  # 65536
EMB_SIZE = 100000
TP = 32
B = 1024
T2 = 512


def setup_inputs(seed: int = 0) -> dict:
    key = jax.random.key(seed)
    k1, k2, k3, k4, k5 = jax.random.split(key, 5)
    # learned/persistent memory: integer location codes per embedding row (module state main_locations)
    locations = jax.random.randint(k1, (EMB_SIZE, TP), 1 - N, N, dtype=jnp.int64)
    idx1 = jax.random.randint(k2, (B,), 0, EMB_SIZE, dtype=jnp.int64)
    idx2 = jax.random.randint(k3, (T2,), 0, EMB_SIZE, dtype=jnp.int64)
    norm = jax.random.uniform(k4, (B, T2), dtype=jnp.float32)
    cand_loc = jax.random.randint(k5, (B, TP), 0, N, dtype=jnp.int64)
    return {"idx1": idx1, "idx2": idx2, "norm": norm, "cand_loc": cand_loc, "locations": locations}


def _distance(coord1, coord2, norm, h):
    # faithful port of CritiGraph.distance
    sg = ((jnp.where(coord1 >= 0, 1, -1) * jnp.where(coord2 >= 0, 1, -1))).astype(jnp.float32)
    xor_result = jnp.abs(coord1) ^ jnp.abs(coord2)
    _, exp = jnp.frexp((xor_result + 1).astype(jnp.float32))
    s = exp.astype(jnp.float32) / h
    return sg * (1.0 - s) * norm


def reference(idx1, idx2, norm, cand_loc, locations):
    # scatter-overwrite: write candidate locations for the active batch rows into the memory table
    updated = locations.at[idx1].set(cand_loc)
    # gather: station locations (B, tp) and neighbor locations (T2, tp)
    sta_loc = jnp.take(updated, idx1, axis=0)   # (B, tp)
    pos_loc = jnp.take(updated, idx2, axis=0)   # (T2, tp)
    # pairwise bitwise-XOR hyperbolic-style distance (as in loom: dis_sta_pos)
    dis = _distance(sta_loc[:, None, :], pos_loc[None, :, :], norm[:, :, None], float(H))
    dis_sum = dis.sum(axis=-1)  # (B, T2)
    return dis_sum

if __name__ == "__main__":
    import jax
    _d = setup_inputs()
    print(jax.jit(kernel)(*tuple(_d.values())))

</pallas_src>

<mosaic_0001>
#map = affine_map<(d0, d1) -> (0)>
#map1 = affine_map<(d0, d1) -> (0, 0)>
module attributes {stable_mosaic.version = 14 : i64} {
  func.func @_sc_gather_body(%arg0: i32, %arg1: i32, %arg2: memref<512xi32, #tpu.memory_space<hbm>>, %arg3: memref<32x100000xi32, #tpu.memory_space<hbm>>, %arg4: memref<32x512xi32, #tpu.memory_space<hbm>>, %arg5: memref<16xi32, #tpu.memory_space<vmem>>, %arg6: memref<32x16xi32, #tpu.memory_space<vmem>>, %arg7: memref<!tpu.dma_semaphore, #tpu.memory_space<semaphore_mem>>) attributes {dimension_semantics = [#tpu.dimension_semantics<core_parallel>, #tpu.dimension_semantics<subcore_parallel>], iteration_bounds = array<i64: 2, 16>, scalar_prefetch = 0 : i64, scratch_operands = 3 : i64, tpu.core_type = #tpu.core_type<sc_vector_subcore>, window_params = [{transform_indices = #map}, {transform_indices = #map1}, {transform_indices = #map1}]} {
    %mul3A = arith.constant 2 : i32
    %mul3A_0 = arith.muli %arg1, %mul3A : i32
    %add3A = arith.addi %mul3A_0, %arg0 : i32
    %mul3A_1 = arith.constant 16 : i32
    %mul3A_2 = arith.muli %add3A, %mul3A_1 : i32
    "tpu.region"() ({
      %run_scoped3A = tpu.sem_alloc : memref<!tpu.dma_semaphore, #tpu.memory_space<semaphore_mem>>
      %dma_start3A_643 = tpu.memref_slice %arg2[%mul3A_2] : memref<512xi32, #tpu.memory_space<hbm>> -> memref<16xi32, #tpu.memory_space<hbm>>
      %dma_start3A_644 = tpu.memref_slice %arg2[%mul3A_2] : memref<512xi32, #tpu.memory_space<hbm>> -> memref<16xi32, #tpu.memory_space<hbm>>
      tpu.enqueue_dma source(%dma_start3A_644 : memref<16xi32, #tpu.memory_space<hbm>>) target(%arg5 : memref<16xi32, #tpu.memory_space<vmem>>) target_semaphore(%run_scoped3A : memref<!tpu.dma_semaphore, #tpu.memory_space<semaphore_mem>>)
      %dma_wait3A_645 = tpu.memref_slice %arg2[%mul3A_2] : memref<512xi32, #tpu.memory_space<hbm>> -> memref<16xi32, #tpu.memory_space<hbm>>
      %dma_wait3A_646 = tpu.memref_slice %arg2[%mul3A_2] : memref<512xi32, #tpu.memory_space<hbm>> -> memref<16xi32, #tpu.memory_space<hbm>>
      tpu.wait_dma2 semaphore(%run_scoped3A : memref<!tpu.dma_semaphore, #tpu.memory_space<semaphore_mem>>) src(%dma_wait3A_646 : memref<16xi32, #tpu.memory_space<hbm>>) dst(%arg5 : memref<16xi32, #tpu.memory_space<vmem>>)
      tpu.yield
    }) : () -> ()
    %get3A = arith.constant 0 : index
    %get3A_3 = tpu.vector_load %arg5[%get3A] {strides = array<i32>} : memref<16xi32, #tpu.memory_space<vmem>>, vector<16xi32>,
    %get3A_4 = vector.shape_cast %get3A_3 : vector<16xi32> to vector<16xi32>
    %dma_start3A = arith.constant 0 : i32
    %dma_start3A_5 = arith.constant 0 : i32
    %dma_start3A_6 = arith.constant 0 : i32
    %dma_start3A_7 = tpu.memref_slice %arg6[%dma_start3A_5, %dma_start3A_6] : memref<32x16xi32, #tpu.memory_space<vmem>> -> memref<1x16xi32, #tpu.memory_space<vmem>>
    %dma_start3A_8 = tpu.memref_squeeze %dma_start3A_7 : memref<1x16xi32, #tpu.memory_space<vmem>> -> memref<16xi32, #tpu.memory_space<vmem>>
    %dma_start3A_9 = arith.constant 0 : i32
    %dma_start3A_10 = tpu.memref_slice %arg3[%dma_start3A, %dma_start3A_9] : memref<32x100000xi32, #tpu.memory_space<hbm>> -> memref<1x100000xi32, #tpu.memory_space<hbm>>
    %dma_start3A_11 = tpu.memref_squeeze %dma_start3A_10 : memref<1x100000xi32, #tpu.memory_space<hbm>> -> memref<100000xi32, #tpu.memory_space<hbm>>
    %dma_start3A_12 = arith.constant 0 : i32
    %dma_start3A_13 = tpu.memref_slice %dma_start3A_11[%dma_start3A_12] : memref<100000xi32, #tpu.memory_space<hbm>> -> memref<100000xi32, #tpu.memory_space<hbm>>
    tpu.enqueue_indirect_dma source(%dma_start3A_13 : memref<100000xi32, #tpu.memory_space<hbm>>) target(%dma_start3A_8 : memref<16xi32, #tpu.memory_space<vmem>>) offsets(%get3A_4 : vector<16xi32>) semaphore(%arg7 : memref<!tpu.dma_semaphore, #tpu.memory_space<semaphore_mem>>)
    %dma_start3A_14 = arith.constant 1 : i32
    %dma_start3A_15 = arith.constant 1 : i32
    %dma_start3A_16 = arith.constant 0 : i32
    %dma_start3A_17 = tpu.memref_slice %arg6[%dma_start3A_15, %dma_start3A_16] : memref<32x16xi32, #tpu.memory_space<vmem>> -> memref<1x16xi32, #tpu.memory_space<vmem>>
    %dma_start3A_18 = tpu.memref_squeeze %dma_start3A_17 : memref<1x16xi32, #tpu.memory_space<vmem>> -> memref<16xi32, #tpu.memory_space<vmem>>
    %dma_start3A_19 = arith.constant 0 : i32
    %dma_start3A_20 = tpu.memref_slice %arg3[%dma_start3A_14, %dma_start3A_19] : memref<32x100000xi32, #tpu.memory_space<hbm>> -> memref<1x100000xi32, #tpu.memory_space<hbm>>
    %dma_start3A_21 = tpu.memref_squeeze %dma_start3A_20 : memref<1x100000xi32, #tpu.memory_space<hbm>> -> memref<100000xi32, #tpu.memory_space<hbm>>
    %dma_start3A_22 = arith.constant 0 : i32
    %dma_start3A_23 = tpu.memref_slice %dma_start3A_21[%dma_start3A_22] : memref<100000xi32, #tpu.memory_space<hbm>> -> memref<100000xi32, #tpu.memory_space<hbm>>
    tpu.enqueue_indirect_dma source(%dma_start3A_23 : memref<100000xi32, #tpu.memory_space<hbm>>) target(%dma_start3A_18 : memref<16xi32, #tpu.memory_space<vmem>>) offsets(%get3A_4 : vector<16xi32>) semaphore(%arg7 : memref<!tpu.dma_semaphore, #tpu.memory_space<semaphore_mem>>)
    %dma_start3A_24 = arith.constant 2 : i32
    %dma_start3A_25 = arith.constant 2 : i32
    %dma_start3A_26 = arith.constant 0 : i32
    %dma_start3A_27 = tpu.memref_slice %arg6[%dma_start3A_25, %dma_start3A_26] : memref<32x16xi32, #tpu.memory_space<vmem>> -> memref<1x16xi32, #tpu.memory_space<vmem>>
    %dma_start3A_28 = tpu.memref_squeeze %dma_start3A_27 : memref<1x16xi32, #tpu.memory_space<vmem>> -> memref<16xi32, #tpu.memory_space<vmem>>
    %dma_start3A_29 = arith.constant 0 : i32
    %dma_start3A_30 = tpu.memref_slice %arg3[%dma_start3A_24, %dma_start3A_29] : memref<32x100000xi32, #tpu.memory_space<hbm>> -> memref<1x100000xi32, #tpu.memory_space<hbm>>
    %dma_start3A_31 = tpu.memref_squeeze %dma_start3A_30 : memref<1x100000xi32, #tpu.memory_space<hbm>> -> memref<100000xi32, #tpu.memory_space<hbm>>
    %dma_start3A_32 = arith.constant 0 : i32
    %dma_start3A_33 = tpu.memref_slice %dma_start3A_31[%dma_start3A_32] : memref<100000xi32, #tpu.memory_space<hbm>> -> memref<100000xi32, #tpu.memory_space<hbm>>
    tpu.enqueue_indirect_dma source(%dma_start3A_33 : memref<100000xi32, #tpu.memory_space<hbm>>) target(%dma_start3A_28 : memref<16xi32, #tpu.memory_space<vmem>>) offsets(%get3A_4 : vector<16xi32>) semaphore(%arg7 : memref<!tpu.dma_semaphore, #tpu.memory_space<semaphore_mem>>)
    %dma_start3A_34 = arith.constant 3 : i32
    %dma_start3A_35 = arith.constant 3 : i32
    %dma_start3A_36 = arith.constant 0 : i32
    %dma_start3A_37 = tpu.memref_slice %arg6[%dma_start3A_35, %dma_start3A_36] : memref<32x16xi32, #tpu.memory_space<vmem>> -> memref<1x16xi32, #tpu.memory_space<vmem>>
    %dma_start3A_38 = tpu.memref_squeeze %dma_start3A_37 : memref<1x16xi32, #tpu.memory_space<vmem>> -> memref<16xi32, #tpu.memory_space<vmem>>
    %dma_start3A_39 = arith.constant 0 : i32
    %dma_start3A_40 = tpu.memref_slice %arg3[%dma_start3A_34, %dma_start3A_39] : memref<32x100000xi32, #tpu.memory_space<hbm>> -> memref<1x100000xi32, #tpu.memory_space<hbm>>
    %dma_start3A_41 = tpu.memref_squeeze %dma_start3A_40 : memref<1x100000xi32, #tpu.memory_space<hbm>> -> memref<100000xi32, #tpu.memory_space<hbm>>
    %dma_start3A_42 = arith.constant 0 : i32
    %dma_start3A_43 = tpu.memref_slice %dma_start3A_41[%dma_start3A_42] : memref<100000xi32, #tpu.memory_space<hbm>> -> memref<100000xi32, #tpu.memory_space<hbm>>
    tpu.enqueue_indirect_dma source(%dma_start3A_43 : memref<100000xi32, #tpu.memory_space<hbm>>) target(%dma_start3A_38 : memref<16xi32, #tpu.memory_space<vmem>>) offsets(%get3A_4 : vector<16xi32>) semaphore(%arg7 : memref<!tpu.dma_semaphore, #tpu.memory_space<semaphore_mem>>)
    %dma_start3A_44 = arith.constant 4 : i32
    %dma_start3A_45 = arith.constant 4 : i32
    %dma_start3A_46 = arith.constant 0 : i32
    %dma_start3A_47 = tpu.memref_slice %arg6[%dma_start3A_45, %dma_start3A_46] : memref<32x16xi32, #tpu.memory_space<vmem>> -> memref<1x16xi32, #tpu.memory_space<vmem>>
    %dma_start3A_48 = tpu.memref_squeeze %dma_start3A_47 : memref<1x16xi32, #tpu.memory_space<vmem>> -> memref<16xi32, #tpu.memory_space<vmem>>
    %dma_start3A_49 = arith.constant 0 : i32
    %dma_start3A_50 = tpu.memref_slice %arg3[%dma_start3A_44, %dma_start3A_49] : memref<32x100000xi32, #tpu.memory_space<hbm>> -> memref<1x100000xi32, #tpu.memory_space<hbm>>
    %dma_start3A_51 = tpu.memref_squeeze %dma_start3A_50 : memref<1x100000xi32, #tpu.memory_space<hbm>> -> memref<100000xi32, #tpu.memory_space<hbm>>
    %dma_start3A_52 = arith.constant 0 : i32
    %dma_start3A_53 = tpu.memref_slice %dma_start3A_51[%dma_start3A_52] : memref<100000xi32, #tpu.memory_space<hbm>> -> memref<100000xi32, #tpu.memory_space<hbm>>
    tpu.enqueue_indirect_dma source(%dma_start3A_53 : memref<100000xi32, #tpu.memory_space<hbm>>) target(%dma_start3A_48 : memref<16xi32, #tpu.memory_space<vmem>>) offsets(%get3A_4 : vector<16xi32>) semaphore(%arg7 : memref<!tpu.dma_semaphore, #tpu.memory_space<semaphore_mem>>)
    %dma_start3A_54 = arith.constant 5 : i32
    %dma_start3A_55 = arith.constant 5 : i32
    %dma_start3A_56 = arith.constant 0 : i32
    %dma_start3A_57 = tpu.memref_slice %arg6[%dma_start3A_55, %dma_start3A_56] : memref<32x16xi32, #tpu.memory_space<vmem>> -> memref<1x16xi32, #tpu.memory_space<vmem>>
    %dma_start3A_58 = tpu.memref_squeeze %dma_start3A_57 : memref<1x16xi32, #tpu.memory_space<vmem>> -> memref<16xi32, #tpu.memory_space<vmem>>
    %dma_start3A_59 = arith.constant 0 : i32
    %dma_start3A_60 = tpu.memref_slice %arg3[%dma_start3A_54, %dma_start3A_59] : memref<32x100000xi32, #tpu.memory_space<hbm>> -> memref<1x100000xi32, #tpu.memory_space<hbm>>
    %dma_start3A_61 = tpu.memref_squeeze %dma_start3A_60 : memref<1x100000xi32, #tpu.memory_space<hbm>> -> memref<100000xi32, #tpu.memory_space<hbm>>
    %dma_start3A_62 = arith.constant 0 : i32
    %dma_start3A_63 = tpu.memref_slice %dma_start3A_61[%dma_start3A_62] : memref<100000xi32, #tpu.memory_space<hbm>> -> memref<100000xi32, #tpu.memory_space<hbm>>
    tpu.enqueue_indirect_dma source(%dma_start3A_63 : memref<100000xi32, #tpu.memory_space<hbm>>) target(%dma_start3A_58 : memref<16xi32, #tpu.memory_space<vmem>>) offsets(%get3A_4 : vector<16xi32>) semaphore(%arg7 : memref<!tpu.dma_semaphore, #tpu.memory_space<semaphore_mem>>)
    %dma_start3A_64 = arith.constant 6 : i32
    %dma_start3A_65 = arith.constant 6 : i32
    %dma_start3A_66 = arith.constant 0 : i32
    %dma_start3A_67 = tpu.memref_slice %arg6[%dma_start3A_65, %dma_start3A_66] : memref<32x16xi32, #tpu.memory_space<vmem>> -> memref<1x16xi32, #tpu.memory_space<vmem>>
    %dma_start3A_68 = tpu.memref_squeeze %dma_start3A_67 : memref<1x16xi32, #tpu.memory_space<vmem>> -> memref<16xi32, #tpu.memory_space<vmem>>
    %dma_start3A_69 = arith.constant 0 : i32
    %dma_start3A_70 = tpu.memref_slice %arg3[%dma_start3A_64, %dma_start3A_69] : memref<32x100000xi32, #tpu.memory_space<hbm>> -> memref<1x100000xi32, #tpu.memory_space<hbm>>
    %dma_start3A_71 = tpu.memref_squeeze %dma_start3A_70 : memref<1x100000xi32, #tpu.memory_space<hbm>> -> memref<100000xi32, #tpu.memory_space<hbm>>
    %dma_start3A_72 = arith.constant 0 : i32
    %dma_start3A_73 = tpu.memref_slice %dma_start3A_71[%dma_start3A_72] : memref<100000xi32, #tpu.memory_space<hbm>> -> memref<100000xi32, #tpu.memory_space<hbm>>
    tpu.enqueue_indirect_dma source(%dma_start3A_73 : memref<100000xi32, #tpu.memory_space<hbm>>) target(%dma_start3A_68 : memref<16xi32, #tpu.memory_space<vmem>>) offsets(%get3A_4 : vector<16xi32>) semaphore(%arg7 : memref<!tpu.dma_semaphore, #tpu.memory_space<semaphore_mem>>)
    %dma_start3A_74 = arith.constant 7 : i32
    %dma_start3A_75 = arith.constant 7 : i32
    %dma_start3A_76 = arith.constant 0 : i32
    %dma_start3A_77 = tpu.memref_slice %arg6[%dma_start3A_75, %dma_start3A_76] : memref<32x16xi32, #tpu.memory_space<vmem>> -> memref<1x16xi32, #tpu.memory_space<vmem>>
    %dma_start3A_78 = tpu.memref_squeeze %dma_start3A_77 : memref<1x16xi32, #tpu.memory_space<vmem>> -> memref<16xi32, #tpu.memory_space<vmem>>
    %dma_start3A_79 = arith.constant 0 : i32
    %dma_start3A_80 = tpu.memref_slice %arg3[%dma_start3A_74, %dma_start3A_79] : memref<32x100000xi32, #tpu.memory_space<hbm>> -> memref<1x100000xi32, #tpu.memory_space<hbm>>
    %dma_start3A_81 = tpu.memref_squeeze %dma_start3A_80 : memref<1x100000xi32, #tpu.memory_space<hbm>> -> memref<100000xi32, #tpu.memory_space<hbm>>
    %dma_start3A_82 = arith.constant 0 : i32
    %dma_start3A_83 = tpu.memref_slice %dma_start3A_81[%dma_start3A_82] : memref<100000xi32, #tpu.memory_space<hbm>> -> memref<100000xi32, #tpu.memory_space<hbm>>
    tpu.enqueue_indirect_dma source(%dma_start3A_83 : memref<100000xi32, #tpu.memory_space<hbm>>) target(%dma_start3A_78 : memref<16xi32, #tpu.memory_space<vmem>>) offsets(%get3A_4 : vector<16xi32>) semaphore(%arg7 : memref<!tpu.dma_semaphore, #tpu.memory_space<semaphore_mem>>)
    %dma_start3A_84 = arith.constant 8 : i32
    %dma_start3A_85 = arith.constant 8 : i32
    %dma_start3A_86 = arith.constant 0 : i32
    %dma_start3A_87 = tpu.memref_slice %arg6[%dma_start3A_85, %dma_start3A_86] : memref<32x16xi32, #tpu.memory_space<vmem>> -> memref<1x16xi32, #tpu.memory_space<vmem>>
    %dma_start3A_88 = tpu.memref_squeeze %dma_start3A_87 : memref<1x16xi32, #tpu.memory_space<vmem>> -> memref<16xi32, #tpu.memory_space<vmem>>
    %dma_start3A_89 = arith.constant 0 : i32
    %dma_start3A_90 = tpu.memref_slice %arg3[%dma_start3A_84, %dma_start3A_89] : memref<32x100000xi32, #tpu.memory_space<hbm>> -> memref<1x100000xi32, #tpu.memory_space<hbm>>
    %dma_start3A_91 = tpu.memref_squeeze %dma_start3A_90 : memref<1x100000xi32, #tpu.memory_space<hbm>> -> memref<100000xi32, #tpu.memory_space<hbm>>
    %dma_start3A_92 = arith.constant 0 : i32
    %dma_start3A_93 = tpu.memref_slice %dma_start3A_91[%dma_start3A_92] : memref<100000xi32, #tpu.memory_space<hbm>> -> memref<100000xi32, #tpu.memory_space<hbm>>
    tpu.enqueue_indirect_dma source(%dma_start3A_93 : memref<100000xi32, #tpu.memory_space<hbm>>) target(%dma_start3A_88 : memref<16xi32, #tpu.memory_space<vmem>>) offsets(%get3A_4 : vector<16xi32>) semaphore(%arg7 : memref<!tpu.dma_semaphore, #tpu.memory_space<semaphore_mem>>)
    %dma_start3A_94 = arith.constant 9 : i32
    %dma_start3A_95 = arith.constant 9 : i32
    %dma_start3A_96 = arith.constant 0 : i32
    %dma_start3A_97 = tpu.memref_slice %arg6[%dma_start3A_95, %dma_start3A_96] : memref<32x16xi32, #tpu.memory_space<vmem>> -> memref<1x16xi32, #tpu.memory_space<vmem>>
    %dma_start3A_98 = tpu.memref_squeeze %dma_start3A_97 : memref<1x16xi32, #tpu.memory_space<vmem>> -> memref<16xi32, #tpu.memory_space<vmem>>
    %dma_start3A_99 = arith.constant 0 : i32
    %dma_start3A_100 = tpu.memref_slice %arg3[%dma_start3A_94, %dma_start3A_99] : memref<32x100000xi32, #tpu.memory_space<hbm>> -> memref<1x100000xi32, #tpu.memory_space<hbm>>
    %dma_start3A_101 = tpu.memref_squeeze %dma_start3A_100 : memref<1x100000xi32, #tpu.memory_space<hbm>> -> memref<100000xi32, #tpu.memory_space<hbm>>
    %dma_start3A_102 = arith.constant 0 : i32
    %dma_start3A_103 = tpu.memref_slice %dma_start3A_101[%dma_start3A_102] : memref<100000xi32, #tpu.memory_space<hbm>> -> memref<100000xi32, #tpu.memory_space<hbm>>
    tpu.enqueue_indirect_dma source(%dma_start3A_103 : memref<100000xi32, #tpu.memory_space<hbm>>) target(%dma_start3A_98 : memref<16xi32, #tpu.memory_space<vmem>>) offsets(%get3A_4 : vector<16xi32>) semaphore(%arg7 : memref<!tpu.dma_semaphore, #tpu.memory_space<semaphore_mem>>)
    %dma_start3A_104 = arith.constant 10 : i32
    %dma_start3A_105 = arith.constant 10 : i32
    %dma_start3A_106 = arith.constant 0 : i32
    %dma_start3A_107 = tpu.memref_slice %arg6[%dma_start3A_105, %dma_start3A_106] : memref<32x16xi32, #tpu.memory_space<vmem>> -> memref<1x16xi32, #tpu.memory_space<vmem>>
    %dma_start3A_108 = tpu.memref_squeeze %dma_start3A_107 : memref<1x16xi32, #tpu.memory_space<vmem>> -> memref<16xi32, #tpu.memory_space<vmem>>
    %dma_start3A_109 = arith.constant 0 : i32
    %dma_start3A_110 = tpu.memref_slice %arg3[%dma_start3A_104, %dma_start3A_109] : memref<32x100000xi32, #tpu.memory_space<hbm>> -> memref<1x100000xi32, #tpu.memory_space<hbm>>
    %dma_start3A_111 = tpu.memref_squeeze %dma_start3A_110 : memref<1x100000xi32, #tpu.memory_space<hbm>> -> memref<100000xi32, #tpu.memory_space<hbm>>
    %dma_start3A_112 = arith.constant 0 : i32
    %dma_start3A_113 = tpu.memref_slice %dma_start3A_111[%dma_start3A_112] : memref<100000xi32, #tpu.memory_space<hbm>> -> memref<100000xi32, #tpu.memory_space<hbm>>
    tpu.enqueue_indirect_dma source(%dma_start3A_113 : memref<100000xi32, #tpu.memory_space<hbm>>) target(%dma_start3A_108 : memref<16xi32, #tpu.memory_space<vmem>>) offsets(%get3A_4 : vector<16xi32>) semaphore(%arg7 : memref<!tpu.dma_semaphore, #tpu.memory_space<semaphore_mem>>)
    %dma_start3A_114 = arith.constant 11 : i32
    %dma_start3A_115 = arith.constant 11 : i32
    %dma_start3A_116 = arith.constant 0 : i32
    %dma_start3A_117 = tpu.memref_slice %arg6[%dma_start3A_115, %dma_start3A_116] : memref<32x16xi32, #tpu.memory_space<vmem>> -> memref<1x16xi32, #tpu.memory_space<vmem>>
    %dma_start3A_118 = tpu.memref_squeeze %dma_start3A_117 : memref<1x16xi32, #tpu.memory_space<vmem>> -> memref<16xi32, #tpu.memory_space<vmem>>
    %dma_start3A_119 = arith.constant 0 : i32
    %dma_start3A_120 = tpu.memref_slice %arg3[%dma_start3A_114, %dma_start3A_119] : memref<32x100000xi32, #tpu.memory_space<hbm>> -> memref<1x100000xi32, #tpu.memory_space<hbm>>
    %dma_start3A_121 = tpu.memref_squeeze %dma_start3A_120 : memref<1x100000xi32, #tpu.memory_space<hbm>> -> memref<100000xi32, #tpu.memory_space<hbm>>
    %dma_start3A_122 = arith.constant 0 : i32
    %dma_start3A_123 = tpu.memref_slice %dma_start3A_121[%dma_start3A_122] : memref<100000xi32, #tpu.memory_space<hbm>> -> memref<100000xi32, #tpu.memory_space<hbm>>
    tpu.enqueue_indirect_dma source(%dma_start3A_123 : memref<100000xi32, #tpu.memory_space<hbm>>) target(%dma_start3A_118 : memref<16xi32, #tpu.memory_space<vmem>>) offsets(%get3A_4 : vector<16xi32>) semaphore(%arg7 : memref<!tpu.dma_semaphore, #tpu.memory_space<semaphore_mem>>)
    %dma_start3A_124 = arith.constant 12 : i32
    %dma_start3A_125 = arith.constant 12 : i32
    %dma_start3A_126 = arith.constant 0 : i32
    %dma_start3A_127 = tpu.memref_slice %arg6[%dma_start3A_125, %dma_start3A_126] : memref<32x16xi32, #tpu.memory_space<vmem>> -> memref<1x16xi32, #tpu.memory_space<vmem>>
    %dma_start3A_128 = tpu.memref_squeeze %dma_start3A_127 : memref<1x16xi32, #tpu.memory_space<vmem>> -> memref<16xi32, #tpu.memory_space<vmem>>
    %dma_start3A_129 = arith.constant 0 : i32
    %dma_start3A_130 = tpu.memref_slice %arg3[%dma_start3A_124, %dma_start3A_129] : memref<32x100000xi32, #tpu.memory_space<hbm>> -> memref<1x100000xi32, #tpu.memory_space<hbm>>
    %dma_start3A_131 = tpu.memref_squeeze %dma_start3A_130 : memref<1x100000xi32, #tpu.memory_space<hbm>> -> memref<100000xi32, #tpu.memory_space<hbm>>
    %dma_start3A_132 = arith.constant 0 : i32
    %dma_start3A_133 = tpu.memref_slice %dma_start3A_131[%dma_start3A_132] : memref<100000xi32, #tpu.memory_space<hbm>> -> memref<100000xi32, #tpu.memory_space<hbm>>
    tpu.enqueue_indirect_dma source(%dma_start3A_133 : memref<100000xi32, #tpu.memory_space<hbm>>) target(%dma_start3A_128 : memref<16xi32, #tpu.memory_space<vmem>>) offsets(%get3A_4 : vector<16xi32>) semaphore(%arg7 : memref<!tpu.dma_semaphore, #tpu.memory_space<semaphore_mem>>)
    %dma_start3A_134 = arith.constant 13 : i32
    %dma_start3A_135 = arith.constant 13 : i32
    %dma_start3A_136 = arith.constant 0 : i32
    %dma_start3A_137 = tpu.memref_slice %arg6[%dma_start3A_135, %dma_start3A_136] : memref<32x16xi32, #tpu.memory_space<vmem>> -> memref<1x16xi32, #tpu.memory_space<vmem>>
    %dma_start3A_138 = tpu.memref_squeeze %dma_start3A_137 : memref<1x16xi32, #tpu.memory_space<vmem>> -> memref<16xi32, #tpu.memory_space<vmem>>
    %dma_start3A_139 = arith.constant 0 : i32
    %dma_start3A_140 = tpu.memref_slice %arg3[%dma_start3A_134, %dma_start3A_139] : memref<32x100000xi32, #tpu.memory_space<hbm>> -> memref<1x100000xi32, #tpu.memory_space<hbm>>
    %dma_start3A_141 = tpu.memref_squeeze %dma_start3A_140 : memref<1x100000xi32, #tpu.memory_space<hbm>> -> memref<100000xi32, #tpu.memory_space<hbm>>
    %dma_start3A_142 = arith.constant 0 : i32
    %dma_start3A_143 = tpu.memref_slice %dma_start3A_141[%dma_start3A_142] : memref<100000xi32, #tpu.memory_space<hbm>> -> memref<100000xi32, #tpu.memory_space<hbm>>
    tpu.enqueue_indirect_dma source(%dma_start3A_143 : memref<100000xi32, #tpu.memory_space<hbm>>) target(%dma_start3A_138 : memref<16xi32, #tpu.memory_space<vmem>>) offsets(%get3A_4 : vector<16xi32>) semaphore(%arg7 : memref<!tpu.dma_semaphore, #tpu.memory_space<semaphore_mem>>)
    %dma_start3A_144 = arith.constant 14 : i32
    %dma_start3A_145 = arith.constant 14 : i32
    %dma_start3A_146 = arith.constant 0 : i32
    %dma_start3A_147 = tpu.memref_slice %arg6[%dma_start3A_145, %dma_start3A_146] : memref<32x16xi32, #tpu.memory_space<vmem>> -> memref<1x16xi32, #tpu.memory_space<vmem>>
    %dma_start3A_148 = tpu.memref_squeeze %dma_start3A_147 : memref<1x16xi32, #tpu.memory_space<vmem>> -> memref<16xi32, #tpu.memory_space<vmem>>
    %dma_start3A_149 = arith.constant 0 : i32
    %dma_start3A_150 = tpu.memref_slice %arg3[%dma_start3A_144, %dma_start3A_149] : memref<32x100000xi32, #tpu.memory_space<hbm>> -> memref<1x100000xi32, #tpu.memory_space<hbm>>
    %dma_start3A_151 = tpu.memref_squeeze %dma_start3A_150 : memref<1x100000xi32, #tpu.memory_space<hbm>> -> memref<100000xi32, #tpu.memory_space<hbm>>
    %dma_start3A_152 = arith.constant 0 : i32
    %dma_start3A_153 = tpu.memref_slice %dma_start3A_151[%dma_start3A_152] : memref<100000xi32, #tpu.memory_space<hbm>> -> memref<100000xi32, #tpu.memory_space<hbm>>
    tpu.enqueue_indirect_dma source(%dma_start3A_153 : memref<100000xi32, #tpu.memory_space<hbm>>) target(%dma_start3A_148 : memref<16xi32, #tpu.memory_space<vmem>>) offsets(%get3A_4 : vector<16xi32>) semaphore(%arg7 : memref<!tpu.dma_semaphore, #tpu.memory_space<semaphore_mem>>)
    %dma_start3A_154 = arith.constant 15 : i32
    %dma_start3A_155 = arith.constant 15 : i32
    %dma_start3A_156 = arith.constant 0 : i32
    %dma_start3A_157 = tpu.memref_slice %arg6[%dma_start3A_155, %dma_start3A_156] : memref<32x16xi32, #tpu.memory_space<vmem>> -> memref<1x16xi32, #tpu.memory_space<vmem>>
    %dma_start3A_158 = tpu.memref_squeeze %dma_start3A_157 : memref<1x16xi32, #tpu.memory_space<vmem>> -> memref<16xi32, #tpu.memory_space<vmem>>
    %dma_start3A_159 = arith.constant 0 : i32
    %dma_start3A_160 = tpu.memref_slice %arg3[%dma_start3A_154, %dma_start3A_159] : memref<32x100000xi32, #tpu.memory_space<hbm>> -> memref<1x100000xi32, #tpu.memory_space<hbm>>
    %dma_start3A_161 = tpu.memref_squeeze %dma_start3A_160 : memref<1x100000xi32, #tpu.memory_space<hbm>> -> memref<100000xi32, #tpu.memory_space<hbm>>
    %dma_start3A_162 = arith.constant 0 : i32
    %dma_start3A_163 = tpu.memref_slice %dma_start3A_161[%dma_start3A_162] : memref<100000xi32, #tpu.memory_space<hbm>> -> memref<100000xi32, #tpu.memory_space<hbm>>
    tpu.enqueue_indirect_dma source(%dma_start3A_163 : memref<100000xi32, #tpu.memory_space<hbm>>) target(%dma_start3A_158 : memref<16xi32, #tpu.memory_space<vmem>>) offsets(%get3A_4 : vector<16xi32>) semaphore(%arg7 : memref<!tpu.dma_semaphore, #tpu.memory_space<semaphore_mem>>)
    %dma_start3A_164 = arith.constant 16 : i32
    %dma_start3A_165 = arith.constant 16 : i32
    %dma_start3A_166 = arith.constant 0 : i32
    %dma_start3A_167 = tpu.memref_slice %arg6[%dma_start3A_165, %dma_start3A_166] : memref<32x16xi32, #tpu.memory_space<vmem>> -> memref<1x16xi32, #tpu.memory_space<vmem>>
    %dma_start3A_168 = tpu.memref_squeeze %dma_start3A_167 : memref<1x16xi32, #tpu.memory_space<vmem>> -> memref<16xi32, #tpu.memory_space<vmem>>
    %dma_start3A_169 = arith.constant 0 : i32
    %dma_start3A_170 = tpu.memref_slice %arg3[%dma_start3A_164, %dma_start3A_169] : memref<32x100000xi32, #tpu.memory_space<hbm>> -> memref<1x100000xi32, #tpu.memory_space<hbm>>
    %dma_start3A_171 = tpu.memref_squeeze %dma_start3A_170 : memref<1x100000xi32, #tpu.memory_space<hbm>> -> memref<100000xi32, #tpu.memory_space<hbm>>
    %dma_start3A_172 = arith.constant 0 : i32
    %dma_start3A_173 = tpu.memref_slice %dma_start3A_171[%dma_start3A_172] : memref<100000xi32, #tpu.memory_space<hbm>> -> memref<100000xi32, #tpu.memory_space<hbm>>
    tpu.enqueue_indirect_dma source(%dma_start3A_173 : memref<100000xi32, #tpu.memory_space<hbm>>) target(%dma_start3A_168 : memref<16xi32, #tpu.memory_space<vmem>>) offsets(%get3A_4 : vector<16xi32>) semaphore(%arg7 : memref<!tpu.dma_semaphore, #tpu.memory_space<semaphore_mem>>)
    %dma_start3A_174 = arith.constant 17 : i32
    %dma_start3A_175 = arith.constant 17 : i32
    %dma_start3A_176 = arith.constant 0 : i32
    %dma_start3A_177 = tpu.memref_slice %arg6[%dma_start3A_175, %dma_start3A_176] : memref<32x16xi32, #tpu.memory_space<vmem>> -> memref<1x16xi32, #tpu.memory_space<vmem>>
    %dma_start3A_178 = tpu.memref_squeeze %dma_start3A_177 : memref<1x16xi32, #tpu.memory_space<vmem>> -> memref<16xi32, #tpu.memory_space<vmem>>
    %dma_start3A_179 = arith.constant 0 : i32
    %dma_start3A_180 = tpu.memref_slice %arg3[%dma_start3A_174, %dma_start3A_179] : memref<32x100000xi32, #tpu.memory_space<hbm>> -> memref<1x100000xi32, #tpu.memory_space<hbm>>
    %dma_start3A_181 = tpu.memref_squeeze %dma_start3A_180 : memref<1x100000xi32, #tpu.memory_space<hbm>> -> memref<100000xi32, #tpu.memory_space<hbm>>
    %dma_start3A_182 = arith.constant 0 : i32
    %dma_start3A_183 = tpu.memref_slice %dma_start3A_181[%dma_start3A_182] : memref<100000xi32, #tpu.memory_space<hbm>> -> memref<100000xi32, #tpu.memory_space<hbm>>
    tpu.enqueue_indirect_dma source(%dma_start3A_183 : memref<100000xi32, #tpu.memory_space<hbm>>) target(%dma_start3A_178 : memref<16xi32, #tpu.memory_space<vmem>>) offsets(%get3A_4 : vector<16xi32>) semaphore(%arg7 : memref<!tpu.dma_semaphore, #tpu.memory_space<semaphore_mem>>)
    %dma_start3A_184 = arith.constant 18 : i32
    %dma_start3A_185 = arith.constant 18 : i32
    %dma_start3A_186 = arith.constant 0 : i32
    %dma_start3A_187 = tpu.memref_slice %arg6[%dma_start3A_185, %dma_start3A_186] : memref<32x16xi32, #tpu.memory_space<vmem>> -> memref<1x16xi32, #tpu.memory_space<vmem>>
    %dma_start3A_188 = tpu.memref_squeeze %dma_start3A_187 : memref<1x16xi32, #tpu.memory_space<vmem>> -> memref<16xi32, #tpu.memory_space<vmem>>
    %dma_start3A_189 = arith.constant 0 : i32
    %dma_start3A_190 = tpu.memref_slice %arg3[%dma_start3A_184, %dma_start3A_189] : memref<32x100000xi32, #tpu.memory_space<hbm>> -> memref<1x100000xi32, #tpu.memory_space<hbm>>
    %dma_start3A_191 = tpu.memref_squeeze %dma_start3A_190 : memref<1x100000xi32, #tpu.memory_space<hbm>> -> memref<100000xi32, #tpu.memory_space<hbm>>
    %dma_start3A_192 = arith.constant 0 : i32
    %dma_start3A_193 = tpu.memref_slice %dma_start3A_191[%dma_start3A_192] : memref<100000xi32, #tpu.memory_space<hbm>> -> memref<100000xi32, #tpu.memory_space<hbm>>
    tpu.enqueue_indirect_dma source(%dma_start3A_193 : memref<100000xi32, #tpu.memory_space<hbm>>) target(%dma_start3A_188 : memref<16xi32, #tpu.memory_space<vmem>>) offsets(%get3A_4 : vector<16xi32>) semaphore(%arg7 : memref<!tpu.dma_semaphore, #tpu.memory_space<semaphore_mem>>)
    %dma_start3A_194 = arith.constant 19 : i32
    %dma_start3A_195 = arith.constant 19 : i32
    %dma_start3A_196 = arith.constant 0 : i32
    %dma_start3A_197 = tpu.memref_slice %arg6[%dma_start3A_195, %dma_start3A_196] : memref<32x16xi32, #tpu.memory_space<vmem>> -> memref<1x16xi32, #tpu.memory_space<vmem>>
    %dma_start3A_198 = tpu.memref_squeeze %dma_start3A_197 : memref<1x16xi32, #tpu.memory_space<vmem>> -> memref<16xi32, #tpu.memory_space<vmem>>
    %dma_start3A_199 = arith.constant 0 : i32
    %dma_start3A_200 = tpu.memref_slice %arg3[%dma_start3A_194, %dma_start3A_199] : memref<32x100000xi32, #tpu.memory_space<hbm>> -> memref<1x100000xi32, #tpu.memory_space<hbm>>
    %dma_start3A_201 = tpu.memref_squeeze %dma_start3A_200 : memref<1x100000xi32, #tpu.memory_space<hbm>> -> memref<100000xi32, #tpu.memory_space<hbm>>
    %dma_start3A_202 = arith.constant 0 : i32
    %dma_start3A_203 = tpu.memref_slice %dma_start3A_201[%dma_start3A_202] : memref<100000xi32, #tpu.memory_space<hbm>> -> memref<100000xi32, #tpu.memory_space<hbm>>
    tpu.enqueue_indirect_dma source(%dma_start3A_203 : memref<100000xi32, #tpu.memory_space<hbm>>) target(%dma_start3A_198 : memref<16xi32, #tpu.memory_space<vmem>>) offsets(%get3A_4 : vector<16xi32>) semaphore(%arg7 : memref<!tpu.dma_semaphore, #tpu.memory_space<semaphore_mem>>)
    %dma_start3A_204 = arith.constant 20 : i32
    %dma_start3A_205 = arith.constant 20 : i32
    %dma_start3A_206 = arith.constant 0 : i32
    %dma_start3A_207 = tpu.memref_slice %arg6[%dma_start3A_205, %dma_start3A_206] : memref<32x16xi32, #tpu.memory_space<vmem>> -> memref<1x16xi32, #tpu.memory_space<vmem>>
    %dma_start3A_208 = tpu.memref_squeeze %dma_start3A_207 : memref<1x16xi32, #tpu.memory_space<vmem>> -> memref<16xi32, #tpu.memory_space<vmem>>
    %dma_start3A_209 = arith.constant 0 : i32
    %dma_start3A_210 = tpu.memref_slice %arg3[%dma_start3A_204, %dma_start3A_209] : memref<32x100000xi32, #tpu.memory_space<hbm>> -> memref<1x100000xi32, #tpu.memory_space<hbm>>
    %dma_start3A_211 = tpu.memref_squeeze %dma_start3A_210 : memref<1x100000xi32, #tpu.memory_space<hbm>> -> memref<100000xi32, #tpu.memory_space<hbm>>
    %dma_start3A_212 = arith.constant 0 : i32
    %dma_start3A_213 = tpu.memref_slice %dma_start3A_211[%dma_start3A_212] : memref<100000xi32, #tpu.memory_space<hbm>> -> memref<100000xi32, #tpu.memory_space<hbm>>
    tpu.enqueue_indirect_dma source(%dma_start3A_213 : memref<100000xi32, #tpu.memory_space<hbm>>) target(%dma_start3A_208 : memref<16xi32, #tpu.memory_space<vmem>>) offsets(%get3A_4 : vector<16xi32>) semaphore(%arg7 : memref<!tpu.dma_semaphore, #tpu.memory_space<semaphore_mem>>)
    %dma_start3A_214 = arith.constant 21 : i32
    %dma_start3A_215 = arith.constant 21 : i32
    %dma_start3A_216 = arith.constant 0 : i32
    %dma_start3A_217 = tpu.memref_slice %arg6[%dma_start3A_215, %dma_start3A_216] : memref<32x16xi32, #tpu.memory_space<vmem>> -> memref<1x16xi32, #tpu.memory_space<vmem>>
    %dma_start3A_218 = tpu.memref_squeeze %dma_start3A_217 : memref<1x16xi32, #tpu.memory_space<vmem>> -> memref<16xi32, #tpu.memory_space<vmem>>
    %dma_start3A_219 = arith.constant 0 : i32
    %dma_start3A_220 = tpu.memref_slice %arg3[%dma_start3A_214, %dma_start3A_219] : memref<32x100000xi32, #tpu.memory_space<hbm>> -> memref<1x100000xi32, #tpu.memory_space<hbm>>
    %dma_start3A_221 = tpu.memref_squeeze %dma_start3A_220 : memref<1x100000xi32, #tpu.memory_space<hbm>> -> memref<100000xi32, #tpu.memory_space<hbm>>
    %dma_start3A_222 = arith.constant 0 : i32
    %dma_start3A_223 = tpu.memref_slice %dma_start3A_221[%dma_start3A_222] : memref<100000xi32, #tpu.memory_space<hbm>> -> memref<100000xi32, #tpu.memory_space<hbm>>
    tpu.enqueue_indirect_dma source(%dma_start3A_223 : memref<100000xi32, #tpu.memory_space<hbm>>) target(%dma_start3A_218 : memref<16xi32, #tpu.memory_space<vmem>>) offsets(%get3A_4 : vector<16xi32>) semaphore(%arg7 : memref<!tpu.dma_semaphore, #tpu.memory_space<semaphore_mem>>)
    %dma_start3A_224 = arith.constant 22 : i32
    %dma_start3A_225 = arith.constant 22 : i32
    %dma_start3A_226 = arith.constant 0 : i32
    %dma_start3A_227 = tpu.memref_slice %arg6[%dma_start3A_225, %dma_start3A_226] : memref<32x16xi32, #tpu.memory_space<vmem>> -> memref<1x16xi32, #tpu.memory_space<vmem>>
    %dma_start3A_228 = tpu.memref_squeeze %dma_start3A_227 : memref<1x16xi32, #tpu.memory_space<vmem>> -> memref<16xi32, #tpu.memory_space<vmem>>
    %dma_start3A_229 = arith.constant 0 : i32
    %dma_start3A_230 = tpu.memref_slice %arg3[%dma_start3A_224, %dma_start3A_229] : memref<32x100000xi32, #tpu.memory_space<hbm>> -> memref<1x100000xi32, #tpu.memory_space<hbm>>
    %dma_start3A_231 = tpu.memref_squeeze %dma_start3A_230 : memref<1x100000xi32, #tpu.memory_space<hbm>> -> memref<100000xi32, #tpu.memory_space<hbm>>
    %dma_start3A_232 = arith.constant 0 : i32
    %dma_start3A_233 = tpu.memref_slice %dma_start3A_231[%dma_start3A_232] : memref<100000xi32, #tpu.memory_space<hbm>> -> memref<100000xi32, #tpu.memory_space<hbm>>
    tpu.enqueue_indirect_dma source(%dma_start3A_233 : memref<100000xi32, #tpu.memory_space<hbm>>) target(%dma_start3A_228 : memref<16xi32, #tpu.memory_space<vmem>>) offsets(%get3A_4 : vector<16xi32>) semaphore(%arg7 : memref<!tpu.dma_semaphore, #tpu.memory_space<semaphore_mem>>)
    %dma_start3A_234 = arith.constant 23 : i32
    %dma_start3A_235 = arith.constant 23 : i32
    %dma_start3A_236 = arith.constant 0 : i32
    %dma_start3A_237 = tpu.memref_slice %arg6[%dma_start3A_235, %dma_start3A_236] : memref<32x16xi32, #tpu.memory_space<vmem>> -> memref<1x16xi32, #tpu.memory_space<vmem>>
    %dma_start3A_238 = tpu.memref_squeeze %dma_start3A_237 : memref<1x16xi32, #tpu.memory_space<vmem>> -> memref<16xi32, #tpu.memory_space<vmem>>
    %dma_start3A_239 = arith.constant 0 : i32
    %dma_start3A_240 = tpu.memref_slice %arg3[%dma_start3A_234, %dma_start3A_239] : memref<32x100000xi32, #tpu.memory_space<hbm>> -> memref<1x100000xi32, #tpu.memory_space<hbm>>
    %dma_start3A_241 = tpu.memref_squeeze %dma_start3A_240 : memref<1x100000xi32, #tpu.memory_space<hbm>> -> memref<100000xi32, #tpu.memory_space<hbm>>
    %dma_start3A_242 = arith.constant 0 : i32
    %dma_start3A_243 = tpu.memref_slice %dma_start3A_241[%dma_start3A_242] : memref<100000xi32, #tpu.memory_space<hbm>> -> memref<100000xi32, #tpu.memory_space<hbm>>
    tpu.enqueue_indirect_dma source(%dma_start3A_243 : memref<100000xi32, #tpu.memory_space<hbm>>) target(%dma_start3A_238 : memref<16xi32, #tpu.memory_space<vmem>>) offsets(%get3A_4 : vector<16xi32>) semaphore(%arg7 : memref<!tpu.dma_semaphore, #tpu.memory_space<semaphore_mem>>)
    %dma_start3A_244 = arith.constant 24 : i32
    %dma_start3A_245 = arith.constant 24 : i32
    %dma_start3A_246 = arith.constant 0 : i32
    %dma_start3A_247 = tpu.memref_slice %arg6[%dma_start3A_245, %dma_start3A_246] : memref<32x16xi32, #tpu.memory_space<vmem>> -> memref<1x16xi32, #tpu.memory_space<vmem>>
    %dma_start3A_248 = tpu.memref_squeeze %dma_start3A_247 : memref<1x16xi32, #tpu.memory_space<vmem>> -> memref<16xi32, #tpu.memory_space<vmem>>
    %dma_start3A_249 = arith.constant 0 : i32
    %dma_start3A_250 = tpu.memref_slice %arg3[%dma_start3A_244, %dma_start3A_249] : memref<32x100000xi32, #tpu.memory_space<hbm>> -> memref<1x100000xi32, #tpu.memory_space<hbm>>
    %dma_start3A_251 = tpu.memref_squeeze %dma_start3A_250 : memref<1x100000xi32, #tpu.memory_space<hbm>> -> memref<100000xi32, #tpu.memory_space<hbm>>
    %dma_start3A_252 = arith.constant 0 : i32
    %dma_start3A_253 = tpu.memref_slice %dma_start3A_251[%dma_start3A_252] : memref<100000xi32, #tpu.memory_space<hbm>> -> memref<100000xi32, #tpu.memory_space<hbm>>
    tpu.enqueue_indirect_dma source(%dma_start3A_253 : memref<100000xi32, #tpu.memory_space<hbm>>) target(%dma_start3A_248 : memref<16xi32, #tpu.memory_space<vmem>>) offsets(%get3A_4 : vector<16xi32>) semaphore(%arg7 : memref<!tpu.dma_semaphore, #tpu.memory_space<semaphore_mem>>)
    %dma_start3A_254 = arith.constant 25 : i32
    %dma_start3A_255 = arith.constant 25 : i32
    %dma_start3A_256 = arith.constant 0 : i32
    %dma_start3A_257 = tpu.memref_slice %arg6[%dma_start3A_255, %dma_start3A_256] : memref<32x16xi32, #tpu.memory_space<vmem>> -> memref<1x16xi32, #tpu.memory_space<vmem>>
    %dma_start3A_258 = tpu.memref_squeeze %dma_start3A_257 : memref<1x16xi32, #tpu.memory_space<vmem>> -> memref<16xi32, #tpu.memory_space<vmem>>
    %dma_start3A_259 = arith.constant 0 : i32
    %dma_start3A_260 = tpu.memref_slice %arg3[%dma_start3A_254, %dma_start3A_259] : memref<32x100000xi32, #tpu.memory_space<hbm>> -> memref<1x100000xi32, #tpu.memory_space<hbm>>
    %dma_start3A_261 = tpu.memref_squeeze %dma_start3A_260 : memref<1x100000xi32, #tpu.memory_space<hbm>> -> memref<100000xi32, #tpu.memory_space<hbm>>
    %dma_start3A_262 = arith.constant 0 : i32
    %dma_start3A_263 = tpu.memref_slice %dma_start3A_261[%dma_start3A_262] : memref<100000xi32, #tpu.memory_space<hbm>> -> memref<100000xi32, #tpu.memory_space<hbm>>
    tpu.enqueue_indirect_dma source(%dma_start3A_263 : memref<100000xi32, #tpu.memory_space<hbm>>) target(%dma_start3A_258 : memref<16xi32, #tpu.memory_space<vmem>>) offsets(%get3A_4 : vector<16xi32>) semaphore(%arg7 : memref<!tpu.dma_semaphore, #tpu.memory_space<semaphore_mem>>)
    %dma_start3A_264 = arith.constant 26 : i32
    %dma_start3A_265 = arith.constant 26 : i32
    %dma_start3A_266 = arith.constant 0 : i32
    %dma_start3A_267 = tpu.memref_slice %arg6[%dma_start3A_265, %dma_start3A_266] : memref<32x16xi32, #tpu.memory_space<vmem>> -> memref<1x16xi32, #tpu.memory_space<vmem>>
    %dma_start3A_268 = tpu.memref_squeeze %dma_start3A_267 : memref<1x16xi32, #tpu.memory_space<vmem>> -> memref<16xi32, #tpu.memory_space<vmem>>
    %dma_start3A_269 = arith.constant 0 : i32
    %dma_start3A_270 = tpu.memref_slice %arg3[%dma_start3A_264, %dma_start3A_269] : memref<32x100000xi32, #tpu.memory_space<hbm>> -> memref<1x100000xi32, #tpu.memory_space<hbm>>
    %dma_start3A_271 = tpu.memref_squeeze %dma_start3A_270 : memref<1x100000xi32, #tpu.memory_space<hbm>> -> memref<100000xi32, #tpu.memory_space<hbm>>
    %dma_start3A_272 = arith.constant 0 : i32
    %dma_start3A_273 = tpu.memref_slice %dma_start3A_271[%dma_start3A_272] : memref<100000xi32, #tpu.memory_space<hbm>> -> memref<100000xi32, #tpu.memory_space<hbm>>
    tpu.enqueue_indirect_dma source(%dma_start3A_273 : memref<100000xi32, #tpu.memory_space<hbm>>) target(%dma_start3A_268 : memref<16xi32, #tpu.memory_space<vmem>>) offsets(%get3A_4 : vector<16xi32>) semaphore(%arg7 : memref<!tpu.dma_semaphore, #tpu.memory_space<semaphore_mem>>)
    %dma_start3A_274 = arith.constant 27 : i32
    %dma_start3A_275 = arith.constant 27 : i32
    %dma_start3A_276 = arith.constant 0 : i32
    %dma_start3A_277 = tpu.memref_slice %arg6[%dma_start3A_275, %dma_start3A_276] : memref<32x16xi32, #tpu.memory_space<vmem>> -> memref<1x16xi32, #tpu.memory_space<vmem>>
    %dma_start3A_278 = tpu.memref_squeeze %dma_start3A_277 : memref<1x16xi32, #tpu.memory_space<vmem>> -> memref<16xi32, #tpu.memory_space<vmem>>
    %dma_start3A_279 = arith.constant 0 : i32
    %dma_start3A_280 = tpu.memref_slice %arg3[%dma_start3A_274, %dma_start3A_279] : memref<32x100000xi32, #tpu.memory_space<hbm>> -> memref<1x100000xi32, #tpu.memory_space<hbm>>
    %dma_start3A_281 = tpu.memref_squeeze %dma_start3A_280 : memref<1x100000xi32, #tpu.memory_space<hbm>> -> memref<100000xi32, #tpu.memory_space<hbm>>
    %dma_start3A_282 = arith.constant 0 : i32
    %dma_start3A_283 = tpu.memref_slice %dma_start3A_281[%dma_start3A_282] : memref<100000xi32, #tpu.memory_space<hbm>> -> memref<100000xi32, #tpu.memory_space<hbm>>
    tpu.enqueue_indirect_dma source(%dma_start3A_283 : memref<100000xi32, #tpu.memory_space<hbm>>) target(%dma_start3A_278 : memref<16xi32, #tpu.memory_space<vmem>>) offsets(%get3A_4 : vector<16xi32>) semaphore(%arg7 : memref<!tpu.dma_semaphore, #tpu.memory_space<semaphore_mem>>)
    %dma_start3A_284 = arith.constant 28 : i32
    %dma_start3A_285 = arith.constant 28 : i32
    %dma_start3A_286 = arith.constant 0 : i32
    %dma_start3A_287 = tpu.memref_slice %arg6[%dma_start3A_285, %dma_start3A_286] : memref<32x16xi32, #tpu.memory_space<vmem>> -> memref<1x16xi32, #tpu.memory_space<vmem>>
    %dma_start3A_288 = tpu.memref_squeeze %dma_start3A_287 : memref<1x16xi32, #tpu.memory_space<vmem>> -> memref<16xi32, #tpu.memory_space<vmem>>
    %dma_start3A_289 = arith.constant 0 : i32
    %dma_start3A_290 = tpu.memref_slice %arg3[%dma_start3A_284, %dma_start3A_289] : memref<32x100000xi32, #tpu.memory_space<hbm>> -> memref<1x100000xi32, #tpu.memory_space<hbm>>
    %dma_start3A_291 = tpu.memref_squeeze %dma_start3A_290 : memref<1x100000xi32, #tpu.memory_space<hbm>> -> memref<100000xi32, #tpu.memory_space<hbm>>
    %dma_start3A_292 = arith.constant 0 : i32
    %dma_start3A_293 = tpu.memref_slice %dma_start3A_291[%dma_start3A_292] : memref<100000xi32, #tpu.memory_space<hbm>> -> memref<100000xi32, #tpu.memory_space<hbm>>
    tpu.enqueue_indirect_dma source(%dma_start3A_293 : memref<100000xi32, #tpu.memory_space<hbm>>) target(%dma_start3A_288 : memref<16xi32, #tpu.memory_space<vmem>>) offsets(%get3A_4 : vector<16xi32>) semaphore(%arg7 : memref<!tpu.dma_semaphore, #tpu.memory_space<semaphore_mem>>)
    %dma_start3A_294 = arith.constant 29 : i32
    %dma_start3A_295 = arith.constant 29 : i32
    %dma_start3A_296 = arith.constant 0 : i32
    %dma_start3A_297 = tpu.memref_slice %arg6[%dma_start3A_295, %dma_start3A_296] : memref<32x16xi32, #tpu.memory_space<vmem>> -> memref<1x16xi32, #tpu.memory_space<vmem>>
    %dma_start3A_298 = tpu.memref_squeeze %dma_start3A_297 : memref<1x16xi32, #tpu.memory_space<vmem>> -> memref<16xi32, #tpu.memory_space<vmem>>
    %dma_start3A_299 = arith.constant 0 : i32
    %dma_start3A_300 = tpu.memref_slice %arg3[%dma_start3A_294, %dma_start3A_299] : memref<32x100000xi32, #tpu.memory_space<hbm>> -> memref<1x100000xi32, #tpu.memory_space<hbm>>
    %dma_start3A_301 = tpu.memref_squeeze %dma_start3A_300 : memref<1x100000xi32, #tpu.memory_space<hbm>> -> memref<100000xi32, #tpu.memory_space<hbm>>
    %dma_start3A_302 = arith.constant 0 : i32
    %dma_start3A_303 = tpu.memref_slice %dma_start3A_301[%dma_start3A_302] : memref<100000xi32, #tpu.memory_space<hbm>> -> memref<100000xi32, #tpu.memory_space<hbm>>
    tpu.enqueue_indirect_dma source(%dma_start3A_303 : memref<100000xi32, #tpu.memory_space<hbm>>) target(%dma_start3A_298 : memref<16xi32, #tpu.memory_space<vmem>>) offsets(%get3A_4 : vector<16xi32>) semaphore(%arg7 : memref<!tpu.dma_semaphore, #tpu.memory_space<semaphore_mem>>)
    %dma_start3A_304 = arith.constant 30 : i32
    %dma_start3A_305 = arith.constant 30 : i32
    %dma_start3A_306 = arith.constant 0 : i32
    %dma_start3A_307 = tpu.memref_slice %arg6[%dma_start3A_305, %dma_start3A_306] : memref<32x16xi32, #tpu.memory_space<vmem>> -> memref<1x16xi32, #tpu.memory_space<vmem>>
    %dma_start3A_308 = tpu.memref_squeeze %dma_start3A_307 : memref<1x16xi32, #tpu.memory_space<vmem>> -> memref<16xi32, #tpu.memory_space<vmem>>
    %dma_start3A_309 = arith.constant 0 : i32
    %dma_start3A_310 = tpu.memref_slice %arg3[%dma_start3A_304, %dma_start3A_309] : memref<32x100000xi32, #tpu.memory_space<hbm>> -> memref<1x100000xi32, #tpu.memory_space<hbm>>
    %dma_start3A_311 = tpu.memref_squeeze %dma_start3A_310 : memref<1x100000xi32, #tpu.memory_space<hbm>> -> memref<100000xi32, #tpu.memory_space<hbm>>
    %dma_start3A_312 = arith.constant 0 : i32
    %dma_start3A_313 = tpu.memref_slice %dma_start3A_311[%dma_start3A_312] : memref<100000xi32, #tpu.memory_space<hbm>> -> memref<100000xi32, #tpu.memory_space<hbm>>
    tpu.enqueue_indirect_dma source(%dma_start3A_313 : memref<100000xi32, #tpu.memory_space<hbm>>) target(%dma_start3A_308 : memref<16xi32, #tpu.memory_space<vmem>>) offsets(%get3A_4 : vector<16xi32>) semaphore(%arg7 : memref<!tpu.dma_semaphore, #tpu.memory_space<semaphore_mem>>)
    %dma_start3A_314 = arith.constant 31 : i32
    %dma_start3A_315 = arith.constant 31 : i32
    %dma_start3A_316 = arith.constant 0 : i32
    %dma_start3A_317 = tpu.memref_slice %arg6[%dma_start3A_315, %dma_start3A_316] : memref<32x16xi32, #tpu.memory_space<vmem>> -> memref<1x16xi32, #tpu.memory_space<vmem>>
    %dma_start3A_318 = tpu.memref_squeeze %dma_start3A_317 : memref<1x16xi32, #tpu.memory_space<vmem>> -> memref<16xi32, #tpu.memory_space<vmem>>
    %dma_start3A_319 = arith.constant 0 : i32
    %dma_start3A_320 = tpu.memref_slice %arg3[%dma_start3A_314, %dma_start3A_319] : memref<32x100000xi32, #tpu.memory_space<hbm>> -> memref<1x100000xi32, #tpu.memory_space<hbm>>
    %dma_start3A_321 = tpu.memref_squeeze %dma_start3A_320 : memref<1x100000xi32, #tpu.memory_space<hbm>> -> memref<100000xi32, #tpu.memory_space<hbm>>
    %dma_start3A_322 = arith.constant 0 : i32
    %dma_start3A_323 = tpu.memref_slice %dma_start3A_321[%dma_start3A_322] : memref<100000xi32, #tpu.memory_space<hbm>> -> memref<100000xi32, #tpu.memory_space<hbm>>
    tpu.enqueue_indirect_dma source(%dma_start3A_323 : memref<100000xi32, #tpu.memory_space<hbm>>) target(%dma_start3A_318 : memref<16xi32, #tpu.memory_space<vmem>>) offsets(%get3A_4 : vector<16xi32>) semaphore(%arg7 : memref<!tpu.dma_semaphore, #tpu.memory_space<semaphore_mem>>)
    %dma_wait3A = arith.constant 0 : i32
    %dma_wait3A_324 = arith.constant 0 : i32
    %dma_wait3A_325 = arith.constant 0 : i32
    %dma_wait3A_326 = tpu.memref_slice %arg6[%dma_wait3A_324, %dma_wait3A_325] : memref<32x16xi32, #tpu.memory_space<vmem>> -> memref<1x16xi32, #tpu.memory_space<vmem>>
    %dma_wait3A_327 = tpu.memref_squeeze %dma_wait3A_326 : memref<1x16xi32, #tpu.memory_space<vmem>> -> memref<16xi32, #tpu.memory_space<vmem>>
    %dma_wait3A_328 = arith.constant 0 : i32
    %dma_wait3A_329 = tpu.memref_slice %arg3[%dma_wait3A, %dma_wait3A_328] : memref<32x100000xi32, #tpu.memory_space<hbm>> -> memref<1x100000xi32, #tpu.memory_space<hbm>>
    %dma_wait3A_330 = tpu.memref_squeeze %dma_wait3A_329 : memref<1x100000xi32, #tpu.memory_space<hbm>> -> memref<100000xi32, #tpu.memory_space<hbm>>
    %dma_wait3A_331 = arith.constant 0 : i32
    %dma_wait3A_332 = tpu.memref_slice %dma_wait3A_330[%dma_wait3A_331] : memref<100000xi32, #tpu.memory_space<hbm>> -> memref<100000xi32, #tpu.memory_space<hbm>>
    tpu.wait_indirect_dma semaphore(%arg7 : memref<!tpu.dma_semaphore, #tpu.memory_space<semaphore_mem>>) src(%dma_wait3A_332 : memref<100000xi32, #tpu.memory_space<hbm>>) dst(%dma_wait3A_327 : memref<16xi32, #tpu.memory_space<vmem>>)
    %dma_wait3A_333 = arith.constant 1 : i32
    %dma_wait3A_334 = arith.constant 1 : i32
    %dma_wait3A_335 = arith.constant 0 : i32
    %dma_wait3A_336 = tpu.memref_slice %arg6[%dma_wait3A_334, %dma_wait3A_335] : memref<32x16xi32, #tpu.memory_space<vmem>> -> memref<1x16xi32, #tpu.memory_space<vmem>>
    %dma_wait3A_337 = tpu.memref_squeeze %dma_wait3A_336 : memref<1x16xi32, #tpu.memory_space<vmem>> -> memref<16xi32, #tpu.memory_space<vmem>>
    %dma_wait3A_338 = arith.constant 0 : i32
    %dma_wait3A_339 = tpu.memref_slice %arg3[%dma_wait3A_333, %dma_wait3A_338] : memref<32x100000xi32, #tpu.memory_space<hbm>> -> memref<1x100000xi32, #tpu.memory_space<hbm>>
    %dma_wait3A_340 = tpu.memref_squeeze %dma_wait3A_339 : memref<1x100000xi32, #tpu.memory_space<hbm>> -> memref<100000xi32, #tpu.memory_space<hbm>>
    %dma_wait3A_341 = arith.constant 0 : i32
    %dma_wait3A_342 = tpu.memref_slice %dma_wait3A_340[%dma_wait3A_341] : memref<100000xi32, #tpu.memory_space<hbm>> -> memref<100000xi32, #tpu.memory_space<hbm>>
    tpu.wait_indirect_dma semaphore(%arg7 : memref<!tpu.dma_semaphore, #tpu.memory_space<semaphore_mem>>) src(%dma_wait3A_342 : memref<100000xi32, #tpu.memory_space<hbm>>) dst(%dma_wait3A_337 : memref<16xi32, #tpu.memory_space<vmem>>)
    %dma_wait3A_343 = arith.constant 2 : i32
    %dma_wait3A_344 = arith.constant 2 : i32
    %dma_wait3A_345 = arith.constant 0 : i32
    %dma_wait3A_346 = tpu.memref_slice %arg6[%dma_wait3A_344, %dma_wait3A_345] : memref<32x16xi32, #tpu.memory_space<vmem>> -> memref<1x16xi32, #tpu.memory_space<vmem>>
    %dma_wait3A_347 = tpu.memref_squeeze %dma_wait3A_346 : memref<1x16xi32, #tpu.memory_space<vmem>> -> memref<16xi32, #tpu.memory_space<vmem>>
    %dma_wait3A_348 = arith.constant 0 : i32
    %dma_wait3A_349 = tpu.memref_slice %arg3[%dma_wait3A_343, %dma_wait3A_348] : memref<32x100000xi32, #tpu.memory_space<hbm>> -> memref<1x100000xi32, #tpu.memory_space<hbm>>
    %dma_wait3A_350 = tpu.memref_squeeze %dma_wait3A_349 : memref<1x100000xi32, #tpu.memory_space<hbm>> -> memref<100000xi32, #tpu.memory_space<hbm>>
    %dma_wait3A_351 = arith.constant 0 : i32
    %dma_wait3A_352 = tpu.memref_slice %dma_wait3A_350[%dma_wait3A_351] : memref<100000xi32, #tpu.memory_space<hbm>> -> memref<100000xi32, #tpu.memory_space<hbm>>
    tpu.wait_indirect_dma semaphore(%arg7 : memref<!tpu.dma_semaphore, #tpu.memory_space<semaphore_mem>>) src(%dma_wait3A_352 : memref<100000xi32, #tpu.memory_space<hbm>>) dst(%dma_wait3A_347 : memref<16xi32, #tpu.memory_space<vmem>>)
    %dma_wait3A_353 = arith.constant 3 : i32
    %dma_wait3A_354 = arith.constant 3 : i32
    %dma_wait3A_355 = arith.constant 0 : i32
    %dma_wait3A_356 = tpu.memref_slice %arg6[%dma_wait3A_354, %dma_wait3A_355] : memref<32x16xi32, #tpu.memory_space<vmem>> -> memref<1x16xi32, #tpu.memory_space<vmem>>
    %dma_wait3A_357 = tpu.memref_squeeze %dma_wait3A_356 : memref<1x16xi32, #tpu.memory_space<vmem>> -> memref<16xi32, #tpu.memory_space<vmem>>
    %dma_wait3A_358 = arith.constant 0 : i32
    %dma_wait3A_359 = tpu.memref_slice %arg3[%dma_wait3A_353, %dma_wait3A_358] : memref<32x100000xi32, #tpu.memory_space<hbm>> -> memref<1x100000xi32, #tpu.memory_space<hbm>>
    %dma_wait3A_360 = tpu.memref_squeeze %dma_wait3A_359 : memref<1x100000xi32, #tpu.memory_space<hbm>> -> memref<100000xi32, #tpu.memory_space<hbm>>
    %dma_wait3A_361 = arith.constant 0 : i32
    %dma_wait3A_362 = tpu.memref_slice %dma_wait3A_360[%dma_wait3A_361] : memref<100000xi32, #tpu.memory_space<hbm>> -> memref<100000xi32, #tpu.memory_space<hbm>>
    tpu.wait_indirect_dma semaphore(%arg7 : memref<!tpu.dma_semaphore, #tpu.memory_space<semaphore_mem>>) src(%dma_wait3A_362 : memref<100000xi32, #tpu.memory_space<hbm>>) dst(%dma_wait3A_357 : memref<16xi32, #tpu.memory_space<vmem>>)
    %dma_wait3A_363 = arith.constant 4 : i32
    %dma_wait3A_364 = arith.constant 4 : i32
    %dma_wait3A_365 = arith.constant 0 : i32
    %dma_wait3A_366 = tpu.memref_slice %arg6[%dma_wait3A_364, %dma_wait3A_365] : memref<32x16xi32, #tpu.memory_space<vmem>> -> memref<1x16xi32, #tpu.memory_space<vmem>>
    %dma_wait3A_367 = tpu.memref_squeeze %dma_wait3A_366 : memref<1x16xi32, #tpu.memory_space<vmem>> -> memref<16xi32, #tpu.memory_space<vmem>>
    %dma_wait3A_368 = arith.constant 0 : i32
    %dma_wait3A_369 = tpu.memref_slice %arg3[%dma_wait3A_363, %dma_wait3A_368] : memref<32x100000xi32, #tpu.memory_space<hbm>> -> memref<1x100000xi32, #tpu.memory_space<hbm>>
    %dma_wait3A_370 = tpu.memref_squeeze %dma_wait3A_369 : memref<1x100000xi32, #tpu.memory_space<hbm>> -> memref<100000xi32, #tpu.memory_space<hbm>>
    %dma_wait3A_371 = arith.constant 0 : i32
    %dma_wait3A_372 = tpu.memref_slice %dma_wait3A_370[%dma_wait3A_371] : memref<100000xi32, #tpu.memory_space<hbm>> -> memref<100000xi32, #tpu.memory_space<hbm>>
    tpu.wait_indirect_dma semaphore(%arg7 : memref<!tpu.dma_semaphore, #tpu.memory_space<semaphore_mem>>) src(%dma_wait3A_372 : memref<100000xi32, #tpu.memory_space<hbm>>) dst(%dma_wait3A_367 : memref<16xi32, #tpu.memory_space<vmem>>)
    %dma_wait3A_373 = arith.constant 5 : i32
    %dma_wait3A_374 = arith.constant 5 : i32
    %dma_wait3A_375 = arith.constant 0 : i32
    %dma_wait3A_376 = tpu.memref_slice %arg6[%dma_wait3A_374, %dma_wait3A_375] : memref<32x16xi32, #tpu.memory_space<vmem>> -> memref<1x16xi32, #tpu.memory_space<vmem>>
    %dma_wait3A_377 = tpu.memref_squeeze %dma_wait3A_376 : memref<1x16xi32, #tpu.memory_space<vmem>> -> memref<16xi32, #tpu.memory_space<vmem>>
    %dma_wait3A_378 = arith.constant 0 : i32
    %dma_wait3A_379 = tpu.memref_slice %arg3[%dma_wait3A_373, %dma_wait3A_378] : memref<32x100000xi32, #tpu.memory_space<hbm>> -> memref<1x100000xi32, #tpu.memory_space<hbm>>
    %dma_wait3A_380 = tpu.memref_squeeze %dma_wait3A_379 : memref<1x100000xi32, #tpu.memory_space<hbm>> -> memref<100000xi32, #tpu.memory_space<hbm>>
    %dma_wait3A_381 = arith.constant 0 : i32
    %dma_wait3A_382 = tpu.memref_slice %dma_wait3A_380[%dma_wait3A_381] : memref<100000xi32, #tpu.memory_space<hbm>> -> memref<100000xi32, #tpu.memory_space<hbm>>
    tpu.wait_indirect_dma semaphore(%arg7 : memref<!tpu.dma_semaphore, #tpu.memory_space<semaphore_mem>>) src(%dma_wait3A_382 : memref<100000xi32, #tpu.memory_space<hbm>>) dst(%dma_wait3A_377 : memref<16xi32, #tpu.memory_space<vmem>>)
    %dma_wait3A_383 = arith.constant 6 : i32
    %dma_wait3A_384 = arith.constant 6 : i32
    %dma_wait3A_385 = arith.constant 0 : i32
    %dma_wait3A_386 = tpu.memref_slice %arg6[%dma_wait3A_384, %dma_wait3A_385] : memref<32x16xi32, #tpu.memory_space<vmem>> -> memref<1x16xi32, #tpu.memory_space<vmem>>
    %dma_wait3A_387 = tpu.memref_squeeze %dma_wait3A_386 : memref<1x16xi32, #tpu.memory_space<vmem>> -> memref<16xi32, #tpu.memory_space<vmem>>
    %dma_wait3A_388 = arith.constant 0 : i32
    %dma_wait3A_389 = tpu.memref_slice %arg3[%dma_wait3A_383, %dma_wait3A_388] : memref<32x100000xi32, #tpu.memory_space<hbm>> -> memref<1x100000xi32, #tpu.memory_space<hbm>>
    %dma_wait3A_390 = tpu.memref_squeeze %dma_wait3A_389 : memref<1x100000xi32, #tpu.memory_space<hbm>> -> memref<100000xi32, #tpu.memory_space<hbm>>
    %dma_wait3A_391 = arith.constant 0 : i32
    %dma_wait3A_392 = tpu.memref_slice %dma_wait3A_390[%dma_wait3A_391] : memref<100000xi32, #tpu.memory_space<hbm>> -> memref<100000xi32, #tpu.memory_space<hbm>>
    tpu.wait_indirect_dma semaphore(%arg7 : memref<!tpu.dma_semaphore, #tpu.memory_space<semaphore_mem>>) src(%dma_wait3A_392 : memref<100000xi32, #tpu.memory_space<hbm>>) dst(%dma_wait3A_387 : memref<16xi32, #tpu.memory_space<vmem>>)
    %dma_wait3A_393 = arith.constant 7 : i32
    %dma_wait3A_394 = arith.constant 7 : i32
    %dma_wait3A_395 = arith.constant 0 : i32
    %dma_wait3A_396 = tpu.memref_slice %arg6[%dma_wait3A_394, %dma_wait3A_395] : memref<32x16xi32, #tpu.memory_space<vmem>> -> memref<1x16xi32, #tpu.memory_space<vmem>>
    %dma_wait3A_397 = tpu.memref_squeeze %dma_wait3A_396 : memref<1x16xi32, #tpu.memory_space<vmem>> -> memref<16xi32, #tpu.memory_space<vmem>>
    %dma_wait3A_398 = arith.constant 0 : i32
    %dma_wait3A_399 = tpu.memref_slice %arg3[%dma_wait3A_393, %dma_wait3A_398] : memref<32x100000xi32, #tpu.memory_space<hbm>> -> memref<1x100000xi32, #tpu.memory_space<hbm>>
    %dma_wait3A_400 = tpu.memref_squeeze %dma_wait3A_399 : memref<1x100000xi32, #tpu.memory_space<hbm>> -> memref<100000xi32, #tpu.memory_space<hbm>>
    %dma_wait3A_401 = arith.constant 0 : i32
    %dma_wait3A_402 = tpu.memref_slice %dma_wait3A_400[%dma_wait3A_401] : memref<100000xi32, #tpu.memory_space<hbm>> -> memref<100000xi32, #tpu.memory_space<hbm>>
    tpu.wait_indirect_dma semaphore(%arg7 : memref<!tpu.dma_semaphore, #tpu.memory_space<semaphore_mem>>) src(%dma_wait3A_402 : memref<100000xi32, #tpu.memory_space<hbm>>) dst(%dma_wait3A_397 : memref<16xi32, #tpu.memory_space<vmem>>)
    %dma_wait3A_403 = arith.constant 8 : i32
    %dma_wait3A_404 = arith.constant 8 : i32
    %dma_wait3A_405 = arith.constant 0 : i32
    %dma_wait3A_406 = tpu.memref_slice %arg6[%dma_wait3A_404, %dma_wait3A_405] : memref<32x16xi32, #tpu.memory_space<vmem>> -> memref<1x16xi32, #tpu.memory_space<vmem>>
    %dma_wait3A_407 = tpu.memref_squeeze %dma_wait3A_406 : memref<1x16xi32, #tpu.memory_space<vmem>> -> memref<16xi32, #tpu.memory_space<vmem>>
    %dma_wait3A_408 = arith.constant 0 : i32
    %dma_wait3A_409 = tpu.memref_slice %arg3[%dma_wait3A_403, %dma_wait3A_408] : memref<32x100000xi32, #tpu.memory_space<hbm>> -> memref<1x100000xi32, #tpu.memory_space<hbm>>
    %dma_wait3A_410 = tpu.memref_squeeze %dma_wait3A_409 : memref<1x100000xi32, #tpu.memory_space<hbm>> -> memref<100000xi32, #tpu.memory_space<hbm>>
    %dma_wait3A_411 = arith.constant 0 : i32
    %dma_wait3A_412 = tpu.memref_slice %dma_wait3A_410[%dma_wait3A_411] : memref<100000xi32, #tpu.memory_space<hbm>> -> memref<100000xi32, #tpu.memory_space<hbm>>
    tpu.wait_indirect_dma semaphore(%arg7 : memref<!tpu.dma_semaphore, #tpu.memory_space<semaphore_mem>>) src(%dma_wait3A_412 : memref<100000xi32, #tpu.memory_space<hbm>>) dst(%dma_wait3A_407 : memref<16xi32, #tpu.memory_space<vmem>>)
    %dma_wait3A_413 = arith.constant 9 : i32
    %dma_wait3A_414 = arith.constant 9 : i32
    %dma_wait3A_415 = arith.constant 0 : i32
    %dma_wait3A_416 = tpu.memref_slice %arg6[%dma_wait3A_414, %dma_wait3A_415] : memref<32x16xi32, #tpu.memory_space<vmem>> -> memref<1x16xi32, #tpu.memory_space<vmem>>
    %dma_wait3A_417 = tpu.memref_squeeze %dma_wait3A_416 : memref<1x16xi32, #tpu.memory_space<vmem>> -> memref<16xi32, #tpu.memory_space<vmem>>
    %dma_wait3A_418 = arith.constant 0 : i32
    %dma_wait3A_419 = tpu.memref_slice %arg3[%dma_wait3A_413, %dma_wait3A_418] : memref<32x100000xi32, #tpu.memory_space<hbm>> -> memref<1x100000xi32, #tpu.memory_space<hbm>>
    %dma_wait3A_420 = tpu.memref_squeeze %dma_wait3A_419 : memref<1x100000xi32, #tpu.memory_space<hbm>> -> memref<100000xi32, #tpu.memory_space<hbm>>
    %dma_wait3A_421 = arith.constant 0 : i32
    %dma_wait3A_422 = tpu.memref_slice %dma_wait3A_420[%dma_wait3A_421] : memref<100000xi32, #tpu.memory_space<hbm>> -> memref<100000xi32, #tpu.memory_space<hbm>>
    tpu.wait_indirect_dma semaphore(%arg7 : memref<!tpu.dma_semaphore, #tpu.memory_space<semaphore_mem>>) src(%dma_wait3A_422 : memref<100000xi32, #tpu.memory_space<hbm>>) dst(%dma_wait3A_417 : memref<16xi32, #tpu.memory_space<vmem>>)
    %dma_wait3A_423 = arith.constant 10 : i32
    %dma_wait3A_424 = arith.constant 10 : i32
    %dma_wait3A_425 = arith.constant 0 : i32
    %dma_wait3A_426 = tpu.memref_slice %arg6[%dma_wait3A_424, %dma_wait3A_425] : memref<32x16xi32, #tpu.memory_space<vmem>> -> memref<1x16xi32, #tpu.memory_space<vmem>>
    %dma_wait3A_427 = tpu.memref_squeeze %dma_wait3A_426 : memref<1x16xi32, #tpu.memory_space<vmem>> -> memref<16xi32, #tpu.memory_space<vmem>>
    %dma_wait3A_428 = arith.constant 0 : i32
    %dma_wait3A_429 = tpu.memref_slice %arg3[%dma_wait3A_423, %dma_wait3A_428] : memref<32x100000xi32, #tpu.memory_space<hbm>> -> memref<1x100000xi32, #tpu.memory_space<hbm>>
    %dma_wait3A_430 = tpu.memref_squeeze %dma_wait3A_429 : memref<1x100000xi32, #tpu.memory_space<hbm>> -> memref<100000xi32, #tpu.memory_space<hbm>>
    %dma_wait3A_431 = arith.constant 0 : i32
    %dma_wait3A_432 = tpu.memref_slice %dma_wait3A_430[%dma_wait3A_431] : memref<100000xi32, #tpu.memory_space<hbm>> -> memref<100000xi32, #tpu.memory_space<hbm>>
    tpu.wait_indirect_dma semaphore(%arg7 : memref<!tpu.dma_semaphore, #tpu.memory_space<semaphore_mem>>) src(%dma_wait3A_432 : memref<100000xi32, #tpu.memory_space<hbm>>) dst(%dma_wait3A_427 : memref<16xi32, #tpu.memory_space<vmem>>)
    %dma_wait3A_433 = arith.constant 11 : i32
    %dma_wait3A_434 = arith.constant 11 : i32
    %dma_wait3A_435 = arith.constant 0 : i32
    %dma_wait3A_436 = tpu.memref_slice %arg6[%dma_wait3A_434, %dma_wait3A_435] : memref<32x16xi32, #tpu.memory_space<vmem>> -> memref<1x16xi32, #tpu.memory_space<vmem>>
    %dma_wait3A_437 = tpu.memref_squeeze %dma_wait3A_436 : memref<1x16xi32, #tpu.memory_space<vmem>> -> memref<16xi32, #tpu.memory_space<vmem>>
    %dma_wait3A_438 = arith.constant 0 : i32
    %dma_wait3A_439 = tpu.memref_slice %arg3[%dma_wait3A_433, %dma_wait3A_438] : memref<32x100000xi32, #tpu.memory_space<hbm>> -> memref<1x100000xi32, #tpu.memory_space<hbm>>
    %dma_wait3A_440 = tpu.memref_squeeze %dma_wait3A_439 : memref<1x100000xi32, #tpu.memory_space<hbm>> -> memref<100000xi32, #tpu.memory_space<hbm>>
    %dma_wait3A_441 = arith.constant 0 : i32
    %dma_wait3A_442 = tpu.memref_slice %dma_wait3A_440[%dma_wait3A_441] : memref<100000xi32, #tpu.memory_space<hbm>> -> memref<100000xi32, #tpu.memory_space<hbm>>
    tpu.wait_indirect_dma semaphore(%arg7 : memref<!tpu.dma_semaphore, #tpu.memory_space<semaphore_mem>>) src(%dma_wait3A_442 : memref<100000xi32, #tpu.memory_space<hbm>>) dst(%dma_wait3A_437 : memref<16xi32, #tpu.memory_space<vmem>>)
    %dma_wait3A_443 = arith.constant 12 : i32
    %dma_wait3A_444 = arith.constant 12 : i32
    %dma_wait3A_445 = arith.constant 0 : i32
    %dma_wait3A_446 = tpu.memref_slice %arg6[%dma_wait3A_444, %dma_wait3A_445] : memref<32x16xi32, #tpu.memory_space<vmem>> -> memref<1x16xi32, #tpu.memory_space<vmem>>
    %dma_wait3A_447 = tpu.memref_squeeze %dma_wait3A_446 : memref<1x16xi32, #tpu.memory_space<vmem>> -> memref<16xi32, #tpu.memory_space<vmem>>
    %dma_wait3A_448 = arith.constant 0 : i32
    %dma_wait3A_449 = tpu.memref_slice %arg3[%dma_wait3A_443, %dma_wait3A_448] : memref<32x100000xi32, #tpu.memory_space<hbm>> -> memref<1x100000xi32, #tpu.memory_space<hbm>>
    %dma_wait3A_450 = tpu.memref_squeeze %dma_wait3A_449 : memref<1x100000xi32, #tpu.memory_space<hbm>> -> memref<100000xi32, #tpu.memory_space<hbm>>
    %dma_wait3A_451 = arith.constant 0 : i32
    %dma_wait3A_452 = tpu.memref_slice %dma_wait3A_450[%dma_wait3A_451] : memref<100000xi32, #tpu.memory_space<hbm>> -> memref<100000xi32, #tpu.memory_space<hbm>>
    tpu.wait_indirect_dma semaphore(%arg7 : memref<!tpu.dma_semaphore, #tpu.memory_space<semaphore_mem>>) src(%dma_wait3A_452 : memref<100000xi32, #tpu.memory_space<hbm>>) dst(%dma_wait3A_447 : memref<16xi32, #tpu.memory_space<vmem>>)
    %dma_wait3A_453 = arith.constant 13 : i32
    %dma_wait3A_454 = arith.constant 13 : i32
    %dma_wait3A_455 = arith.constant 0 : i32
    %dma_wait3A_456 = tpu.memref_slice %arg6[%dma_wait3A_454, %dma_wait3A_455] : memref<32x16xi32, #tpu.memory_space<vmem>> -> memref<1x16xi32, #tpu.memory_space<vmem>>
    %dma_wait3A_457 = tpu.memref_squeeze %dma_wait3A_456 : memref<1x16xi32, #tpu.memory_space<vmem>> -> memref<16xi32, #tpu.memory_space<vmem>>
    %dma_wait3A_458 = arith.constant 0 : i32
    %dma_wait3A_459 = tpu.memref_slice %arg3[%dma_wait3A_453, %dma_wait3A_458] : memref<32x100000xi32, #tpu.memory_space<hbm>> -> memref<1x100000xi32, #tpu.memory_space<hbm>>
    %dma_wait3A_460 = tpu.memref_squeeze %dma_wait3A_459 : memref<1x100000xi32, #tpu.memory_space<hbm>> -> memref<100000xi32, #tpu.memory_space<hbm>>
    %dma_wait3A_461 = arith.constant 0 : i32
    %dma_wait3A_462 = tpu.memref_slice %dma_wait3A_460[%dma_wait3A_461] : memref<100000xi32, #tpu.memory_space<hbm>> -> memref<100000xi32, #tpu.memory_space<hbm>>
    tpu.wait_indirect_dma semaphore(%arg7 : memref<!tpu.dma_semaphore, #tpu.memory_space<semaphore_mem>>) src(%dma_wait3A_462 : memref<100000xi32, #tpu.memory_space<hbm>>) dst(%dma_wait3A_457 : memref<16xi32, #tpu.memory_space<vmem>>)
    %dma_wait3A_463 = arith.constant 14 : i32
    %dma_wait3A_464 = arith.constant 14 : i32
    %dma_wait3A_465 = arith.constant 0 : i32
    %dma_wait3A_466 = tpu.memref_slice %arg6[%dma_wait3A_464, %dma_wait3A_465] : memref<32x16xi32, #tpu.memory_space<vmem>> -> memref<1x16xi32, #tpu.memory_space<vmem>>
    %dma_wait3A_467 = tpu.memref_squeeze %dma_wait3A_466 : memref<1x16xi32, #tpu.memory_space<vmem>> -> memref<16xi32, #tpu.memory_space<vmem>>
    %dma_wait3A_468 = arith.constant 0 : i32
    %dma_wait3A_469 = tpu.memref_slice %arg3[%dma_wait3A_463, %dma_wait3A_468] : memref<32x100000xi32, #tpu.memory_space<hbm>> -> memref<1x100000xi32, #tpu.memory_space<hbm>>
    %dma_wait3A_470 = tpu.memref_squeeze %dma_wait3A_469 : memref<1x100000xi32, #tpu.memory_space<hbm>> -> memref<100000xi32, #tpu.memory_space<hbm>>
    %dma_wait3A_471 = arith.constant 0 : i32
    %dma_wait3A_472 = tpu.memref_slice %dma_wait3A_470[%dma_wait3A_471] : memref<100000xi32, #tpu.memory_space<hbm>> -> memref<100000xi32, #tpu.memory_space<hbm>>
    tpu.wait_indirect_dma semaphore(%arg7 : memref<!tpu.dma_semaphore, #tpu.memory_space<semaphore_mem>>) src(%dma_wait3A_472 : memref<100000xi32, #tpu.memory_space<hbm>>) dst(%dma_wait3A_467 : memref<16xi32, #tpu.memory_space<vmem>>)
    %dma_wait3A_473 = arith.constant 15 : i32
    %dma_wait3A_474 = arith.constant 15 : i32
    %dma_wait3A_475 = arith.constant 0 : i32
    %dma_wait3A_476 = tpu.memref_slice %arg6[%dma_wait3A_474, %dma_wait3A_475] : memref<32x16xi32, #tpu.memory_space<vmem>> -> memref<1x16xi32, #tpu.memory_space<vmem>>
    %dma_wait3A_477 = tpu.memref_squeeze %dma_wait3A_476 : memref<1x16xi32, #tpu.memory_space<vmem>> -> memref<16xi32, #tpu.memory_space<vmem>>
    %dma_wait3A_478 = arith.constant 0 : i32
    %dma_wait3A_479 = tpu.memref_slice %arg3[%dma_wait3A_473, %dma_wait3A_478] : memref<32x100000xi32, #tpu.memory_space<hbm>> -> memref<1x100000xi32, #tpu.memory_space<hbm>>
    %dma_wait3A_480 = tpu.memref_squeeze %dma_wait3A_479 : memref<1x100000xi32, #tpu.memory_space<hbm>> -> memref<100000xi32, #tpu.memory_space<hbm>>
    %dma_wait3A_481 = arith.constant 0 : i32
    %dma_wait3A_482 = tpu.memref_slice %dma_wait3A_480[%dma_wait3A_481] : memref<100000xi32, #tpu.memory_space<hbm>> -> memref<100000xi32, #tpu.memory_space<hbm>>
    tpu.wait_indirect_dma semaphore(%arg7 : memref<!tpu.dma_semaphore, #tpu.memory_space<semaphore_mem>>) src(%dma_wait3A_482 : memref<100000xi32, #tpu.memory_space<hbm>>) dst(%dma_wait3A_477 : memref<16xi32, #tpu.memory_space<vmem>>)
    %dma_wait3A_483 = arith.constant 16 : i32
    %dma_wait3A_484 = arith.constant 16 : i32
    %dma_wait3A_485 = arith.constant 0 : i32
    %dma_wait3A_486 = tpu.memref_slice %arg6[%dma_wait3A_484, %dma_wait3A_485] : memref<32x16xi32, #tpu.memory_space<vmem>> -> memref<1x16xi32, #tpu.memory_space<vmem>>
    %dma_wait3A_487 = tpu.memref_squeeze %dma_wait3A_486 : memref<1x16xi32, #tpu.memory_space<vmem>> -> memref<16xi32, #tpu.memory_space<vmem>>
    %dma_wait3A_488 = arith.constant 0 : i32
    %dma_wait3A_489 = tpu.memref_slice %arg3[%dma_wait3A_483, %dma_wait3A_488] : memref<32x100000xi32, #tpu.memory_space<hbm>> -> memref<1x100000xi32, #tpu.memory_space<hbm>>
    %dma_wait3A_490 = tpu.memref_squeeze %dma_wait3A_489 : memref<1x100000xi32, #tpu.memory_space<hbm>> -> memref<100000xi32, #tpu.memory_space<hbm>>
    %dma_wait3A_491 = arith.constant 0 : i32
    %dma_wait3A_492 = tpu.memref_slice %dma_wait3A_490[%dma_wait3A_491] : memref<100000xi32, #tpu.memory_space<hbm>> -> memref<100000xi32, #tpu.memory_space<hbm>>
    tpu.wait_indirect_dma semaphore(%arg7 : memref<!tpu.dma_semaphore, #tpu.memory_space<semaphore_mem>>) src(%dma_wait3A_492 : memref<100000xi32, #tpu.memory_space<hbm>>) dst(%dma_wait3A_487 : memref<16xi32, #tpu.memory_space<vmem>>)
    %dma_wait3A_493 = arith.constant 17 : i32
    %dma_wait3A_494 = arith.constant 17 : i32
    %dma_wait3A_495 = arith.constant 0 : i32
    %dma_wait3A_496 = tpu.memref_slice %arg6[%dma_wait3A_494, %dma_wait3A_495] : memref<32x16xi32, #tpu.memory_space<vmem>> -> memref<1x16xi32, #tpu.memory_space<vmem>>
    %dma_wait3A_497 = tpu.memref_squeeze %dma_wait3A_496 : memref<1x16xi32, #tpu.memory_space<vmem>> -> memref<16xi32, #tpu.memory_space<vmem>>
    %dma_wait3A_498 = arith.constant 0 : i32
    %dma_wait3A_499 = tpu.memref_slice %arg3[%dma_wait3A_493, %dma_wait3A_498] : memref<32x100000xi32, #tpu.memory_space<hbm>> -> memref<1x100000xi32, #tpu.memory_space<hbm>>
    %dma_wait3A_500 = tpu.memref_squeeze %dma_wait3A_499 : memref<1x100000xi32, #tpu.memory_space<hbm>> -> memref<100000xi32, #tpu.memory_space<hbm>>
    %dma_wait3A_501 = arith.constant 0 : i32
    %dma_wait3A_502 = tpu.memref_slice %dma_wait3A_500[%dma_wait3A_501] : memref<100000xi32, #tpu.memory_space<hbm>> -> memref<100000xi32, #tpu.memory_space<hbm>>
    tpu.wait_indirect_dma semaphore(%arg7 : memref<!tpu.dma_semaphore, #tpu.memory_space<semaphore_mem>>) src(%dma_wait3A_502 : memref<100000xi32, #tpu.memory_space<hbm>>) dst(%dma_wait3A_497 : memref<16xi32, #tpu.memory_space<vmem>>)
    %dma_wait3A_503 = arith.constant 18 : i32
    %dma_wait3A_504 = arith.constant 18 : i32
    %dma_wait3A_505 = arith.constant 0 : i32
    %dma_wait3A_506 = tpu.memref_slice %arg6[%dma_wait3A_504, %dma_wait3A_505] : memref<32x16xi32, #tpu.memory_space<vmem>> -> memref<1x16xi32, #tpu.memory_space<vmem>>
    %dma_wait3A_507 = tpu.memref_squeeze %dma_wait3A_506 : memref<1x16xi32, #tpu.memory_space<vmem>> -> memref<16xi32, #tpu.memory_space<vmem>>
    %dma_wait3A_508 = arith.constant 0 : i32
    %dma_wait3A_509 = tpu.memref_slice %arg3[%dma_wait3A_503, %dma_wait3A_508] : memref<32x100000xi32, #tpu.memory_space<hbm>> -> memref<1x100000xi32, #tpu.memory_space<hbm>>
    %dma_wait3A_510 = tpu.memref_squeeze %dma_wait3A_509 : memref<1x100000xi32, #tpu.memory_space<hbm>> -> memref<100000xi32, #tpu.memory_space<hbm>>
    %dma_wait3A_511 = arith.constant 0 : i32
    %dma_wait3A_512 = tpu.memref_slice %dma_wait3A_510[%dma_wait3A_511] : memref<100000xi32, #tpu.memory_space<hbm>> -> memref<100000xi32, #tpu.memory_space<hbm>>
    tpu.wait_indirect_dma semaphore(%arg7 : memref<!tpu.dma_semaphore, #tpu.memory_space<semaphore_mem>>) src(%dma_wait3A_512 : memref<100000xi32, #tpu.memory_space<hbm>>) dst(%dma_wait3A_507 : memref<16xi32, #tpu.memory_space<vmem>>)
    %dma_wait3A_513 = arith.constant 19 : i32
    %dma_wait3A_514 = arith.constant 19 : i32
    %dma_wait3A_515 = arith.constant 0 : i32
    %dma_wait3A_516 = tpu.memref_slice %arg6[%dma_wait3A_514, %dma_wait3A_515] : memref<32x16xi32, #tpu.memory_space<vmem>> -> memref<1x16xi32, #tpu.memory_space<vmem>>
    %dma_wait3A_517 = tpu.memref_squeeze %dma_wait3A_516 : memref<1x16xi32, #tpu.memory_space<vmem>> -> memref<16xi32, #tpu.memory_space<vmem>>
    %dma_wait3A_518 = arith.constant 0 : i32
    %dma_wait3A_519 = tpu.memref_slice %arg3[%dma_wait3A_513, %dma_wait3A_518] : memref<32x100000xi32, #tpu.memory_space<hbm>> -> memref<1x100000xi32, #tpu.memory_space<hbm>>
    %dma_wait3A_520 = tpu.memref_squeeze %dma_wait3A_519 : memref<1x100000xi32, #tpu.memory_space<hbm>> -> memref<100000xi32, #tpu.memory_space<hbm>>
    %dma_wait3A_521 = arith.constant 0 : i32
    %dma_wait3A_522 = tpu.memref_slice %dma_wait3A_520[%dma_wait3A_521] : memref<100000xi32, #tpu.memory_space<hbm>> -> memref<100000xi32, #tpu.memory_space<hbm>>
    tpu.wait_indirect_dma semaphore(%arg7 : memref<!tpu.dma_semaphore, #tpu.memory_space<semaphore_mem>>) src(%dma_wait3A_522 : memref<100000xi32, #tpu.memory_space<hbm>>) dst(%dma_wait3A_517 : memref<16xi32, #tpu.memory_space<vmem>>)
    %dma_wait3A_523 = arith.constant 20 : i32
    %dma_wait3A_524 = arith.constant 20 : i32
    %dma_wait3A_525 = arith.constant 0 : i32
    %dma_wait3A_526 = tpu.memref_slice %arg6[%dma_wait3A_524, %dma_wait3A_525] : memref<32x16xi32, #tpu.memory_space<vmem>> -> memref<1x16xi32, #tpu.memory_space<vmem>>
    %dma_wait3A_527 = tpu.memref_squeeze %dma_wait3A_526 : memref<1x16xi32, #tpu.memory_space<vmem>> -> memref<16xi32, #tpu.memory_space<vmem>>
    %dma_wait3A_528 = arith.constant 0 : i32
    %dma_wait3A_529 = tpu.memref_slice %arg3[%dma_wait3A_523, %dma_wait3A_528] : memref<32x100000xi32, #tpu.memory_space<hbm>> -> memref<1x100000xi32, #tpu.memory_space<hbm>>
    %dma_wait3A_530 = tpu.memref_squeeze %dma_wait3A_529 : memref<1x100000xi32, #tpu.memory_space<hbm>> -> memref<100000xi32, #tpu.memory_space<hbm>>
    %dma_wait3A_531 = arith.constant 0 : i32
    %dma_wait3A_532 = tpu.memref_slice %dma_wait3A_530[%dma_wait3A_531] : memref<100000xi32, #tpu.memory_space<hbm>> -> memref<100000xi32, #tpu.memory_space<hbm>>
    tpu.wait_indirect_dma semaphore(%arg7 : memref<!tpu.dma_semaphore, #tpu.memory_space<semaphore_mem>>) src(%dma_wait3A_532 : memref<100000xi32, #tpu.memory_space<hbm>>) dst(%dma_wait3A_527 : memref<16xi32, #tpu.memory_space<vmem>>)
    %dma_wait3A_533 = arith.constant 21 : i32
    %dma_wait3A_534 = arith.constant 21 : i32
    %dma_wait3A_535 = arith.constant 0 : i32
    %dma_wait3A_536 = tpu.memref_slice %arg6[%dma_wait3A_534, %dma_wait3A_535] : memref<32x16xi32, #tpu.memory_space<vmem>> -> memref<1x16xi32, #tpu.memory_space<vmem>>
    %dma_wait3A_537 = tpu.memref_squeeze %dma_wait3A_536 : memref<1x16xi32, #tpu.memory_space<vmem>> -> memref<16xi32, #tpu.memory_space<vmem>>
    %dma_wait3A_538 = arith.constant 0 : i32
    %dma_wait3A_539 = tpu.memref_slice %arg3[%dma_wait3A_533, %dma_wait3A_538] : memref<32x100000xi32, #tpu.memory_space<hbm>> -> memref<1x100000xi32, #tpu.memory_space<hbm>>
    %dma_wait3A_540 = tpu.memref_squeeze %dma_wait3A_539 : memref<1x100000xi32, #tpu.memory_space<hbm>> -> memref<100000xi32, #tpu.memory_space<hbm>>
    %dma_wait3A_541 = arith.constant 0 : i32
    %dma_wait3A_542 = tpu.memref_slice %dma_wait3A_540[%dma_wait3A_541] : memref<100000xi32, #tpu.memory_space<hbm>> -> memref<100000xi32, #tpu.memory_space<hbm>>
    tpu.wait_indirect_dma semaphore(%arg7 : memref<!tpu.dma_semaphore, #tpu.memory_space<semaphore_mem>>) src(%dma_wait3A_542 : memref<100000xi32, #tpu.memory_space<hbm>>) dst(%dma_wait3A_537 : memref<16xi32, #tpu.memory_space<vmem>>)
    %dma_wait3A_543 = arith.constant 22 : i32
    %dma_wait3A_544 = arith.constant 22 : i32
    %dma_wait3A_545 = arith.constant 0 : i32
    %dma_wait3A_546 = tpu.memref_slice %arg6[%dma_wait3A_544, %dma_wait3A_545] : memref<32x16xi32, #tpu.memory_space<vmem>> -> memref<1x16xi32, #tpu.memory_space<vmem>>
    %dma_wait3A_547 = tpu.memref_squeeze %dma_wait3A_546 : memref<1x16xi32, #tpu.memory_space<vmem>> -> memref<16xi32, #tpu.memory_space<vmem>>
    %dma_wait3A_548 = arith.constant 0 : i32
    %dma_wait3A_549 = tpu.memref_slice %arg3[%dma_wait3A_543, %dma_wait3A_548] : memref<32x100000xi32, #tpu.memory_space<hbm>> -> memref<1x100000xi32, #tpu.memory_space<hbm>>
    %dma_wait3A_550 = tpu.memref_squeeze %dma_wait3A_549 : memref<1x100000xi32, #tpu.memory_space<hbm>> -> memref<100000xi32, #tpu.memory_space<hbm>>
    %dma_wait3A_551 = arith.constant 0 : i32
    %dma_wait3A_552 = tpu.memref_slice %dma_wait3A_550[%dma_wait3A_551] : memref<100000xi32, #tpu.memory_space<hbm>> -> memref<100000xi32, #tpu.memory_space<hbm>>
    tpu.wait_indirect_dma semaphore(%arg7 : memref<!tpu.dma_semaphore, #tpu.memory_space<semaphore_mem>>) src(%dma_wait3A_552 : memref<100000xi32, #tpu.memory_space<hbm>>) dst(%dma_wait3A_547 : memref<16xi32, #tpu.memory_space<vmem>>)
    %dma_wait3A_553 = arith.constant 23 : i32
    %dma_wait3A_554 = arith.constant 23 : i32
    %dma_wait3A_555 = arith.constant 0 : i32
    %dma_wait3A_556 = tpu.memref_slice %arg6[%dma_wait3A_554, %dma_wait3A_555] : memref<32x16xi32, #tpu.memory_space<vmem>> -> memref<1x16xi32, #tpu.memory_space<vmem>>
    %dma_wait3A_557 = tpu.memref_squeeze %dma_wait3A_556 : memref<1x16xi32, #tpu.memory_space<vmem>> -> memref<16xi32, #tpu.memory_space<vmem>>
    %dma_wait3A_558 = arith.constant 0 : i32
    %dma_wait3A_559 = tpu.memref_slice %arg3[%dma_wait3A_553, %dma_wait3A_558] : memref<32x100000xi32, #tpu.memory_space<hbm>> -> memref<1x100000xi32, #tpu.memory_space<hbm>>
    %dma_wait3A_560 = tpu.memref_squeeze %dma_wait3A_559 : memref<1x100000xi32, #tpu.memory_space<hbm>> -> memref<100000xi32, #tpu.memory_space<hbm>>
    %dma_wait3A_561 = arith.constant 0 : i32
    %dma_wait3A_562 = tpu.memref_slice %dma_wait3A_560[%dma_wait3A_561] : memref<100000xi32, #tpu.memory_space<hbm>> -> memref<100000xi32, #tpu.memory_space<hbm>>
    tpu.wait_indirect_dma semaphore(%arg7 : memref<!tpu.dma_semaphore, #tpu.memory_space<semaphore_mem>>) src(%dma_wait3A_562 : memref<100000xi32, #tpu.memory_space<hbm>>) dst(%dma_wait3A_557 : memref<16xi32, #tpu.memory_space<vmem>>)
    %dma_wait3A_563 = arith.constant 24 : i32
    %dma_wait3A_564 = arith.constant 24 : i32
    %dma_wait3A_565 = arith.constant 0 : i32
    %dma_wait3A_566 = tpu.memref_slice %arg6[%dma_wait3A_564, %dma_wait3A_565] : memref<32x16xi32, #tpu.memory_space<vmem>> -> memref<1x16xi32, #tpu.memory_space<vmem>>
    %dma_wait3A_567 = tpu.memref_squeeze %dma_wait3A_566 : memref<1x16xi32, #tpu.memory_space<vmem>> -> memref<16xi32, #tpu.memory_space<vmem>>
    %dma_wait3A_568 = arith.constant 0 : i32
    %dma_wait3A_569 = tpu.memref_slice %arg3[%dma_wait3A_563, %dma_wait3A_568] : memref<32x100000xi32, #tpu.memory_space<hbm>> -> memref<1x100000xi32, #tpu.memory_space<hbm>>
    %dma_wait3A_570 = tpu.memref_squeeze %dma_wait3A_569 : memref<1x100000xi32, #tpu.memory_space<hbm>> -> memref<100000xi32, #tpu.memory_space<hbm>>
    %dma_wait3A_571 = arith.constant 0 : i32
    %dma_wait3A_572 = tpu.memref_slice %dma_wait3A_570[%dma_wait3A_571] : memref<100000xi32, #tpu.memory_space<hbm>> -> memref<100000xi32, #tpu.memory_space<hbm>>
    tpu.wait_indirect_dma semaphore(%arg7 : memref<!tpu.dma_semaphore, #tpu.memory_space<semaphore_mem>>) src(%dma_wait3A_572 : memref<100000xi32, #tpu.memory_space<hbm>>) dst(%dma_wait3A_567 : memref<16xi32, #tpu.memory_space<vmem>>)
    %dma_wait3A_573 = arith.constant 25 : i32
    %dma_wait3A_574 = arith.constant 25 : i32
    %dma_wait3A_575 = arith.constant 0 : i32
    %dma_wait3A_576 = tpu.memref_slice %arg6[%dma_wait3A_574, %dma_wait3A_575] : memref<32x16xi32, #tpu.memory_space<vmem>> -> memref<1x16xi32, #tpu.memory_space<vmem>>
    %dma_wait3A_577 = tpu.memref_squeeze %dma_wait3A_576 : memref<1x16xi32, #tpu.memory_space<vmem>> -> memref<16xi32, #tpu.memory_space<vmem>>
    %dma_wait3A_578 = arith.constant 0 : i32
    %dma_wait3A_579 = tpu.memref_slice %arg3[%dma_wait3A_573, %dma_wait3A_578] : memref<32x100000xi32, #tpu.memory_space<hbm>> -> memref<1x100000xi32, #tpu.memory_space<hbm>>
    %dma_wait3A_580 = tpu.memref_squeeze %dma_wait3A_579 : memref<1x100000xi32, #tpu.memory_space<hbm>> -> memref<100000xi32, #tpu.memory_space<hbm>>
    %dma_wait3A_581 = arith.constant 0 : i32
    %dma_wait3A_582 = tpu.memref_slice %dma_wait3A_580[%dma_wait3A_581] : memref<100000xi32, #tpu.memory_space<hbm>> -> memref<100000xi32, #tpu.memory_space<hbm>>
    tpu.wait_indirect_dma semaphore(%arg7 : memref<!tpu.dma_semaphore, #tpu.memory_space<semaphore_mem>>) src(%dma_wait3A_582 : memref<100000xi32, #tpu.memory_space<hbm>>) dst(%dma_wait3A_577 : memref<16xi32, #tpu.memory_space<vmem>>)
    %dma_wait3A_583 = arith.constant 26 : i32
    %dma_wait3A_584 = arith.constant 26 : i32
    %dma_wait3A_585 = arith.constant 0 : i32
    %dma_wait3A_586 = tpu.memref_slice %arg6[%dma_wait3A_584, %dma_wait3A_585] : memref<32x16xi32, #tpu.memory_space<vmem>> -> memref<1x16xi32, #tpu.memory_space<vmem>>
    %dma_wait3A_587 = tpu.memref_squeeze %dma_wait3A_586 : memref<1x16xi32, #tpu.memory_space<vmem>> -> memref<16xi32, #tpu.memory_space<vmem>>
    %dma_wait3A_588 = arith.constant 0 : i32
    %dma_wait3A_589 = tpu.memref_slice %arg3[%dma_wait3A_583, %dma_wait3A_588] : memref<32x100000xi32, #tpu.memory_space<hbm>> -> memref<1x100000xi32, #tpu.memory_space<hbm>>
    %dma_wait3A_590 = tpu.memref_squeeze %dma_wait3A_589 : memref<1x100000xi32, #tpu.memory_space<hbm>> -> memref<100000xi32, #tpu.memory_space<hbm>>
    %dma_wait3A_591 = arith.constant 0 : i32
    %dma_wait3A_592 = tpu.memref_slice %dma_wait3A_590[%dma_wait3A_591] : memref<100000xi32, #tpu.memory_space<hbm>> -> memref<100000xi32, #tpu.memory_space<hbm>>
    tpu.wait_indirect_dma semaphore(%arg7 : memref<!tpu.dma_semaphore, #tpu.memory_space<semaphore_mem>>) src(%dma_wait3A_592 : memref<100000xi32, #tpu.memory_space<hbm>>) dst(%dma_wait3A_587 : memref<16xi32, #tpu.memory_space<vmem>>)
    %dma_wait3A_593 = arith.constant 27 : i32
    %dma_wait3A_594 = arith.constant 27 : i32
    %dma_wait3A_595 = arith.constant 0 : i32
    %dma_wait3A_596 = tpu.memref_slice %arg6[%dma_wait3A_594, %dma_wait3A_595] : memref<32x16xi32, #tpu.memory_space<vmem>> -> memref<1x16xi32, #tpu.memory_space<vmem>>
    %dma_wait3A_597 = tpu.memref_squeeze %dma_wait3A_596 : memref<1x16xi32, #tpu.memory_space<vmem>> -> memref<16xi32, #tpu.memory_space<vmem>>
    %dma_wait3A_598 = arith.constant 0 : i32
    %dma_wait3A_599 = tpu.memref_slice %arg3[%dma_wait3A_593, %dma_wait3A_598] : memref<32x100000xi32, #tpu.memory_space<hbm>> -> memref<1x100000xi32, #tpu.memory_space<hbm>>
    %dma_wait3A_600 = tpu.memref_squeeze %dma_wait3A_599 : memref<1x100000xi32, #tpu.memory_space<hbm>> -> memref<100000xi32, #tpu.memory_space<hbm>>
    %dma_wait3A_601 = arith.constant 0 : i32
    %dma_wait3A_602 = tpu.memref_slice %dma_wait3A_600[%dma_wait3A_601] : memref<100000xi32, #tpu.memory_space<hbm>> -> memref<100000xi32, #tpu.memory_space<hbm>>
    tpu.wait_indirect_dma semaphore(%arg7 : memref<!tpu.dma_semaphore, #tpu.memory_space<semaphore_mem>>) src(%dma_wait3A_602 : memref<100000xi32, #tpu.memory_space<hbm>>) dst(%dma_wait3A_597 : memref<16xi32, #tpu.memory_space<vmem>>)
    %dma_wait3A_603 = arith.constant 28 : i32
    %dma_wait3A_604 = arith.constant 28 : i32
    %dma_wait3A_605 = arith.constant 0 : i32
    %dma_wait3A_606 = tpu.memref_slice %arg6[%dma_wait3A_604, %dma_wait3A_605] : memref<32x16xi32, #tpu.memory_space<vmem>> -> memref<1x16xi32, #tpu.memory_space<vmem>>
    %dma_wait3A_607 = tpu.memref_squeeze %dma_wait3A_606 : memref<1x16xi32, #tpu.memory_space<vmem>> -> memref<16xi32, #tpu.memory_space<vmem>>
    %dma_wait3A_608 = arith.constant 0 : i32
    %dma_wait3A_609 = tpu.memref_slice %arg3[%dma_wait3A_603, %dma_wait3A_608] : memref<32x100000xi32, #tpu.memory_space<hbm>> -> memref<1x100000xi32, #tpu.memory_space<hbm>>
    %dma_wait3A_610 = tpu.memref_squeeze %dma_wait3A_609 : memref<1x100000xi32, #tpu.memory_space<hbm>> -> memref<100000xi32, #tpu.memory_space<hbm>>
    %dma_wait3A_611 = arith.constant 0 : i32
    %dma_wait3A_612 = tpu.memref_slice %dma_wait3A_610[%dma_wait3A_611] : memref<100000xi32, #tpu.memory_space<hbm>> -> memref<100000xi32, #tpu.memory_space<hbm>>
    tpu.wait_indirect_dma semaphore(%arg7 : memref<!tpu.dma_semaphore, #tpu.memory_space<semaphore_mem>>) src(%dma_wait3A_612 : memref<100000xi32, #tpu.memory_space<hbm>>) dst(%dma_wait3A_607 : memref<16xi32, #tpu.memory_space<vmem>>)
    %dma_wait3A_613 = arith.constant 29 : i32
    %dma_wait3A_614 = arith.constant 29 : i32
    %dma_wait3A_615 = arith.constant 0 : i32
    %dma_wait3A_616 = tpu.memref_slice %arg6[%dma_wait3A_614, %dma_wait3A_615] : memref<32x16xi32, #tpu.memory_space<vmem>> -> memref<1x16xi32, #tpu.memory_space<vmem>>
    %dma_wait3A_617 = tpu.memref_squeeze %dma_wait3A_616 : memref<1x16xi32, #tpu.memory_space<vmem>> -> memref<16xi32, #tpu.memory_space<vmem>>
    %dma_wait3A_618 = arith.constant 0 : i32
    %dma_wait3A_619 = tpu.memref_slice %arg3[%dma_wait3A_613, %dma_wait3A_618] : memref<32x100000xi32, #tpu.memory_space<hbm>> -> memref<1x100000xi32, #tpu.memory_space<hbm>>
    %dma_wait3A_620 = tpu.memref_squeeze %dma_wait3A_619 : memref<1x100000xi32, #tpu.memory_space<hbm>> -> memref<100000xi32, #tpu.memory_space<hbm>>
    %dma_wait3A_621 = arith.constant 0 : i32
    %dma_wait3A_622 = tpu.memref_slice %dma_wait3A_620[%dma_wait3A_621] : memref<100000xi32, #tpu.memory_space<hbm>> -> memref<100000xi32, #tpu.memory_space<hbm>>
    tpu.wait_indirect_dma semaphore(%arg7 : memref<!tpu.dma_semaphore, #tpu.memory_space<semaphore_mem>>) src(%dma_wait3A_622 : memref<100000xi32, #tpu.memory_space<hbm>>) dst(%dma_wait3A_617 : memref<16xi32, #tpu.memory_space<vmem>>)
    %dma_wait3A_623 = arith.constant 30 : i32
    %dma_wait3A_624 = arith.constant 30 : i32
    %dma_wait3A_625 = arith.constant 0 : i32
    %dma_wait3A_626 = tpu.memref_slice %arg6[%dma_wait3A_624, %dma_wait3A_625] : memref<32x16xi32, #tpu.memory_space<vmem>> -> memref<1x16xi32, #tpu.memory_space<vmem>>
    %dma_wait3A_627 = tpu.memref_squeeze %dma_wait3A_626 : memref<1x16xi32, #tpu.memory_space<vmem>> -> memref<16xi32, #tpu.memory_space<vmem>>
    %dma_wait3A_628 = arith.constant 0 : i32
    %dma_wait3A_629 = tpu.memref_slice %arg3[%dma_wait3A_623, %dma_wait3A_628] : memref<32x100000xi32, #tpu.memory_space<hbm>> -> memref<1x100000xi32, #tpu.memory_space<hbm>>
    %dma_wait3A_630 = tpu.memref_squeeze %dma_wait3A_629 : memref<1x100000xi32, #tpu.memory_space<hbm>> -> memref<100000xi32, #tpu.memory_space<hbm>>
    %dma_wait3A_631 = arith.constant 0 : i32
    %dma_wait3A_632 = tpu.memref_slice %dma_wait3A_630[%dma_wait3A_631] : memref<100000xi32, #tpu.memory_space<hbm>> -> memref<100000xi32, #tpu.memory_space<hbm>>
    tpu.wait_indirect_dma semaphore(%arg7 : memref<!tpu.dma_semaphore, #tpu.memory_space<semaphore_mem>>) src(%dma_wait3A_632 : memref<100000xi32, #tpu.memory_space<hbm>>) dst(%dma_wait3A_627 : memref<16xi32, #tpu.memory_space<vmem>>)
    %dma_wait3A_633 = arith.constant 31 : i32
    %dma_wait3A_634 = arith.constant 31 : i32
    %dma_wait3A_635 = arith.constant 0 : i32
    %dma_wait3A_636 = tpu.memref_slice %arg6[%dma_wait3A_634, %dma_wait3A_635] : memref<32x16xi32, #tpu.memory_space<vmem>> -> memref<1x16xi32, #tpu.memory_space<vmem>>
    %dma_wait3A_637 = tpu.memref_squeeze %dma_wait3A_636 : memref<1x16xi32, #tpu.memory_space<vmem>> -> memref<16xi32, #tpu.memory_space<vmem>>
    %dma_wait3A_638 = arith.constant 0 : i32
    %dma_wait3A_639 = tpu.memref_slice %arg3[%dma_wait3A_633, %dma_wait3A_638] : memref<32x100000xi32, #tpu.memory_space<hbm>> -> memref<1x100000xi32, #tpu.memory_space<hbm>>
    %dma_wait3A_640 = tpu.memref_squeeze %dma_wait3A_639 : memref<1x100000xi32, #tpu.memory_space<hbm>> -> memref<100000xi32, #tpu.memory_space<hbm>>
    %dma_wait3A_641 = arith.constant 0 : i32
    %dma_wait3A_642 = tpu.memref_slice %dma_wait3A_640[%dma_wait3A_641] : memref<100000xi32, #tpu.memory_space<hbm>> -> memref<100000xi32, #tpu.memory_space<hbm>>
    tpu.wait_indirect_dma semaphore(%arg7 : memref<!tpu.dma_semaphore, #tpu.memory_space<semaphore_mem>>) src(%dma_wait3A_642 : memref<100000xi32, #tpu.memory_space<hbm>>) dst(%dma_wait3A_637 : memref<16xi32, #tpu.memory_space<vmem>>)
    "tpu.region"() ({
      %run_scoped3A = tpu.sem_alloc : memref<!tpu.dma_semaphore, #tpu.memory_space<semaphore_mem>>
      %dma_start3A_643 = arith.constant 0 : i32
      %dma_start3A_644 = tpu.memref_slice %arg4[%dma_start3A_643, %mul3A_2] : memref<32x512xi32, #tpu.memory_space<hbm>> -> memref<32x16xi32, #tpu.memory_space<hbm>>
      %dma_start3A_645 = arith.constant 0 : i32
      %dma_start3A_646 = tpu.memref_slice %arg4[%dma_start3A_645, %mul3A_2] : memref<32x512xi32, #tpu.memory_space<hbm>> -> memref<32x16xi32, #tpu.memory_space<hbm>>
      tpu.enqueue_dma source(%arg6 : memref<32x16xi32, #tpu.memory_space<vmem>>) target(%dma_start3A_646 : memref<32x16xi32, #tpu.memory_space<hbm>>) target_semaphore(%run_scoped3A : memref<!tpu.dma_semaphore, #tpu.memory_space<semaphore_mem>>)
      %dma_wait3A_647 = arith.constant 0 : i32
      %dma_wait3A_648 = tpu.memref_slice %arg4[%dma_wait3A_647, %mul3A_2] : memref<32x512xi32, #tpu.memory_space<hbm>> -> memref<32x16xi32, #tpu.memory_space<hbm>>
      %dma_wait3A_649 = arith.constant 0 : i32
      %dma_wait3A_650 = tpu.memref_slice %arg4[%dma_wait3A_649, %mul3A_2] : memref<32x512xi32, #tpu.memory_space<hbm>> -> memref<32x16xi32, #tpu.memory_space<hbm>>
      tpu.wait_dma2 semaphore(%run_scoped3A : memref<!tpu.dma_semaphore, #tpu.memory_space<semaphore_mem>>) src(%arg6 : memref<32x16xi32, #tpu.memory_space<vmem>>) dst(%dma_wait3A_650 : memref<32x16xi32, #tpu.memory_space<hbm>>)
      tpu.yield
    }) : () -> ()
    return
  }
}

module attributes {stable_mosaic.version = 14 : i64} {
  func.func @_tc_body(%arg0: memref<1024x1xi32, #tpu.memory_space<vmem>>, %arg1: memref<1x1024xi32, #tpu.memory_space<vmem>>, %arg2: memref<1x512xi32, #tpu.memory_space<vmem>>, %arg3: memref<1024x32xi32, #tpu.memory_space<vmem>>, %arg4: memref<32x1024xi32, #tpu.memory_space<vmem>>, %arg5: memref<32x512xi32, #tpu.memory_space<vmem>>, %arg6: memref<1024x512xf32, #tpu.memory_space<vmem>>, %arg7: memref<1024x512xf32, #tpu.memory_space<vmem>>) attributes {dimension_semantics = [], scalar_prefetch = 0 : i64, scratch_operands = 0 : i64, tpu.core_type = #tpu.core_type<tc>} {
    %get3A = arith.constant 0 : index
    %get3A_0 = arith.constant 0 : index
    %get3A_1 = vector.load %arg0[%get3A, %get3A_0] : memref<1024x1xi32, #tpu.memory_space<vmem>>, vector<1024x1xi32>
    %get3A_2 = arith.constant 0 : index
    %get3A_3 = arith.constant 0 : index
    %get3A_4 = vector.load %arg1[%get3A_2, %get3A_3] : memref<1x1024xi32, #tpu.memory_space<vmem>>, vector<1x1024xi32>
    %get3A_5 = arith.constant 0 : index
    %get3A_6 = arith.constant 0 : index
    %get3A_7 = vector.load %arg2[%get3A_5, %get3A_6] : memref<1x512xi32, #tpu.memory_space<vmem>>, vector<1x512xi32>
    %get3A_8 = arith.constant 0 : index
    %get3A_9 = arith.constant 0 : index
    %get3A_10 = vector.load %arg3[%get3A_8, %get3A_9] : memref<1024x32xi32, #tpu.memory_space<vmem>>, vector<1024x32xi32>
    %get3A_11 = arith.constant 0 : index
    %get3A_12 = arith.constant 0 : index
    %get3A_13 = vector.load %arg4[%get3A_11, %get3A_12] : memref<32x1024xi32, #tpu.memory_space<vmem>>, vector<32x1024xi32>
    %iota3A = tpu.iota {dimensions = array<i32: 1>} : vector<1024x1024xi32>
    %eq3A = vector.broadcast %get3A_1 : vector<1024x1xi32> to vector<1024x1024xi32>
    %eq3A_14 = vector.broadcast %get3A_4 : vector<1x1024xi32> to vector<1024x1024xi32>
    %eq3A_15 = arith.cmpi eq, %eq3A, %eq3A_14 : vector<1024x1024xi32>
    %jit3A = arith.constant -1 : i32
    %broadcast_in_dim3A = vector.broadcast %jit3A : i32 to vector<1024x1024xi32>
    %select_n3A = arith.select %eq3A_15, %iota3A, %broadcast_in_dim3A : vector<1024x1024xi1>, vector<1024x1024xi32>
    %reduce_max3A = arith.constant dense<-2147483648> : vector<1024xi32>
    %reduce_max3A_16 = vector.multi_reduction <maxsi>, %select_n3A, %reduce_max3A [1] : vector<1024x1024xi32> to vector<1024xi32>
    %broadcast_in_dim3A_17 = vector.shape_cast %reduce_max3A_16 : vector<1024xi32> to vector<1024x1xi32>
    %eq3A_18 = vector.broadcast %broadcast_in_dim3A_17 : vector<1024x1xi32> to vector<1024x1024xi32>
    %eq3A_19 = arith.cmpi eq, %iota3A, %eq3A_18 : vector<1024x1024xi32>
    %and3A = arith.andi %eq3A_15, %eq3A_19 : vector<1024x1024xi1>
    %convert_element_type3A = arith.extui %and3A : vector<1024x1024xi1> to vector<1024x1024xi32>
    %convert_element_type3A_20 = arith.sitofp %convert_element_type3A : vector<1024x1024xi32> to vector<1024x1024xf32>
    %shift_right_arithmetic3A = arith.constant 8 : i32
    %shift_right_arithmetic3A_21 = vector.broadcast %shift_right_arithmetic3A : i32 to vector<1024x32xi32>
    %shift_right_arithmetic3A_22 = arith.shrsi %get3A_10, %shift_right_arithmetic3A_21 : vector<1024x32xi32>
    %convert_element_type3A_23 = arith.sitofp %shift_right_arithmetic3A_22 : vector<1024x32xi32> to vector<1024x32xf32>
    %and3A_24 = arith.constant 255 : i32
    %and3A_25 = vector.broadcast %and3A_24 : i32 to vector<1024x32xi32>
    %and3A_26 = arith.andi %get3A_10, %and3A_25 : vector<1024x32xi32>
    %convert_element_type3A_27 = arith.sitofp %and3A_26 : vector<1024x32xi32> to vector<1024x32xf32>
    %dot_general3A = arith.constant dense<0.000000e+00> : vector<1024x32xf32>
    %dot_general3A_28 = tpu.matmul %convert_element_type3A_20, %convert_element_type3A_23, %dot_general3A {dimension_numbers = #tpu.dot_dimension_numbers<[1], [0], [0], [1], [0, 0, 1, 1], [], []>, transpose_lhs_hint = false} : vector<1024x1024xf32>, vector<1024x32xf32>, vector<1024x32xf32> -> vector<1024x32xf32>
    %mul3A = arith.constant 2.560000e+02 : f32
    %mul3A_29 = vector.broadcast %mul3A : f32 to vector<1024x32xf32>
    %mul3A_30 = arith.mulf %dot_general3A_28, %mul3A_29 : vector<1024x32xf32>
    %dot_general3A_31 = arith.constant dense<0.000000e+00> : vector<1024x32xf32>
    %dot_general3A_32 = tpu.matmul %convert_element_type3A_20, %convert_element_type3A_27, %dot_general3A_31 {dimension_numbers = #tpu.dot_dimension_numbers<[1], [0], [0], [1], [0, 0, 1, 1], [], []>, transpose_lhs_hint = false} : vector<1024x1024xf32>, vector<1024x32xf32>, vector<1024x32xf32> -> vector<1024x32xf32>
    %add3A = arith.addf %mul3A_30, %dot_general3A_32 : vector<1024x32xf32>
    %convert_element_type3A_33 = arith.fptosi %add3A : vector<1024x32xf32> to vector<1024x32xi32>
    %iota3A_34 = tpu.iota {dimensions = array<i32: 0>} : vector<1024x512xi32>
    %eq3A_35 = vector.broadcast %get3A_1 : vector<1024x1xi32> to vector<1024x512xi32>
    %eq3A_36 = vector.broadcast %get3A_7 : vector<1x512xi32> to vector<1024x512xi32>
    %eq3A_37 = arith.cmpi eq, %eq3A_35, %eq3A_36 : vector<1024x512xi32>
    %jit3A_38 = arith.constant -1 : i32
    %broadcast_in_dim3A_39 = vector.broadcast %jit3A_38 : i32 to vector<1024x512xi32>
    %select_n3A_40 = arith.select %eq3A_37, %iota3A_34, %broadcast_in_dim3A_39 : vector<1024x512xi1>, vector<1024x512xi32>
    %reduce_max3A_41 = arith.constant dense<-2147483648> : vector<512xi32>
    %reduce_max3A_42 = vector.multi_reduction <maxsi>, %select_n3A_40, %reduce_max3A_41 [0] : vector<1024x512xi32> to vector<512xi32>
    %broadcast_in_dim3A_43 = vector.shape_cast %reduce_max3A_42 : vector<512xi32> to vector<1x512xi32>
    %eq3A_44 = vector.broadcast %broadcast_in_dim3A_43 : vector<1x512xi32> to vector<1024x512xi32>
    %eq3A_45 = arith.cmpi eq, %iota3A_34, %eq3A_44 : vector<1024x512xi32>
    %and3A_46 = arith.andi %eq3A_37, %eq3A_45 : vector<1024x512xi1>
    %convert_element_type3A_47 = arith.extui %and3A_46 : vector<1024x512xi1> to vector<1024x512xi32>
    %convert_element_type3A_48 = arith.sitofp %convert_element_type3A_47 : vector<1024x512xi32> to vector<1024x512xf32>
    %shift_right_arithmetic3A_49 = arith.constant 8 : i32
    %shift_right_arithmetic3A_50 = vector.broadcast %shift_right_arithmetic3A_49 : i32 to vector<32x1024xi32>
    %shift_right_arithmetic3A_51 = arith.shrsi %get3A_13, %shift_right_arithmetic3A_50 : vector<32x1024xi32>
    %convert_element_type3A_52 = arith.sitofp %shift_right_arithmetic3A_51 : vector<32x1024xi32> to vector<32x1024xf32>
    %and3A_53 = arith.constant 255 : i32
    %and3A_54 = vector.broadcast %and3A_53 : i32 to vector<32x1024xi32>
    %and3A_55 = arith.andi %get3A_13, %and3A_54 : vector<32x1024xi32>
    %convert_element_type3A_56 = arith.sitofp %and3A_55 : vector<32x1024xi32> to vector<32x1024xf32>
    %dot_general3A_57 = arith.constant dense<0.000000e+00> : vector<32x512xf32>
    %dot_general3A_58 = tpu.matmul %convert_element_type3A_52, %convert_element_type3A_48, %dot_general3A_57 {dimension_numbers = #tpu.dot_dimension_numbers<[1], [0], [0], [1], [0, 0, 1, 1], [], []>, transpose_lhs_hint = false} : vector<32x1024xf32>, vector<1024x512xf32>, vector<32x512xf32> -> vector<32x512xf32>
    %mul3A_59 = arith.constant 2.560000e+02 : f32
    %mul3A_60 = vector.broadcast %mul3A_59 : f32 to vector<32x512xf32>
    %mul3A_61 = arith.mulf %dot_general3A_58, %mul3A_60 : vector<32x512xf32>
    %dot_general3A_62 = arith.constant dense<0.000000e+00> : vector<32x512xf32>
    %dot_general3A_63 = tpu.matmul %convert_element_type3A_56, %convert_element_type3A_48, %dot_general3A_62 {dimension_numbers = #tpu.dot_dimension_numbers<[1], [0], [0], [1], [0, 0, 1, 1], [], []>, transpose_lhs_hint = false} : vector<32x1024xf32>, vector<1024x512xf32>, vector<32x512xf32> -> vector<32x512xf32>
    %add3A_64 = arith.addf %mul3A_61, %dot_general3A_63 : vector<32x512xf32>
    %convert_element_type3A_65 = arith.fptosi %add3A_64 : vector<32x512xf32> to vector<32x512xi32>
    %ge3A = arith.constant 0 : i32
    %ge3A_66 = vector.broadcast %ge3A : i32 to vector<1x512xi32>
    %ge3A_67 = arith.cmpi sge, %broadcast_in_dim3A_43, %ge3A_66 : vector<1x512xi32>
    %get3A_68 = arith.constant 0 : index
    %get3A_69 = arith.constant 0 : index
    %get3A_70 = vector.load %arg5[%get3A_68, %get3A_69] : memref<32x512xi32, #tpu.memory_space<vmem>>, vector<32x512xi32>
    %broadcast_in_dim3A_71 = arith.constant 0 : i32
    %broadcast_in_dim3A_72 = vector.broadcast %broadcast_in_dim3A_71 : i32 to vector<1024x512xi32>
    %broadcast_in_dim3A_73 = arith.constant 0 : i32
    %broadcast_in_dim3A_74 = vector.broadcast %broadcast_in_dim3A_73 : i32 to vector<1x512xi32>
    %slice3A = vector.extract_strided_slice %convert_element_type3A_65 {offsets = [0, 0], sizes = [1, 512], strides = [1, 1]} : vector<32x512xi32> to vector<1x512xi32>
    %slice3A_75 = vector.extract_strided_slice %get3A_70 {offsets = [0, 0], sizes = [1, 512], strides = [1, 1]} : vector<32x512xi32> to vector<1x512xi32>
    %select_n3A_76 = arith.select %ge3A_67, %slice3A, %slice3A_75 : vector<1x512xi1>, vector<1x512xi32>
    %ge3A_77 = arith.constant 0 : i32
    %ge3A_78 = vector.broadcast %ge3A_77 : i32 to vector<1x512xi32>
    %ge3A_79 = arith.cmpi sge, %select_n3A_76, %ge3A_78 : vector<1x512xi32>
    %jit3A_80 = arith.constant 1 : i32
    %jit3A_81 = arith.constant -1 : i32
    %broadcast_in_dim3A_82 = vector.broadcast %jit3A_80 : i32 to vector<1x512xi32>
    %broadcast_in_dim3A_83 = vector.broadcast %jit3A_81 : i32 to vector<1x512xi32>
    %select_n3A_84 = arith.select %ge3A_79, %broadcast_in_dim3A_82, %broadcast_in_dim3A_83 : vector<1x512xi1>, vector<1x512xi32>
    %abs3A = math.absi %select_n3A_76 : vector<1x512xi32>
    %add3A_85 = arith.addi %broadcast_in_dim3A_74, %select_n3A_84 : vector<1x512xi32>
    %slice3A_86 = vector.extract_strided_slice %convert_element_type3A_33 {offsets = [0, 0], sizes = [1024, 1], strides = [1, 1]} : vector<1024x32xi32> to vector<1024x1xi32>
    %xor3A = vector.broadcast %slice3A_86 : vector<1024x1xi32> to vector<1024x512xi32>
    %xor3A_87 = vector.broadcast %abs3A : vector<1x512xi32> to vector<1024x512xi32>
    %xor3A_88 = arith.xori %xor3A, %xor3A_87 : vector<1024x512xi32>
    %add3A_89 = arith.constant 1 : i32
    %add3A_90 = vector.broadcast %add3A_89 : i32 to vector<1024x512xi32>
    %add3A_91 = arith.addi %xor3A_88, %add3A_90 : vector<1024x512xi32>
    %clz3A = math.ctlz %add3A_91 : vector<1024x512xi32>
    %mul3A_92 = vector.broadcast %select_n3A_84 : vector<1x512xi32> to vector<1024x512xi32>
    %mul3A_93 = arith.muli %mul3A_92, %clz3A : vector<1024x512xi32>
    %add3A_94 = arith.addi %broadcast_in_dim3A_72, %mul3A_93 : vector<1024x512xi32>
    %slice3A_95 = vector.extract_strided_slice %convert_element_type3A_65 {offsets = [1, 0], sizes = [1, 512], strides = [1, 1]} : vector<32x512xi32> to vector<1x512xi32>
    %slice3A_96 = vector.extract_strided_slice %get3A_70 {offsets = [1, 0], sizes = [1, 512], strides = [1, 1]} : vector<32x512xi32> to vector<1x512xi32>
    %select_n3A_97 = arith.select %ge3A_67, %slice3A_95, %slice3A_96 : vector<1x512xi1>, vector<1x512xi32>
    %ge3A_98 = arith.constant 0 : i32
    %ge3A_99 = vector.broadcast %ge3A_98 : i32 to vector<1x512xi32>
    %ge3A_100 = arith.cmpi sge, %select_n3A_97, %ge3A_99 : vector<1x512xi32>
    %jit3A_101 = arith.constant 1 : i32
    %jit3A_102 = arith.constant -1 : i32
    %broadcast_in_dim3A_103 = vector.broadcast %jit3A_101 : i32 to vector<1x512xi32>
    %broadcast_in_dim3A_104 = vector.broadcast %jit3A_102 : i32 to vector<1x512xi32>
    %select_n3A_105 = arith.select %ge3A_100, %broadcast_in_dim3A_103, %broadcast_in_dim3A_104 : vector<1x512xi1>, vector<1x512xi32>
    %abs3A_106 = math.absi %select_n3A_97 : vector<1x512xi32>
    %add3A_107 = arith.addi %add3A_85, %select_n3A_105 : vector<1x512xi32>
    %slice3A_108 = vector.extract_strided_slice %convert_element_type3A_33 {offsets = [0, 1], sizes = [1024, 1], strides = [1, 1]} : vector<1024x32xi32> to vector<1024x1xi32>
    %xor3A_109 = vector.broadcast %slice3A_108 : vector<1024x1xi32> to vector<1024x512xi32>
    %xor3A_110 = vector.broadcast %abs3A_106 : vector<1x512xi32> to vector<1024x512xi32>
    %xor3A_111 = arith.xori %xor3A_109, %xor3A_110 : vector<1024x512xi32>
    %add3A_112 = arith.constant 1 : i32
    %add3A_113 = vector.broadcast %add3A_112 : i32 to vector<1024x512xi32>
    %add3A_114 = arith.addi %xor3A_111, %add3A_113 : vector<1024x512xi32>
    %clz3A_115 = math.ctlz %add3A_114 : vector<1024x512xi32>
    %mul3A_116 = vector.broadcast %select_n3A_105 : vector<1x512xi32> to vector<1024x512xi32>
    %mul3A_117 = arith.muli %mul3A_116, %clz3A_115 : vector<1024x512xi32>
    %add3A_118 = arith.addi %add3A_94, %mul3A_117 : vector<1024x512xi32>
    %slice3A_119 = vector.extract_strided_slice %convert_element_type3A_65 {offsets = [2, 0], sizes = [1, 512], strides = [1, 1]} : vector<32x512xi32> to vector<1x512xi32>
    %slice3A_120 = vector.extract_strided_slice %get3A_70 {offsets = [2, 0], sizes = [1, 512], strides = [1, 1]} : vector<32x512xi32> to vector<1x512xi32>
    %select_n3A_121 = arith.select %ge3A_67, %slice3A_119, %slice3A_120 : vector<1x512xi1>, vector<1x512xi32>
    %ge3A_122 = arith.constant 0 : i32
    %ge3A_123 = vector.broadcast %ge3A_122 : i32 to vector<1x512xi32>
    %ge3A_124 = arith.cmpi sge, %select_n3A_121, %ge3A_123 : vector<1x512xi32>
    %jit3A_125 = arith.constant 1 : i32
    %jit3A_126 = arith.constant -1 : i32
    %broadcast_in_dim3A_127 = vector.broadcast %jit3A_125 : i32 to vector<1x512xi32>
    %broadcast_in_dim3A_128 = vector.broadcast %jit3A_126 : i32 to vector<1x512xi32>
    %select_n3A_129 = arith.select %ge3A_124, %broadcast_in_dim3A_127, %broadcast_in_dim3A_128 : vector<1x512xi1>, vector<1x512xi32>
    %abs3A_130 = math.absi %select_n3A_121 : vector<1x512xi32>
    %add3A_131 = arith.addi %add3A_107, %select_n3A_129 : vector<1x512xi32>
    %slice3A_132 = vector.extract_strided_slice %convert_element_type3A_33 {offsets = [0, 2], sizes = [1024, 1], strides = [1, 1]} : vector<1024x32xi32> to vector<1024x1xi32>
    %xor3A_133 = vector.broadcast %slice3A_132 : vector<1024x1xi32> to vector<1024x512xi32>
    %xor3A_134 = vector.broadcast %abs3A_130 : vector<1x512xi32> to vector<1024x512xi32>
    %xor3A_135 = arith.xori %xor3A_133, %xor3A_134 : vector<1024x512xi32>
    %add3A_136 = arith.constant 1 : i32
    %add3A_137 = vector.broadcast %add3A_136 : i32 to vector<1024x512xi32>
    %add3A_138 = arith.addi %xor3A_135, %add3A_137 : vector<1024x512xi32>
    %clz3A_139 = math.ctlz %add3A_138 : vector<1024x512xi32>
    %mul3A_140 = vector.broadcast %select_n3A_129 : vector<1x512xi32> to vector<1024x512xi32>
    %mul3A_141 = arith.muli %mul3A_140, %clz3A_139 : vector<1024x512xi32>
    %add3A_142 = arith.addi %add3A_118, %mul3A_141 : vector<1024x512xi32>
    %slice3A_143 = vector.extract_strided_slice %convert_element_type3A_65 {offsets = [3, 0], sizes = [1, 512], strides = [1, 1]} : vector<32x512xi32> to vector<1x512xi32>
    %slice3A_144 = vector.extract_strided_slice %get3A_70 {offsets = [3, 0], sizes = [1, 512], strides = [1, 1]} : vector<32x512xi32> to vector<1x512xi32>
    %select_n3A_145 = arith.select %ge3A_67, %slice3A_143, %slice3A_144 : vector<1x512xi1>, vector<1x512xi32>
    %ge3A_146 = arith.constant 0 : i32
    %ge3A_147 = vector.broadcast %ge3A_146 : i32 to vector<1x512xi32>
    %ge3A_148 = arith.cmpi sge, %select_n3A_145, %ge3A_147 : vector<1x512xi32>
    %jit3A_149 = arith.constant 1 : i32
    %jit3A_150 = arith.constant -1 : i32
    %broadcast_in_dim3A_151 = vector.broadcast %jit3A_149 : i32 to vector<1x512xi32>
    %broadcast_in_dim3A_152 = vector.broadcast %jit3A_150 : i32 to vector<1x512xi32>
    %select_n3A_153 = arith.select %ge3A_148, %broadcast_in_dim3A_151, %broadcast_in_dim3A_152 : vector<1x512xi1>, vector<1x512xi32>
    %abs3A_154 = math.absi %select_n3A_145 : vector<1x512xi32>
    %add3A_155 = arith.addi %add3A_131, %select_n3A_153 : vector<1x512xi32>
    %slice3A_156 = vector.extract_strided_slice %convert_element_type3A_33 {offsets = [0, 3], sizes = [1024, 1], strides = [1, 1]} : vector<1024x32xi32> to vector<1024x1xi32>
    %xor3A_157 = vector.broadcast %slice3A_156 : vector<1024x1xi32> to vector<1024x512xi32>
    %xor3A_158 = vector.broadcast %abs3A_154 : vector<1x512xi32> to vector<1024x512xi32>
    %xor3A_159 = arith.xori %xor3A_157, %xor3A_158 : vector<1024x512xi32>
    %add3A_160 = arith.constant 1 : i32
    %add3A_161 = vector.broadcast %add3A_160 : i32 to vector<1024x512xi32>
    %add3A_162 = arith.addi %xor3A_159, %add3A_161 : vector<1024x512xi32>
    %clz3A_163 = math.ctlz %add3A_162 : vector<1024x512xi32>
    %mul3A_164 = vector.broadcast %select_n3A_153 : vector<1x512xi32> to vector<1024x512xi32>
    %mul3A_165 = arith.muli %mul3A_164, %clz3A_163 : vector<1024x512xi32>
    %add3A_166 = arith.addi %add3A_142, %mul3A_165 : vector<1024x512xi32>
    %slice3A_167 = vector.extract_strided_slice %convert_element_type3A_65 {offsets = [4, 0], sizes = [1, 512], strides = [1, 1]} : vector<32x512xi32> to vector<1x512xi32>
    %slice3A_168 = vector.extract_strided_slice %get3A_70 {offsets = [4, 0], sizes = [1, 512], strides = [1, 1]} : vector<32x512xi32> to vector<1x512xi32>
    %select_n3A_169 = arith.select %ge3A_67, %slice3A_167, %slice3A_168 : vector<1x512xi1>, vector<1x512xi32>
    %ge3A_170 = arith.constant 0 : i32
    %ge3A_171 = vector.broadcast %ge3A_170 : i32 to vector<1x512xi32>
    %ge3A_172 = arith.cmpi sge, %select_n3A_169, %ge3A_171 : vector<1x512xi32>
    %jit3A_173 = arith.constant 1 : i32
    %jit3A_174 = arith.constant -1 : i32
    %broadcast_in_dim3A_175 = vector.broadcast %jit3A_173 : i32 to vector<1x512xi32>
    %broadcast_in_dim3A_176 = vector.broadcast %jit3A_174 : i32 to vector<1x512xi32>
    %select_n3A_177 = arith.select %ge3A_172, %broadcast_in_dim3A_175, %broadcast_in_dim3A_176 : vector<1x512xi1>, vector<1x512xi32>
    %abs3A_178 = math.absi %select_n3A_169 : vector<1x512xi32>
    %add3A_179 = arith.addi %add3A_155, %select_n3A_177 : vector<1x512xi32>
    %slice3A_180 = vector.extract_strided_slice %convert_element_type3A_33 {offsets = [0, 4], sizes = [1024, 1], strides = [1, 1]} : vector<1024x32xi32> to vector<1024x1xi32>
    %xor3A_181 = vector.broadcast %slice3A_180 : vector<1024x1xi32> to vector<1024x512xi32>
    %xor3A_182 = vector.broadcast %abs3A_178 : vector<1x512xi32> to vector<1024x512xi32>
    %xor3A_183 = arith.xori %xor3A_181, %xor3A_182 : vector<1024x512xi32>
    %add3A_184 = arith.constant 1 : i32
    %add3A_185 = vector.broadcast %add3A_184 : i32 to vector<1024x512xi32>
    %add3A_186 = arith.addi %xor3A_183, %add3A_185 : vector<1024x512xi32>
    %clz3A_187 = math.ctlz %add3A_186 : vector<1024x512xi32>
    %mul3A_188 = vector.broadcast %select_n3A_177 : vector<1x512xi32> to vector<1024x512xi32>
    %mul3A_189 = arith.muli %mul3A_188, %clz3A_187 : vector<1024x512xi32>
    %add3A_190 = arith.addi %add3A_166, %mul3A_189 : vector<1024x512xi32>
    %slice3A_191 = vector.extract_strided_slice %convert_element_type3A_65 {offsets = [5, 0], sizes = [1, 512], strides = [1, 1]} : vector<32x512xi32> to vector<1x512xi32>
    %slice3A_192 = vector.extract_strided_slice %get3A_70 {offsets = [5, 0], sizes = [1, 512], strides = [1, 1]} : vector<32x512xi32> to vector<1x512xi32>
    %select_n3A_193 = arith.select %ge3A_67, %slice3A_191, %slice3A_192 : vector<1x512xi1>, vector<1x512xi32>
    %ge3A_194 = arith.constant 0 : i32
    %ge3A_195 = vector.broadcast %ge3A_194 : i32 to vector<1x512xi32>
    %ge3A_196 = arith.cmpi sge, %select_n3A_193, %ge3A_195 : vector<1x512xi32>
    %jit3A_197 = arith.constant 1 : i32
    %jit3A_198 = arith.constant -1 : i32
    %broadcast_in_dim3A_199 = vector.broadcast %jit3A_197 : i32 to vector<1x512xi32>
    %broadcast_in_dim3A_200 = vector.broadcast %jit3A_198 : i32 to vector<1x512xi32>
    %select_n3A_201 = arith.select %ge3A_196, %broadcast_in_dim3A_199, %broadcast_in_dim3A_200 : vector<1x512xi1>, vector<1x512xi32>
    %abs3A_202 = math.absi %select_n3A_193 : vector<1x512xi32>
    %add3A_203 = arith.addi %add3A_179, %select_n3A_201 : vector<1x512xi32>
    %slice3A_204 = vector.extract_strided_slice %convert_element_type3A_33 {offsets = [0, 5], sizes = [1024, 1], strides = [1, 1]} : vector<1024x32xi32> to vector<1024x1xi32>
    %xor3A_205 = vector.broadcast %slice3A_204 : vector<1024x1xi32> to vector<1024x512xi32>
    %xor3A_206 = vector.broadcast %abs3A_202 : vector<1x512xi32> to vector<1024x512xi32>
    %xor3A_207 = arith.xori %xor3A_205, %xor3A_206 : vector<1024x512xi32>
    %add3A_208 = arith.constant 1 : i32
    %add3A_209 = vector.broadcast %add3A_208 : i32 to vector<1024x512xi32>
    %add3A_210 = arith.addi %xor3A_207, %add3A_209 : vector<1024x512xi32>
    %clz3A_211 = math.ctlz %add3A_210 : vector<1024x512xi32>
    %mul3A_212 = vector.broadcast %select_n3A_201 : vector<1x512xi32> to vector<1024x512xi32>
    %mul3A_213 = arith.muli %mul3A_212, %clz3A_211 : vector<1024x512xi32>
    %add3A_214 = arith.addi %add3A_190, %mul3A_213 : vector<1024x512xi32>
    %slice3A_215 = vector.extract_strided_slice %convert_element_type3A_65 {offsets = [6, 0], sizes = [1, 512], strides = [1, 1]} : vector<32x512xi32> to vector<1x512xi32>
    %slice3A_216 = vector.extract_strided_slice %get3A_70 {offsets = [6, 0], sizes = [1, 512], strides = [1, 1]} : vector<32x512xi32> to vector<1x512xi32>
    %select_n3A_217 = arith.select %ge3A_67, %slice3A_215, %slice3A_216 : vector<1x512xi1>, vector<1x512xi32>
    %ge3A_218 = arith.constant 0 : i32
    %ge3A_219 = vector.broadcast %ge3A_218 : i32 to vector<1x512xi32>
    %ge3A_220 = arith.cmpi sge, %select_n3A_217, %ge3A_219 : vector<1x512xi32>
    %jit3A_221 = arith.constant 1 : i32
    %jit3A_222 = arith.constant -1 : i32
    %broadcast_in_dim3A_223 = vector.broadcast %jit3A_221 : i32 to vector<1x512xi32>
    %broadcast_in_dim3A_224 = vector.broadcast %jit3A_222 : i32 to vector<1x512xi32>
    %select_n3A_225 = arith.select %ge3A_220, %broadcast_in_dim3A_223, %broadcast_in_dim3A_224 : vector<1x512xi1>, vector<1x512xi32>
    %abs3A_226 = math.absi %select_n3A_217 : vector<1x512xi32>
    %add3A_227 = arith.addi %add3A_203, %select_n3A_225 : vector<1x512xi32>
    %slice3A_228 = vector.extract_strided_slice %convert_element_type3A_33 {offsets = [0, 6], sizes = [1024, 1], strides = [1, 1]} : vector<1024x32xi32> to vector<1024x1xi32>
    %xor3A_229 = vector.broadcast %slice3A_228 : vector<1024x1xi32> to vector<1024x512xi32>
    %xor3A_230 = vector.broadcast %abs3A_226 : vector<1x512xi32> to vector<1024x512xi32>
    %xor3A_231 = arith.xori %xor3A_229, %xor3A_230 : vector<1024x512xi32>
    %add3A_232 = arith.constant 1 : i32
    %add3A_233 = vector.broadcast %add3A_232 : i32 to vector<1024x512xi32>
    %add3A_234 = arith.addi %xor3A_231, %add3A_233 : vector<1024x512xi32>
    %clz3A_235 = math.ctlz %add3A_234 : vector<1024x512xi32>
    %mul3A_236 = vector.broadcast %select_n3A_225 : vector<1x512xi32> to vector<1024x512xi32>
    %mul3A_237 = arith.muli %mul3A_236, %clz3A_235 : vector<1024x512xi32>
    %add3A_238 = arith.addi %add3A_214, %mul3A_237 : vector<1024x512xi32>
    %slice3A_239 = vector.extract_strided_slice %convert_element_type3A_65 {offsets = [7, 0], sizes = [1, 512], strides = [1, 1]} : vector<32x512xi32> to vector<1x512xi32>
    %slice3A_240 = vector.extract_strided_slice %get3A_70 {offsets = [7, 0], sizes = [1, 512], strides = [1, 1]} : vector<32x512xi32> to vector<1x512xi32>
    %select_n3A_241 = arith.select %ge3A_67, %slice3A_239, %slice3A_240 : vector<1x512xi1>, vector<1x512xi32>
    %ge3A_242 = arith.constant 0 : i32
    %ge3A_243 = vector.broadcast %ge3A_242 : i32 to vector<1x512xi32>
    %ge3A_244 = arith.cmpi sge, %select_n3A_241, %ge3A_243 : vector<1x512xi32>
    %jit3A_245 = arith.constant 1 : i32
    %jit3A_246 = arith.constant -1 : i32
    %broadcast_in_dim3A_247 = vector.broadcast %jit3A_245 : i32 to vector<1x512xi32>
    %broadcast_in_dim3A_248 = vector.broadcast %jit3A_246 : i32 to vector<1x512xi32>
    %select_n3A_249 = arith.select %ge3A_244, %broadcast_in_dim3A_247, %broadcast_in_dim3A_248 : vector<1x512xi1>, vector<1x512xi32>
    %abs3A_250 = math.absi %select_n3A_241 : vector<1x512xi32>
    %add3A_251 = arith.addi %add3A_227, %select_n3A_249 : vector<1x512xi32>
    %slice3A_252 = vector.extract_strided_slice %convert_element_type3A_33 {offsets = [0, 7], sizes = [1024, 1], strides = [1, 1]} : vector<1024x32xi32> to vector<1024x1xi32>
    %xor3A_253 = vector.broadcast %slice3A_252 : vector<1024x1xi32> to vector<1024x512xi32>
    %xor3A_254 = vector.broadcast %abs3A_250 : vector<1x512xi32> to vector<1024x512xi32>
    %xor3A_255 = arith.xori %xor3A_253, %xor3A_254 : vector<1024x512xi32>
    %add3A_256 = arith.constant 1 : i32
    %add3A_257 = vector.broadcast %add3A_256 : i32 to vector<1024x512xi32>
    %add3A_258 = arith.addi %xor3A_255, %add3A_257 : vector<1024x512xi32>
    %clz3A_259 = math.ctlz %add3A_258 : vector<1024x512xi32>
    %mul3A_260 = vector.broadcast %select_n3A_249 : vector<1x512xi32> to vector<1024x512xi32>
    %mul3A_261 = arith.muli %mul3A_260, %clz3A_259 : vector<1024x512xi32>
    %add3A_262 = arith.addi %add3A_238, %mul3A_261 : vector<1024x512xi32>
    %slice3A_263 = vector.extract_strided_slice %convert_element_type3A_65 {offsets = [8, 0], sizes = [1, 512], strides = [1, 1]} : vector<32x512xi32> to vector<1x512xi32>
    %slice3A_264 = vector.extract_strided_slice %get3A_70 {offsets = [8, 0], sizes = [1, 512], strides = [1, 1]} : vector<32x512xi32> to vector<1x512xi32>
    %select_n3A_265 = arith.select %ge3A_67, %slice3A_263, %slice3A_264 : vector<1x512xi1>, vector<1x512xi32>
    %ge3A_266 = arith.constant 0 : i32
    %ge3A_267 = vector.broadcast %ge3A_266 : i32 to vector<1x512xi32>
    %ge3A_268 = arith.cmpi sge, %select_n3A_265, %ge3A_267 : vector<1x512xi32>
    %jit3A_269 = arith.constant 1 : i32
    %jit3A_270 = arith.constant -1 : i32
    %broadcast_in_dim3A_271 = vector.broadcast %jit3A_269 : i32 to vector<1x512xi32>
    %broadcast_in_dim3A_272 = vector.broadcast %jit3A_270 : i32 to vector<1x512xi32>
    %select_n3A_273 = arith.select %ge3A_268, %broadcast_in_dim3A_271, %broadcast_in_dim3A_272 : vector<1x512xi1>, vector<1x512xi32>
    %abs3A_274 = math.absi %select_n3A_265 : vector<1x512xi32>
    %add3A_275 = arith.addi %add3A_251, %select_n3A_273 : vector<1x512xi32>
    %slice3A_276 = vector.extract_strided_slice %convert_element_type3A_33 {offsets = [0, 8], sizes = [1024, 1], strides = [1, 1]} : vector<1024x32xi32> to vector<1024x1xi32>
    %xor3A_277 = vector.broadcast %slice3A_276 : vector<1024x1xi32> to vector<1024x512xi32>
    %xor3A_278 = vector.broadcast %abs3A_274 : vector<1x512xi32> to vector<1024x512xi32>
    %xor3A_279 = arith.xori %xor3A_277, %xor3A_278 : vector<1024x512xi32>
    %add3A_280 = arith.constant 1 : i32
    %add3A_281 = vector.broadcast %add3A_280 : i32 to vector<1024x512xi32>
    %add3A_282 = arith.addi %xor3A_279, %add3A_281 : vector<1024x512xi32>
    %clz3A_283 = math.ctlz %add3A_282 : vector<1024x512xi32>
    %mul3A_284 = vector.broadcast %select_n3A_273 : vector<1x512xi32> to vector<1024x512xi32>
    %mul3A_285 = arith.muli %mul3A_284, %clz3A_283 : vector<1024x512xi32>
    %add3A_286 = arith.addi %add3A_262, %mul3A_285 : vector<1024x512xi32>
    %slice3A_287 = vector.extract_strided_slice %convert_element_type3A_65 {offsets = [9, 0], sizes = [1, 512], strides = [1, 1]} : vector<32x512xi32> to vector<1x512xi32>
    %slice3A_288 = vector.extract_strided_slice %get3A_70 {offsets = [9, 0], sizes = [1, 512], strides = [1, 1]} : vector<32x512xi32> to vector<1x512xi32>
    %select_n3A_289 = arith.select %ge3A_67, %slice3A_287, %slice3A_288 : vector<1x512xi1>, vector<1x512xi32>
    %ge3A_290 = arith.constant 0 : i32
    %ge3A_291 = vector.broadcast %ge3A_290 : i32 to vector<1x512xi32>
    %ge3A_292 = arith.cmpi sge, %select_n3A_289, %ge3A_291 : vector<1x512xi32>
    %jit3A_293 = arith.constant 1 : i32
    %jit3A_294 = arith.constant -1 : i32
    %broadcast_in_dim3A_295 = vector.broadcast %jit3A_293 : i32 to vector<1x512xi32>
    %broadcast_in_dim3A_296 = vector.broadcast %jit3A_294 : i32 to vector<1x512xi32>
    %select_n3A_297 = arith.select %ge3A_292, %broadcast_in_dim3A_295, %broadcast_in_dim3A_296 : vector<1x512xi1>, vector<1x512xi32>
    %abs3A_298 = math.absi %select_n3A_289 : vector<1x512xi32>
    %add3A_299 = arith.addi %add3A_275, %select_n3A_297 : vector<1x512xi32>
    %slice3A_300 = vector.extract_strided_slice %convert_element_type3A_33 {offsets = [0, 9], sizes = [1024, 1], strides = [1, 1]} : vector<1024x32xi32> to vector<1024x1xi32>
    %xor3A_301 = vector.broadcast %slice3A_300 : vector<1024x1xi32> to vector<1024x512xi32>
    %xor3A_302 = vector.broadcast %abs3A_298 : vector<1x512xi32> to vector<1024x512xi32>
    %xor3A_303 = arith.xori %xor3A_301, %xor3A_302 : vector<1024x512xi32>
    %add3A_304 = arith.constant 1 : i32
    %add3A_305 = vector.broadcast %add3A_304 : i32 to vector<1024x512xi32>
    %add3A_306 = arith.addi %xor3A_303, %add3A_305 : vector<1024x512xi32>
    %clz3A_307 = math.ctlz %add3A_306 : vector<1024x512xi32>
    %mul3A_308 = vector.broadcast %select_n3A_297 : vector<1x512xi32> to vector<1024x512xi32>
    %mul3A_309 = arith.muli %mul3A_308, %clz3A_307 : vector<1024x512xi32>
    %add3A_310 = arith.addi %add3A_286, %mul3A_309 : vector<1024x512xi32>
    %slice3A_311 = vector.extract_strided_slice %convert_element_type3A_65 {offsets = [10, 0], sizes = [1, 512], strides = [1, 1]} : vector<32x512xi32> to vector<1x512xi32>
    %slice3A_312 = vector.extract_strided_slice %get3A_70 {offsets = [10, 0], sizes = [1, 512], strides = [1, 1]} : vector<32x512xi32> to vector<1x512xi32>
    %select_n3A_313 = arith.select %ge3A_67, %slice3A_311, %slice3A_312 : vector<1x512xi1>, vector<1x512xi32>
    %ge3A_314 = arith.constant 0 : i32
    %ge3A_315 = vector.broadcast %ge3A_314 : i32 to vector<1x512xi32>
    %ge3A_316 = arith.cmpi sge, %select_n3A_313, %ge3A_315 : vector<1x512xi32>
    %jit3A_317 = arith.constant 1 : i32
    %jit3A_318 = arith.constant -1 : i32
    %broadcast_in_dim3A_319 = vector.broadcast %jit3A_317 : i32 to vector<1x512xi32>
    %broadcast_in_dim3A_320 = vector.broadcast %jit3A_318 : i32 to vector<1x512xi32>
    %select_n3A_321 = arith.select %ge3A_316, %broadcast_in_dim3A_319, %broadcast_in_dim3A_320 : vector<1x512xi1>, vector<1x512xi32>
    %abs3A_322 = math.absi %select_n3A_313 : vector<1x512xi32>
    %add3A_323 = arith.addi %add3A_299, %select_n3A_321 : vector<1x512xi32>
    %slice3A_324 = vector.extract_strided_slice %convert_element_type3A_33 {offsets = [0, 10], sizes = [1024, 1], strides = [1, 1]} : vector<1024x32xi32> to vector<1024x1xi32>
    %xor3A_325 = vector.broadcast %slice3A_324 : vector<1024x1xi32> to vector<1024x512xi32>
    %xor3A_326 = vector.broadcast %abs3A_322 : vector<1x512xi32> to vector<1024x512xi32>
    %xor3A_327 = arith.xori %xor3A_325, %xor3A_326 : vector<1024x512xi32>
    %add3A_328 = arith.constant 1 : i32
    %add3A_329 = vector.broadcast %add3A_328 : i32 to vector<1024x512xi32>
    %add3A_330 = arith.addi %xor3A_327, %add3A_329 : vector<1024x512xi32>
    %clz3A_331 = math.ctlz %add3A_330 : vector<1024x512xi32>
    %mul3A_332 = vector.broadcast %select_n3A_321 : vector<1x512xi32> to vector<1024x512xi32>
    %mul3A_333 = arith.muli %mul3A_332, %clz3A_331 : vector<1024x512xi32>
    %add3A_334 = arith.addi %add3A_310, %mul3A_333 : vector<1024x512xi32>
    %slice3A_335 = vector.extract_strided_slice %convert_element_type3A_65 {offsets = [11, 0], sizes = [1, 512], strides = [1, 1]} : vector<32x512xi32> to vector<1x512xi32>
    %slice3A_336 = vector.extract_strided_slice %get3A_70 {offsets = [11, 0], sizes = [1, 512], strides = [1, 1]} : vector<32x512xi32> to vector<1x512xi32>
    %select_n3A_337 = arith.select %ge3A_67, %slice3A_335, %slice3A_336 : vector<1x512xi1>, vector<1x512xi32>
    %ge3A_338 = arith.constant 0 : i32
    %ge3A_339 = vector.broadcast %ge3A_338 : i32 to vector<1x512xi32>
    %ge3A_340 = arith.cmpi sge, %select_n3A_337, %ge3A_339 : vector<1x512xi32>
    %jit3A_341 = arith.constant 1 : i32
    %jit3A_342 = arith.constant -1 : i32
    %broadcast_in_dim3A_343 = vector.broadcast %jit3A_341 : i32 to vector<1x512xi32>
    %broadcast_in_dim3A_344 = vector.broadcast %jit3A_342 : i32 to vector<1x512xi32>
    %select_n3A_345 = arith.select %ge3A_340, %broadcast_in_dim3A_343, %broadcast_in_dim3A_344 : vector<1x512xi1>, vector<1x512xi32>
    %abs3A_346 = math.absi %select_n3A_337 : vector<1x512xi32>
    %add3A_347 = arith.addi %add3A_323, %select_n3A_345 : vector<1x512xi32>
    %slice3A_348 = vector.extract_strided_slice %convert_element_type3A_33 {offsets = [0, 11], sizes = [1024, 1], strides = [1, 1]} : vector<1024x32xi32> to vector<1024x1xi32>
    %xor3A_349 = vector.broadcast %slice3A_348 : vector<1024x1xi32> to vector<1024x512xi32>
    %xor3A_350 = vector.broadcast %abs3A_346 : vector<1x512xi32> to vector<1024x512xi32>
    %xor3A_351 = arith.xori %xor3A_349, %xor3A_350 : vector<1024x512xi32>
    %add3A_352 = arith.constant 1 : i32
    %add3A_353 = vector.broadcast %add3A_352 : i32 to vector<1024x512xi32>
    %add3A_354 = arith.addi %xor3A_351, %add3A_353 : vector<1024x512xi32>
    %clz3A_355 = math.ctlz %add3A_354 : vector<1024x512xi32>
    %mul3A_356 = vector.broadcast %select_n3A_345 : vector<1x512xi32> to vector<1024x512xi32>
    %mul3A_357 = arith.muli %mul3A_356, %clz3A_355 : vector<1024x512xi32>
    %add3A_358 = arith.addi %add3A_334, %mul3A_357 : vector<1024x512xi32>
    %slice3A_359 = vector.extract_strided_slice %convert_element_type3A_65 {offsets = [12, 0], sizes = [1, 512], strides = [1, 1]} : vector<32x512xi32> to vector<1x512xi32>
    %slice3A_360 = vector.extract_strided_slice %get3A_70 {offsets = [12, 0], sizes = [1, 512], strides = [1, 1]} : vector<32x512xi32> to vector<1x512xi32>
    %select_n3A_361 = arith.select %ge3A_67, %slice3A_359, %slice3A_360 : vector<1x512xi1>, vector<1x512xi32>
    %ge3A_362 = arith.constant 0 : i32
    %ge3A_363 = vector.broadcast %ge3A_362 : i32 to vector<1x512xi32>
    %ge3A_364 = arith.cmpi sge, %select_n3A_361, %ge3A_363 : vector<1x512xi32>
    %jit3A_365 = arith.constant 1 : i32
    %jit3A_366 = arith.constant -1 : i32
    %broadcast_in_dim3A_367 = vector.broadcast %jit3A_365 : i32 to vector<1x512xi32>
    %broadcast_in_dim3A_368 = vector.broadcast %jit3A_366 : i32 to vector<1x512xi32>
    %select_n3A_369 = arith.select %ge3A_364, %broadcast_in_dim3A_367, %broadcast_in_dim3A_368 : vector<1x512xi1>, vector<1x512xi32>
    %abs3A_370 = math.absi %select_n3A_361 : vector<1x512xi32>
    %add3A_371 = arith.addi %add3A_347, %select_n3A_369 : vector<1x512xi32>
    %slice3A_372 = vector.extract_strided_slice %convert_element_type3A_33 {offsets = [0, 12], sizes = [1024, 1], strides = [1, 1]} : vector<1024x32xi32> to vector<1024x1xi32>
    %xor3A_373 = vector.broadcast %slice3A_372 : vector<1024x1xi32> to vector<1024x512xi32>
    %xor3A_374 = vector.broadcast %abs3A_370 : vector<1x512xi32> to vector<1024x512xi32>
    %xor3A_375 = arith.xori %xor3A_373, %xor3A_374 : vector<1024x512xi32>
    %add3A_376 = arith.constant 1 : i32
    %add3A_377 = vector.broadcast %add3A_376 : i32 to vector<1024x512xi32>
    %add3A_378 = arith.addi %xor3A_375, %add3A_377 : vector<1024x512xi32>
    %clz3A_379 = math.ctlz %add3A_378 : vector<1024x512xi32>
    %mul3A_380 = vector.broadcast %select_n3A_369 : vector<1x512xi32> to vector<1024x512xi32>
    %mul3A_381 = arith.muli %mul3A_380, %clz3A_379 : vector<1024x512xi32>
    %add3A_382 = arith.addi %add3A_358, %mul3A_381 : vector<1024x512xi32>
    %slice3A_383 = vector.extract_strided_slice %convert_element_type3A_65 {offsets = [13, 0], sizes = [1, 512], strides = [1, 1]} : vector<32x512xi32> to vector<1x512xi32>
    %slice3A_384 = vector.extract_strided_slice %get3A_70 {offsets = [13, 0], sizes = [1, 512], strides = [1, 1]} : vector<32x512xi32> to vector<1x512xi32>
    %select_n3A_385 = arith.select %ge3A_67, %slice3A_383, %slice3A_384 : vector<1x512xi1>, vector<1x512xi32>
    %ge3A_386 = arith.constant 0 : i32
    %ge3A_387 = vector.broadcast %ge3A_386 : i32 to vector<1x512xi32>
    %ge3A_388 = arith.cmpi sge, %select_n3A_385, %ge3A_387 : vector<1x512xi32>
    %jit3A_389 = arith.constant 1 : i32
    %jit3A_390 = arith.constant -1 : i32
    %broadcast_in_dim3A_391 = vector.broadcast %jit3A_389 : i32 to vector<1x512xi32>
    %broadcast_in_dim3A_392 = vector.broadcast %jit3A_390 : i32 to vector<1x512xi32>
    %select_n3A_393 = arith.select %ge3A_388, %broadcast_in_dim3A_391, %broadcast_in_dim3A_392 : vector<1x512xi1>, vector<1x512xi32>
    %abs3A_394 = math.absi %select_n3A_385 : vector<1x512xi32>
    %add3A_395 = arith.addi %add3A_371, %select_n3A_393 : vector<1x512xi32>
    %slice3A_396 = vector.extract_strided_slice %convert_element_type3A_33 {offsets = [0, 13], sizes = [1024, 1], strides = [1, 1]} : vector<1024x32xi32> to vector<1024x1xi32>
    %xor3A_397 = vector.broadcast %slice3A_396 : vector<1024x1xi32> to vector<1024x512xi32>
    %xor3A_398 = vector.broadcast %abs3A_394 : vector<1x512xi32> to vector<1024x512xi32>
    %xor3A_399 = arith.xori %xor3A_397, %xor3A_398 : vector<1024x512xi32>
    %add3A_400 = arith.constant 1 : i32
    %add3A_401 = vector.broadcast %add3A_400 : i32 to vector<1024x512xi32>
    %add3A_402 = arith.addi %xor3A_399, %add3A_401 : vector<1024x512xi32>
    %clz3A_403 = math.ctlz %add3A_402 : vector<1024x512xi32>
    %mul3A_404 = vector.broadcast %select_n3A_393 : vector<1x512xi32> to vector<1024x512xi32>
    %mul3A_405 = arith.muli %mul3A_404, %clz3A_403 : vector<1024x512xi32>
    %add3A_406 = arith.addi %add3A_382, %mul3A_405 : vector<1024x512xi32>
    %slice3A_407 = vector.extract_strided_slice %convert_element_type3A_65 {offsets = [14, 0], sizes = [1, 512], strides = [1, 1]} : vector<32x512xi32> to vector<1x512xi32>
    %slice3A_408 = vector.extract_strided_slice %get3A_70 {offsets = [14, 0], sizes = [1, 512], strides = [1, 1]} : vector<32x512xi32> to vector<1x512xi32>
    %select_n3A_409 = arith.select %ge3A_67, %slice3A_407, %slice3A_408 : vector<1x512xi1>, vector<1x512xi32>
    %ge3A_410 = arith.constant 0 : i32
    %ge3A_411 = vector.broadcast %ge3A_410 : i32 to vector<1x512xi32>
    %ge3A_412 = arith.cmpi sge, %select_n3A_409, %ge3A_411 : vector<1x512xi32>
    %jit3A_413 = arith.constant 1 : i32
    %jit3A_414 = arith.constant -1 : i32
    %broadcast_in_dim3A_415 = vector.broadcast %jit3A_413 : i32 to vector<1x512xi32>
    %broadcast_in_dim3A_416 = vector.broadcast %jit3A_414 : i32 to vector<1x512xi32>
    %select_n3A_417 = arith.select %ge3A_412, %broadcast_in_dim3A_415, %broadcast_in_dim3A_416 : vector<1x512xi1>, vector<1x512xi32>
    %abs3A_418 = math.absi %select_n3A_409 : vector<1x512xi32>
    %add3A_419 = arith.addi %add3A_395, %select_n3A_417 : vector<1x512xi32>
    %slice3A_420 = vector.extract_strided_slice %convert_element_type3A_33 {offsets = [0, 14], sizes = [1024, 1], strides = [1, 1]} : vector<1024x32xi32> to vector<1024x1xi32>
    %xor3A_421 = vector.broadcast %slice3A_420 : vector<1024x1xi32> to vector<1024x512xi32>
    %xor3A_422 = vector.broadcast %abs3A_418 : vector<1x512xi32> to vector<1024x512xi32>
    %xor3A_423 = arith.xori %xor3A_421, %xor3A_422 : vector<1024x512xi32>
    %add3A_424 = arith.constant 1 : i32
    %add3A_425 = vector.broadcast %add3A_424 : i32 to vector<1024x512xi32>
    %add3A_426 = arith.addi %xor3A_423, %add3A_425 : vector<1024x512xi32>
    %clz3A_427 = math.ctlz %add3A_426 : vector<1024x512xi32>
    %mul3A_428 = vector.broadcast %select_n3A_417 : vector<1x512xi32> to vector<1024x512xi32>
    %mul3A_429 = arith.muli %mul3A_428, %clz3A_427 : vector<1024x512xi32>
    %add3A_430 = arith.addi %add3A_406, %mul3A_429 : vector<1024x512xi32>
    %slice3A_431 = vector.extract_strided_slice %convert_element_type3A_65 {offsets = [15, 0], sizes = [1, 512], strides = [1, 1]} : vector<32x512xi32> to vector<1x512xi32>
    %slice3A_432 = vector.extract_strided_slice %get3A_70 {offsets = [15, 0], sizes = [1, 512], strides = [1, 1]} : vector<32x512xi32> to vector<1x512xi32>
    %select_n3A_433 = arith.select %ge3A_67, %slice3A_431, %slice3A_432 : vector<1x512xi1>, vector<1x512xi32>
    %ge3A_434 = arith.constant 0 : i32
    %ge3A_435 = vector.broadcast %ge3A_434 : i32 to vector<1x512xi32>
    %ge3A_436 = arith.cmpi sge, %select_n3A_433, %ge3A_435 : vector<1x512xi32>
    %jit3A_437 = arith.constant 1 : i32
    %jit3A_438 = arith.constant -1 : i32
    %broadcast_in_dim3A_439 = vector.broadcast %jit3A_437 : i32 to vector<1x512xi32>
    %broadcast_in_dim3A_440 = vector.broadcast %jit3A_438 : i32 to vector<1x512xi32>
    %select_n3A_441 = arith.select %ge3A_436, %broadcast_in_dim3A_439, %broadcast_in_dim3A_440 : vector<1x512xi1>, vector<1x512xi32>
    %abs3A_442 = math.absi %select_n3A_433 : vector<1x512xi32>
    %add3A_443 = arith.addi %add3A_419, %select_n3A_441 : vector<1x512xi32>
    %slice3A_444 = vector.extract_strided_slice %convert_element_type3A_33 {offsets = [0, 15], sizes = [1024, 1], strides = [1, 1]} : vector<1024x32xi32> to vector<1024x1xi32>
    %xor3A_445 = vector.broadcast %slice3A_444 : vector<1024x1xi32> to vector<1024x512xi32>
    %xor3A_446 = vector.broadcast %abs3A_442 : vector<1x512xi32> to vector<1024x512xi32>
    %xor3A_447 = arith.xori %xor3A_445, %xor3A_446 : vector<1024x512xi32>
    %add3A_448 = arith.constant 1 : i32
    %add3A_449 = vector.broadcast %add3A_448 : i32 to vector<1024x512xi32>
    %add3A_450 = arith.addi %xor3A_447, %add3A_449 : vector<1024x512xi32>
    %clz3A_451 = math.ctlz %add3A_450 : vector<1024x512xi32>
    %mul3A_452 = vector.broadcast %select_n3A_441 : vector<1x512xi32> to vector<1024x512xi32>
    %mul3A_453 = arith.muli %mul3A_452, %clz3A_451 : vector<1024x512xi32>
    %add3A_454 = arith.addi %add3A_430, %mul3A_453 : vector<1024x512xi32>
    %slice3A_455 = vector.extract_strided_slice %convert_element_type3A_65 {offsets = [16, 0], sizes = [1, 512], strides = [1, 1]} : vector<32x512xi32> to vector<1x512xi32>
    %slice3A_456 = vector.extract_strided_slice %get3A_70 {offsets = [16, 0], sizes = [1, 512], strides = [1, 1]} : vector<32x512xi32> to vector<1x512xi32>
    %select_n3A_457 = arith.select %ge3A_67, %slice3A_455, %slice3A_456 : vector<1x512xi1>, vector<1x512xi32>
    %ge3A_458 = arith.constant 0 : i32
    %ge3A_459 = vector.broadcast %ge3A_458 : i32 to vector<1x512xi32>
    %ge3A_460 = arith.cmpi sge, %select_n3A_457, %ge3A_459 : vector<1x512xi32>
    %jit3A_461 = arith.constant 1 : i32
    %jit3A_462 = arith.constant -1 : i32
    %broadcast_in_dim3A_463 = vector.broadcast %jit3A_461 : i32 to vector<1x512xi32>
    %broadcast_in_dim3A_464 = vector.broadcast %jit3A_462 : i32 to vector<1x512xi32>
    %select_n3A_465 = arith.select %ge3A_460, %broadcast_in_dim3A_463, %broadcast_in_dim3A_464 : vector<1x512xi1>, vector<1x512xi32>
    %abs3A_466 = math.absi %select_n3A_457 : vector<1x512xi32>
    %add3A_467 = arith.addi %add3A_443, %select_n3A_465 : vector<1x512xi32>
    %slice3A_468 = vector.extract_strided_slice %convert_element_type3A_33 {offsets = [0, 16], sizes = [1024, 1], strides = [1, 1]} : vector<1024x32xi32> to vector<1024x1xi32>
    %xor3A_469 = vector.broadcast %slice3A_468 : vector<1024x1xi32> to vector<1024x512xi32>
    %xor3A_470 = vector.broadcast %abs3A_466 : vector<1x512xi32> to vector<1024x512xi32>
    %xor3A_471 = arith.xori %xor3A_469, %xor3A_470 : vector<1024x512xi32>
    %add3A_472 = arith.constant 1 : i32
    %add3A_473 = vector.broadcast %add3A_472 : i32 to vector<1024x512xi32>
    %add3A_474 = arith.addi %xor3A_471, %add3A_473 : vector<1024x512xi32>
    %clz3A_475 = math.ctlz %add3A_474 : vector<1024x512xi32>
    %mul3A_476 = vector.broadcast %select_n3A_465 : vector<1x512xi32> to vector<1024x512xi32>
    %mul3A_477 = arith.muli %mul3A_476, %clz3A_475 : vector<1024x512xi32>
    %add3A_478 = arith.addi %add3A_454, %mul3A_477 : vector<1024x512xi32>
    %slice3A_479 = vector.extract_strided_slice %convert_element_type3A_65 {offsets = [17, 0], sizes = [1, 512], strides = [1, 1]} : vector<32x512xi32> to vector<1x512xi32>
    %slice3A_480 = vector.extract_strided_slice %get3A_70 {offsets = [17, 0], sizes = [1, 512], strides = [1, 1]} : vector<32x512xi32> to vector<1x512xi32>
    %select_n3A_481 = arith.select %ge3A_67, %slice3A_479, %slice3A_480 : vector<1x512xi1>, vector<1x512xi32>
    %ge3A_482 = arith.constant 0 : i32
    %ge3A_483 = vector.broadcast %ge3A_482 : i32 to vector<1x512xi32>
    %ge3A_484 = arith.cmpi sge, %select_n3A_481, %ge3A_483 : vector<1x512xi32>
    %jit3A_485 = arith.constant 1 : i32
    %jit3A_486 = arith.constant -1 : i32
    %broadcast_in_dim3A_487 = vector.broadcast %jit3A_485 : i32 to vector<1x512xi32>
    %broadcast_in_dim3A_488 = vector.broadcast %jit3A_486 : i32 to vector<1x512xi32>
    %select_n3A_489 = arith.select %ge3A_484, %broadcast_in_dim3A_487, %broadcast_in_dim3A_488 : vector<1x512xi1>, vector<1x512xi32>
    %abs3A_490 = math.absi %select_n3A_481 : vector<1x512xi32>
    %add3A_491 = arith.addi %add3A_467, %select_n3A_489 : vector<1x512xi32>
    %slice3A_492 = vector.extract_strided_slice %convert_element_type3A_33 {offsets = [0, 17], sizes = [1024, 1], strides = [1, 1]} : vector<1024x32xi32> to vector<1024x1xi32>
    %xor3A_493 = vector.broadcast %slice3A_492 : vector<1024x1xi32> to vector<1024x512xi32>
    %xor3A_494 = vector.broadcast %abs3A_490 : vector<1x512xi32> to vector<1024x512xi32>
    %xor3A_495 = arith.xori %xor3A_493, %xor3A_494 : vector<1024x512xi32>
    %add3A_496 = arith.constant 1 : i32
    %add3A_497 = vector.broadcast %add3A_496 : i32 to vector<1024x512xi32>
    %add3A_498 = arith.addi %xor3A_495, %add3A_497 : vector<1024x512xi32>
    %clz3A_499 = math.ctlz %add3A_498 : vector<1024x512xi32>
    %mul3A_500 = vector.broadcast %select_n3A_489 : vector<1x512xi32> to vector<1024x512xi32>
    %mul3A_501 = arith.muli %mul3A_500, %clz3A_499 : vector<1024x512xi32>
    %add3A_502 = arith.addi %add3A_478, %mul3A_501 : vector<1024x512xi32>
    %slice3A_503 = vector.extract_strided_slice %convert_element_type3A_65 {offsets = [18, 0], sizes = [1, 512], strides = [1, 1]} : vector<32x512xi32> to vector<1x512xi32>
    %slice3A_504 = vector.extract_strided_slice %get3A_70 {offsets = [18, 0], sizes = [1, 512], strides = [1, 1]} : vector<32x512xi32> to vector<1x512xi32>
    %select_n3A_505 = arith.select %ge3A_67, %slice3A_503, %slice3A_504 : vector<1x512xi1>, vector<1x512xi32>
    %ge3A_506 = arith.constant 0 : i32
    %ge3A_507 = vector.broadcast %ge3A_506 : i32 to vector<1x512xi32>
    %ge3A_508 = arith.cmpi sge, %select_n3A_505, %ge3A_507 : vector<1x512xi32>
    %jit3A_509 = arith.constant 1 : i32
    %jit3A_510 = arith.constant -1 : i32
    %broadcast_in_dim3A_511 = vector.broadcast %jit3A_509 : i32 to vector<1x512xi32>
    %broadcast_in_dim3A_512 = vector.broadcast %jit3A_510 : i32 to vector<1x512xi32>
    %select_n3A_513 = arith.select %ge3A_508, %broadcast_in_dim3A_511, %broadcast_in_dim3A_512 : vector<1x512xi1>, vector<1x512xi32>
    %abs3A_514 = math.absi %select_n3A_505 : vector<1x512xi32>
    %add3A_515 = arith.addi %add3A_491, %select_n3A_513 : vector<1x512xi32>
    %slice3A_516 = vector.extract_strided_slice %convert_element_type3A_33 {offsets = [0, 18], sizes = [1024, 1], strides = [1, 1]} : vector<1024x32xi32> to vector<1024x1xi32>
    %xor3A_517 = vector.broadcast %slice3A_516 : vector<1024x1xi32> to vector<1024x512xi32>
    %xor3A_518 = vector.broadcast %abs3A_514 : vector<1x512xi32> to vector<1024x512xi32>
    %xor3A_519 = arith.xori %xor3A_517, %xor3A_518 : vector<1024x512xi32>
    %add3A_520 = arith.constant 1 : i32
    %add3A_521 = vector.broadcast %add3A_520 : i32 to vector<1024x512xi32>
    %add3A_522 = arith.addi %xor3A_519, %add3A_521 : vector<1024x512xi32>
    %clz3A_523 = math.ctlz %add3A_522 : vector<1024x512xi32>
    %mul3A_524 = vector.broadcast %select_n3A_513 : vector<1x512xi32> to vector<1024x512xi32>
    %mul3A_525 = arith.muli %mul3A_524, %clz3A_523 : vector<1024x512xi32>
    %add3A_526 = arith.addi %add3A_502, %mul3A_525 : vector<1024x512xi32>
    %slice3A_527 = vector.extract_strided_slice %convert_element_type3A_65 {offsets = [19, 0], sizes = [1, 512], strides = [1, 1]} : vector<32x512xi32> to vector<1x512xi32>
    %slice3A_528 = vector.extract_strided_slice %get3A_70 {offsets = [19, 0], sizes = [1, 512], strides = [1, 1]} : vector<32x512xi32> to vector<1x512xi32>
    %select_n3A_529 = arith.select %ge3A_67, %slice3A_527, %slice3A_528 : vector<1x512xi1>, vector<1x512xi32>
    %ge3A_530 = arith.constant 0 : i32
    %ge3A_531 = vector.broadcast %ge3A_530 : i32 to vector<1x512xi32>
    %ge3A_532 = arith.cmpi sge, %select_n3A_529, %ge3A_531 : vector<1x512xi32>
    %jit3A_533 = arith.constant 1 : i32
    %jit3A_534 = arith.constant -1 : i32
    %broadcast_in_dim3A_535 = vector.broadcast %jit3A_533 : i32 to vector<1x512xi32>
    %broadcast_in_dim3A_536 = vector.broadcast %jit3A_534 : i32 to vector<1x512xi32>
    %select_n3A_537 = arith.select %ge3A_532, %broadcast_in_dim3A_535, %broadcast_in_dim3A_536 : vector<1x512xi1>, vector<1x512xi32>
    %abs3A_538 = math.absi %select_n3A_529 : vector<1x512xi32>
    %add3A_539 = arith.addi %add3A_515, %select_n3A_537 : vector<1x512xi32>
    %slice3A_540 = vector.extract_strided_slice %convert_element_type3A_33 {offsets = [0, 19], sizes = [1024, 1], strides = [1, 1]} : vector<1024x32xi32> to vector<1024x1xi32>
    %xor3A_541 = vector.broadcast %slice3A_540 : vector<1024x1xi32> to vector<1024x512xi32>
    %xor3A_542 = vector.broadcast %abs3A_538 : vector<1x512xi32> to vector<1024x512xi32>
    %xor3A_543 = arith.xori %xor3A_541, %xor3A_542 : vector<1024x512xi32>
    %add3A_544 = arith.constant 1 : i32
    %add3A_545 = vector.broadcast %add3A_544 : i32 to vector<1024x512xi32>
    %add3A_546 = arith.addi %xor3A_543, %add3A_545 : vector<1024x512xi32>
    %clz3A_547 = math.ctlz %add3A_546 : vector<1024x512xi32>
    %mul3A_548 = vector.broadcast %select_n3A_537 : vector<1x512xi32> to vector<1024x512xi32>
    %mul3A_549 = arith.muli %mul3A_548, %clz3A_547 : vector<1024x512xi32>
    %add3A_550 = arith.addi %add3A_526, %mul3A_549 : vector<1024x512xi32>
    %slice3A_551 = vector.extract_strided_slice %convert_element_type3A_65 {offsets = [20, 0], sizes = [1, 512], strides = [1, 1]} : vector<32x512xi32> to vector<1x512xi32>
    %slice3A_552 = vector.extract_strided_slice %get3A_70 {offsets = [20, 0], sizes = [1, 512], strides = [1, 1]} : vector<32x512xi32> to vector<1x512xi32>
    %select_n3A_553 = arith.select %ge3A_67, %slice3A_551, %slice3A_552 : vector<1x512xi1>, vector<1x512xi32>
    %ge3A_554 = arith.constant 0 : i32
    %ge3A_555 = vector.broadcast %ge3A_554 : i32 to vector<1x512xi32>
    %ge3A_556 = arith.cmpi sge, %select_n3A_553, %ge3A_555 : vector<1x512xi32>
    %jit3A_557 = arith.constant 1 : i32
    %jit3A_558 = arith.constant -1 : i32
    %broadcast_in_dim3A_559 = vector.broadcast %jit3A_557 : i32 to vector<1x512xi32>
    %broadcast_in_dim3A_560 = vector.broadcast %jit3A_558 : i32 to vector<1x512xi32>
    %select_n3A_561 = arith.select %ge3A_556, %broadcast_in_dim3A_559, %broadcast_in_dim3A_560 : vector<1x512xi1>, vector<1x512xi32>
    %abs3A_562 = math.absi %select_n3A_553 : vector<1x512xi32>
    %add3A_563 = arith.addi %add3A_539, %select_n3A_561 : vector<1x512xi32>
    %slice3A_564 = vector.extract_strided_slice %convert_element_type3A_33 {offsets = [0, 20], sizes = [1024, 1], strides = [1, 1]} : vector<1024x32xi32> to vector<1024x1xi32>
    %xor3A_565 = vector.broadcast %slice3A_564 : vector<1024x1xi32> to vector<1024x512xi32>
    %xor3A_566 = vector.broadcast %abs3A_562 : vector<1x512xi32> to vector<1024x512xi32>
    %xor3A_567 = arith.xori %xor3A_565, %xor3A_566 : vector<1024x512xi32>
    %add3A_568 = arith.constant 1 : i32
    %add3A_569 = vector.broadcast %add3A_568 : i32 to vector<1024x512xi32>
    %add3A_570 = arith.addi %xor3A_567, %add3A_569 : vector<1024x512xi32>
    %clz3A_571 = math.ctlz %add3A_570 : vector<1024x512xi32>
    %mul3A_572 = vector.broadcast %select_n3A_561 : vector<1x512xi32> to vector<1024x512xi32>
    %mul3A_573 = arith.muli %mul3A_572, %clz3A_571 : vector<1024x512xi32>
    %add3A_574 = arith.addi %add3A_550, %mul3A_573 : vector<1024x512xi32>
    %slice3A_575 = vector.extract_strided_slice %convert_element_type3A_65 {offsets = [21, 0], sizes = [1, 512], strides = [1, 1]} : vector<32x512xi32> to vector<1x512xi32>
    %slice3A_576 = vector.extract_strided_slice %get3A_70 {offsets = [21, 0], sizes = [1, 512], strides = [1, 1]} : vector<32x512xi32> to vector<1x512xi32>
    %select_n3A_577 = arith.select %ge3A_67, %slice3A_575, %slice3A_576 : vector<1x512xi1>, vector<1x512xi32>
    %ge3A_578 = arith.constant 0 : i32
    %ge3A_579 = vector.broadcast %ge3A_578 : i32 to vector<1x512xi32>
    %ge3A_580 = arith.cmpi sge, %select_n3A_577, %ge3A_579 : vector<1x512xi32>
    %jit3A_581 = arith.constant 1 : i32
    %jit3A_582 = arith.constant -1 : i32
    %broadcast_in_dim3A_583 = vector.broadcast %jit3A_581 : i32 to vector<1x512xi32>
    %broadcast_in_dim3A_584 = vector.broadcast %jit3A_582 : i32 to vector<1x512xi32>
    %select_n3A_585 = arith.select %ge3A_580, %broadcast_in_dim3A_583, %broadcast_in_dim3A_584 : vector<1x512xi1>, vector<1x512xi32>
    %abs3A_586 = math.absi %select_n3A_577 : vector<1x512xi32>
    %add3A_587 = arith.addi %add3A_563, %select_n3A_585 : vector<1x512xi32>
    %slice3A_588 = vector.extract_strided_slice %convert_element_type3A_33 {offsets = [0, 21], sizes = [1024, 1], strides = [1, 1]} : vector<1024x32xi32> to vector<1024x1xi32>
    %xor3A_589 = vector.broadcast %slice3A_588 : vector<1024x1xi32> to vector<1024x512xi32>
    %xor3A_590 = vector.broadcast %abs3A_586 : vector<1x512xi32> to vector<1024x512xi32>
    %xor3A_591 = arith.xori %xor3A_589, %xor3A_590 : vector<1024x512xi32>
    %add3A_592 = arith.constant 1 : i32
    %add3A_593 = vector.broadcast %add3A_592 : i32 to vector<1024x512xi32>
    %add3A_594 = arith.addi %xor3A_591, %add3A_593 : vector<1024x512xi32>
    %clz3A_595 = math.ctlz %add3A_594 : vector<1024x512xi32>
    %mul3A_596 = vector.broadcast %select_n3A_585 : vector<1x512xi32> to vector<1024x512xi32>
    %mul3A_597 = arith.muli %mul3A_596, %clz3A_595 : vector<1024x512xi32>
    %add3A_598 = arith.addi %add3A_574, %mul3A_597 : vector<1024x512xi32>
    %slice3A_599 = vector.extract_strided_slice %convert_element_type3A_65 {offsets = [22, 0], sizes = [1, 512], strides = [1, 1]} : vector<32x512xi32> to vector<1x512xi32>
    %slice3A_600 = vector.extract_strided_slice %get3A_70 {offsets = [22, 0], sizes = [1, 512], strides = [1, 1]} : vector<32x512xi32> to vector<1x512xi32>
    %select_n3A_601 = arith.select %ge3A_67, %slice3A_599, %slice3A_600 : vector<1x512xi1>, vector<1x512xi32>
    %ge3A_602 = arith.constant 0 : i32
    %ge3A_603 = vector.broadcast %ge3A_602 : i32 to vector<1x512xi32>
    %ge3A_604 = arith.cmpi sge, %select_n3A_601, %ge3A_603 : vector<1x512xi32>
    %jit3A_605 = arith.constant 1 : i32
    %jit3A_606 = arith.constant -1 : i32
    %broadcast_in_dim3A_607 = vector.broadcast %jit3A_605 : i32 to vector<1x512xi32>
    %broadcast_in_dim3A_608 = vector.broadcast %jit3A_606 : i32 to vector<1x512xi32>
    %select_n3A_609 = arith.select %ge3A_604, %broadcast_in_dim3A_607, %broadcast_in_dim3A_608 : vector<1x512xi1>, vector<1x512xi32>
    %abs3A_610 = math.absi %select_n3A_601 : vector<1x512xi32>
    %add3A_611 = arith.addi %add3A_587, %select_n3A_609 : vector<1x512xi32>
    %slice3A_612 = vector.extract_strided_slice %convert_element_type3A_33 {offsets = [0, 22], sizes = [1024, 1], strides = [1, 1]} : vector<1024x32xi32> to vector<1024x1xi32>
    %xor3A_613 = vector.broadcast %slice3A_612 : vector<1024x1xi32> to vector<1024x512xi32>
    %xor3A_614 = vector.broadcast %abs3A_610 : vector<1x512xi32> to vector<1024x512xi32>
    %xor3A_615 = arith.xori %xor3A_613, %xor3A_614 : vector<1024x512xi32>
    %add3A_616 = arith.constant 1 : i32
    %add3A_617 = vector.broadcast %add3A_616 : i32 to vector<1024x512xi32>
    %add3A_618 = arith.addi %xor3A_615, %add3A_617 : vector<1024x512xi32>
    %clz3A_619 = math.ctlz %add3A_618 : vector<1024x512xi32>
    %mul3A_620 = vector.broadcast %select_n3A_609 : vector<1x512xi32> to vector<1024x512xi32>
    %mul3A_621 = arith.muli %mul3A_620, %clz3A_619 : vector<1024x512xi32>
    %add3A_622 = arith.addi %add3A_598, %mul3A_621 : vector<1024x512xi32>
    %slice3A_623 = vector.extract_strided_slice %convert_element_type3A_65 {offsets = [23, 0], sizes = [1, 512], strides = [1, 1]} : vector<32x512xi32> to vector<1x512xi32>
    %slice3A_624 = vector.extract_strided_slice %get3A_70 {offsets = [23, 0], sizes = [1, 512], strides = [1, 1]} : vector<32x512xi32> to vector<1x512xi32>
    %select_n3A_625 = arith.select %ge3A_67, %slice3A_623, %slice3A_624 : vector<1x512xi1>, vector<1x512xi32>
    %ge3A_626 = arith.constant 0 : i32
    %ge3A_627 = vector.broadcast %ge3A_626 : i32 to vector<1x512xi32>
    %ge3A_628 = arith.cmpi sge, %select_n3A_625, %ge3A_627 : vector<1x512xi32>
    %jit3A_629 = arith.constant 1 : i32
    %jit3A_630 = arith.constant -1 : i32
    %broadcast_in_dim3A_631 = vector.broadcast %jit3A_629 : i32 to vector<1x512xi32>
    %broadcast_in_dim3A_632 = vector.broadcast %jit3A_630 : i32 to vector<1x512xi32>
    %select_n3A_633 = arith.select %ge3A_628, %broadcast_in_dim3A_631, %broadcast_in_dim3A_632 : vector<1x512xi1>, vector<1x512xi32>
    %abs3A_634 = math.absi %select_n3A_625 : vector<1x512xi32>
    %add3A_635 = arith.addi %add3A_611, %select_n3A_633 : vector<1x512xi32>
    %slice3A_636 = vector.extract_strided_slice %convert_element_type3A_33 {offsets = [0, 23], sizes = [1024, 1], strides = [1, 1]} : vector<1024x32xi32> to vector<1024x1xi32>
    %xor3A_637 = vector.broadcast %slice3A_636 : vector<1024x1xi32> to vector<1024x512xi32>
    %xor3A_638 = vector.broadcast %abs3A_634 : vector<1x512xi32> to vector<1024x512xi32>
    %xor3A_639 = arith.xori %xor3A_637, %xor3A_638 : vector<1024x512xi32>
    %add3A_640 = arith.constant 1 : i32
    %add3A_641 = vector.broadcast %add3A_640 : i32 to vector<1024x512xi32>
    %add3A_642 = arith.addi %xor3A_639, %add3A_641 : vector<1024x512xi32>
    %clz3A_643 = math.ctlz %add3A_642 : vector<1024x512xi32>
    %mul3A_644 = vector.broadcast %select_n3A_633 : vector<1x512xi32> to vector<1024x512xi32>
    %mul3A_645 = arith.muli %mul3A_644, %clz3A_643 : vector<1024x512xi32>
    %add3A_646 = arith.addi %add3A_622, %mul3A_645 : vector<1024x512xi32>
    %slice3A_647 = vector.extract_strided_slice %convert_element_type3A_65 {offsets = [24, 0], sizes = [1, 512], strides = [1, 1]} : vector<32x512xi32> to vector<1x512xi32>
    %slice3A_648 = vector.extract_strided_slice %get3A_70 {offsets = [24, 0], sizes = [1, 512], strides = [1, 1]} : vector<32x512xi32> to vector<1x512xi32>
    %select_n3A_649 = arith.select %ge3A_67, %slice3A_647, %slice3A_648 : vector<1x512xi1>, vector<1x512xi32>
    %ge3A_650 = arith.constant 0 : i32
    %ge3A_651 = vector.broadcast %ge3A_650 : i32 to vector<1x512xi32>
    %ge3A_652 = arith.cmpi sge, %select_n3A_649, %ge3A_651 : vector<1x512xi32>
    %jit3A_653 = arith.constant 1 : i32
    %jit3A_654 = arith.constant -1 : i32
    %broadcast_in_dim3A_655 = vector.broadcast %jit3A_653 : i32 to vector<1x512xi32>
    %broadcast_in_dim3A_656 = vector.broadcast %jit3A_654 : i32 to vector<1x512xi32>
    %select_n3A_657 = arith.select %ge3A_652, %broadcast_in_dim3A_655, %broadcast_in_dim3A_656 : vector<1x512xi1>, vector<1x512xi32>
    %abs3A_658 = math.absi %select_n3A_649 : vector<1x512xi32>
    %add3A_659 = arith.addi %add3A_635, %select_n3A_657 : vector<1x512xi32>
    %slice3A_660 = vector.extract_strided_slice %convert_element_type3A_33 {offsets = [0, 24], sizes = [1024, 1], strides = [1, 1]} : vector<1024x32xi32> to vector<1024x1xi32>
    %xor3A_661 = vector.broadcast %slice3A_660 : vector<1024x1xi32> to vector<1024x512xi32>
    %xor3A_662 = vector.broadcast %abs3A_658 : vector<1x512xi32> to vector<1024x512xi32>
    %xor3A_663 = arith.xori %xor3A_661, %xor3A_662 : vector<1024x512xi32>
    %add3A_664 = arith.constant 1 : i32
    %add3A_665 = vector.broadcast %add3A_664 : i32 to vector<1024x512xi32>
    %add3A_666 = arith.addi %xor3A_663, %add3A_665 : vector<1024x512xi32>
    %clz3A_667 = math.ctlz %add3A_666 : vector<1024x512xi32>
    %mul3A_668 = vector.broadcast %select_n3A_657 : vector<1x512xi32> to vector<1024x512xi32>
    %mul3A_669 = arith.muli %mul3A_668, %clz3A_667 : vector<1024x512xi32>
    %add3A_670 = arith.addi %add3A_646, %mul3A_669 : vector<1024x512xi32>
    %slice3A_671 = vector.extract_strided_slice %convert_element_type3A_65 {offsets = [25, 0], sizes = [1, 512], strides = [1, 1]} : vector<32x512xi32> to vector<1x512xi32>
    %slice3A_672 = vector.extract_strided_slice %get3A_70 {offsets = [25, 0], sizes = [1, 512], strides = [1, 1]} : vector<32x512xi32> to vector<1x512xi32>
    %select_n3A_673 = arith.select %ge3A_67, %slice3A_671, %slice3A_672 : vector<1x512xi1>, vector<1x512xi32>
    %ge3A_674 = arith.constant 0 : i32
    %ge3A_675 = vector.broadcast %ge3A_674 : i32 to vector<1x512xi32>
    %ge3A_676 = arith.cmpi sge, %select_n3A_673, %ge3A_675 : vector<1x512xi32>
    %jit3A_677 = arith.constant 1 : i32
    %jit3A_678 = arith.constant -1 : i32
    %broadcast_in_dim3A_679 = vector.broadcast %jit3A_677 : i32 to vector<1x512xi32>
    %broadcast_in_dim3A_680 = vector.broadcast %jit3A_678 : i32 to vector<1x512xi32>
    %select_n3A_681 = arith.select %ge3A_676, %broadcast_in_dim3A_679, %broadcast_in_dim3A_680 : vector<1x512xi1>, vector<1x512xi32>
    %abs3A_682 = math.absi %select_n3A_673 : vector<1x512xi32>
    %add3A_683 = arith.addi %add3A_659, %select_n3A_681 : vector<1x512xi32>
    %slice3A_684 = vector.extract_strided_slice %convert_element_type3A_33 {offsets = [0, 25], sizes = [1024, 1], strides = [1, 1]} : vector<1024x32xi32> to vector<1024x1xi32>
    %xor3A_685 = vector.broadcast %slice3A_684 : vector<1024x1xi32> to vector<1024x512xi32>
    %xor3A_686 = vector.broadcast %abs3A_682 : vector<1x512xi32> to vector<1024x512xi32>
    %xor3A_687 = arith.xori %xor3A_685, %xor3A_686 : vector<1024x512xi32>
    %add3A_688 = arith.constant 1 : i32
    %add3A_689 = vector.broadcast %add3A_688 : i32 to vector<1024x512xi32>
    %add3A_690 = arith.addi %xor3A_687, %add3A_689 : vector<1024x512xi32>
    %clz3A_691 = math.ctlz %add3A_690 : vector<1024x512xi32>
    %mul3A_692 = vector.broadcast %select_n3A_681 : vector<1x512xi32> to vector<1024x512xi32>
    %mul3A_693 = arith.muli %mul3A_692, %clz3A_691 : vector<1024x512xi32>
    %add3A_694 = arith.addi %add3A_670, %mul3A_693 : vector<1024x512xi32>
    %slice3A_695 = vector.extract_strided_slice %convert_element_type3A_65 {offsets = [26, 0], sizes = [1, 512], strides = [1, 1]} : vector<32x512xi32> to vector<1x512xi32>
    %slice3A_696 = vector.extract_strided_slice %get3A_70 {offsets = [26, 0], sizes = [1, 512], strides = [1, 1]} : vector<32x512xi32> to vector<1x512xi32>
    %select_n3A_697 = arith.select %ge3A_67, %slice3A_695, %slice3A_696 : vector<1x512xi1>, vector<1x512xi32>
    %ge3A_698 = arith.constant 0 : i32
    %ge3A_699 = vector.broadcast %ge3A_698 : i32 to vector<1x512xi32>
    %ge3A_700 = arith.cmpi sge, %select_n3A_697, %ge3A_699 : vector<1x512xi32>
    %jit3A_701 = arith.constant 1 : i32
    %jit3A_702 = arith.constant -1 : i32
    %broadcast_in_dim3A_703 = vector.broadcast %jit3A_701 : i32 to vector<1x512xi32>
    %broadcast_in_dim3A_704 = vector.broadcast %jit3A_702 : i32 to vector<1x512xi32>
    %select_n3A_705 = arith.select %ge3A_700, %broadcast_in_dim3A_703, %broadcast_in_dim3A_704 : vector<1x512xi1>, vector<1x512xi32>
    %abs3A_706 = math.absi %select_n3A_697 : vector<1x512xi32>
    %add3A_707 = arith.addi %add3A_683, %select_n3A_705 : vector<1x512xi32>
    %slice3A_708 = vector.extract_strided_slice %convert_element_type3A_33 {offsets = [0, 26], sizes = [1024, 1], strides = [1, 1]} : vector<1024x32xi32> to vector<1024x1xi32>
    %xor3A_709 = vector.broadcast %slice3A_708 : vector<1024x1xi32> to vector<1024x512xi32>
    %xor3A_710 = vector.broadcast %abs3A_706 : vector<1x512xi32> to vector<1024x512xi32>
    %xor3A_711 = arith.xori %xor3A_709, %xor3A_710 : vector<1024x512xi32>
    %add3A_712 = arith.constant 1 : i32
    %add3A_713 = vector.broadcast %add3A_712 : i32 to vector<1024x512xi32>
    %add3A_714 = arith.addi %xor3A_711, %add3A_713 : vector<1024x512xi32>
    %clz3A_715 = math.ctlz %add3A_714 : vector<1024x512xi32>
    %mul3A_716 = vector.broadcast %select_n3A_705 : vector<1x512xi32> to vector<1024x512xi32>
    %mul3A_717 = arith.muli %mul3A_716, %clz3A_715 : vector<1024x512xi32>
    %add3A_718 = arith.addi %add3A_694, %mul3A_717 : vector<1024x512xi32>
    %slice3A_719 = vector.extract_strided_slice %convert_element_type3A_65 {offsets = [27, 0], sizes = [1, 512], strides = [1, 1]} : vector<32x512xi32> to vector<1x512xi32>
    %slice3A_720 = vector.extract_strided_slice %get3A_70 {offsets = [27, 0], sizes = [1, 512], strides = [1, 1]} : vector<32x512xi32> to vector<1x512xi32>
    %select_n3A_721 = arith.select %ge3A_67, %slice3A_719, %slice3A_720 : vector<1x512xi1>, vector<1x512xi32>
    %ge3A_722 = arith.constant 0 : i32
    %ge3A_723 = vector.broadcast %ge3A_722 : i32 to vector<1x512xi32>
    %ge3A_724 = arith.cmpi sge, %select_n3A_721, %ge3A_723 : vector<1x512xi32>
    %jit3A_725 = arith.constant 1 : i32
    %jit3A_726 = arith.constant -1 : i32
    %broadcast_in_dim3A_727 = vector.broadcast %jit3A_725 : i32 to vector<1x512xi32>
    %broadcast_in_dim3A_728 = vector.broadcast %jit3A_726 : i32 to vector<1x512xi32>
    %select_n3A_729 = arith.select %ge3A_724, %broadcast_in_dim3A_727, %broadcast_in_dim3A_728 : vector<1x512xi1>, vector<1x512xi32>
    %abs3A_730 = math.absi %select_n3A_721 : vector<1x512xi32>
    %add3A_731 = arith.addi %add3A_707, %select_n3A_729 : vector<1x512xi32>
    %slice3A_732 = vector.extract_strided_slice %convert_element_type3A_33 {offsets = [0, 27], sizes = [1024, 1], strides = [1, 1]} : vector<1024x32xi32> to vector<1024x1xi32>
    %xor3A_733 = vector.broadcast %slice3A_732 : vector<1024x1xi32> to vector<1024x512xi32>
    %xor3A_734 = vector.broadcast %abs3A_730 : vector<1x512xi32> to vector<1024x512xi32>
    %xor3A_735 = arith.xori %xor3A_733, %xor3A_734 : vector<1024x512xi32>
    %add3A_736 = arith.constant 1 : i32
    %add3A_737 = vector.broadcast %add3A_736 : i32 to vector<1024x512xi32>
    %add3A_738 = arith.addi %xor3A_735, %add3A_737 : vector<1024x512xi32>
    %clz3A_739 = math.ctlz %add3A_738 : vector<1024x512xi32>
    %mul3A_740 = vector.broadcast %select_n3A_729 : vector<1x512xi32> to vector<1024x512xi32>
    %mul3A_741 = arith.muli %mul3A_740, %clz3A_739 : vector<1024x512xi32>
    %add3A_742 = arith.addi %add3A_718, %mul3A_741 : vector<1024x512xi32>
    %slice3A_743 = vector.extract_strided_slice %convert_element_type3A_65 {offsets = [28, 0], sizes = [1, 512], strides = [1, 1]} : vector<32x512xi32> to vector<1x512xi32>
    %slice3A_744 = vector.extract_strided_slice %get3A_70 {offsets = [28, 0], sizes = [1, 512], strides = [1, 1]} : vector<32x512xi32> to vector<1x512xi32>
    %select_n3A_745 = arith.select %ge3A_67, %slice3A_743, %slice3A_744 : vector<1x512xi1>, vector<1x512xi32>
    %ge3A_746 = arith.constant 0 : i32
    %ge3A_747 = vector.broadcast %ge3A_746 : i32 to vector<1x512xi32>
    %ge3A_748 = arith.cmpi sge, %select_n3A_745, %ge3A_747 : vector<1x512xi32>
    %jit3A_749 = arith.constant 1 : i32
    %jit3A_750 = arith.constant -1 : i32
    %broadcast_in_dim3A_751 = vector.broadcast %jit3A_749 : i32 to vector<1x512xi32>
    %broadcast_in_dim3A_752 = vector.broadcast %jit3A_750 : i32 to vector<1x512xi32>
    %select_n3A_753 = arith.select %ge3A_748, %broadcast_in_dim3A_751, %broadcast_in_dim3A_752 : vector<1x512xi1>, vector<1x512xi32>
    %abs3A_754 = math.absi %select_n3A_745 : vector<1x512xi32>
    %add3A_755 = arith.addi %add3A_731, %select_n3A_753 : vector<1x512xi32>
    %slice3A_756 = vector.extract_strided_slice %convert_element_type3A_33 {offsets = [0, 28], sizes = [1024, 1], strides = [1, 1]} : vector<1024x32xi32> to vector<1024x1xi32>
    %xor3A_757 = vector.broadcast %slice3A_756 : vector<1024x1xi32> to vector<1024x512xi32>
    %xor3A_758 = vector.broadcast %abs3A_754 : vector<1x512xi32> to vector<1024x512xi32>
    %xor3A_759 = arith.xori %xor3A_757, %xor3A_758 : vector<1024x512xi32>
    %add3A_760 = arith.constant 1 : i32
    %add3A_761 = vector.broadcast %add3A_760 : i32 to vector<1024x512xi32>
    %add3A_762 = arith.addi %xor3A_759, %add3A_761 : vector<1024x512xi32>
    %clz3A_763 = math.ctlz %add3A_762 : vector<1024x512xi32>
    %mul3A_764 = vector.broadcast %select_n3A_753 : vector<1x512xi32> to vector<1024x512xi32>
    %mul3A_765 = arith.muli %mul3A_764, %clz3A_763 : vector<1024x512xi32>
    %add3A_766 = arith.addi %add3A_742, %mul3A_765 : vector<1024x512xi32>
    %slice3A_767 = vector.extract_strided_slice %convert_element_type3A_65 {offsets = [29, 0], sizes = [1, 512], strides = [1, 1]} : vector<32x512xi32> to vector<1x512xi32>
    %slice3A_768 = vector.extract_strided_slice %get3A_70 {offsets = [29, 0], sizes = [1, 512], strides = [1, 1]} : vector<32x512xi32> to vector<1x512xi32>
    %select_n3A_769 = arith.select %ge3A_67, %slice3A_767, %slice3A_768 : vector<1x512xi1>, vector<1x512xi32>
    %ge3A_770 = arith.constant 0 : i32
    %ge3A_771 = vector.broadcast %ge3A_770 : i32 to vector<1x512xi32>
    %ge3A_772 = arith.cmpi sge, %select_n3A_769, %ge3A_771 : vector<1x512xi32>
    %jit3A_773 = arith.constant 1 : i32
    %jit3A_774 = arith.constant -1 : i32
    %broadcast_in_dim3A_775 = vector.broadcast %jit3A_773 : i32 to vector<1x512xi32>
    %broadcast_in_dim3A_776 = vector.broadcast %jit3A_774 : i32 to vector<1x512xi32>
    %select_n3A_777 = arith.select %ge3A_772, %broadcast_in_dim3A_775, %broadcast_in_dim3A_776 : vector<1x512xi1>, vector<1x512xi32>
    %abs3A_778 = math.absi %select_n3A_769 : vector<1x512xi32>
    %add3A_779 = arith.addi %add3A_755, %select_n3A_777 : vector<1x512xi32>
    %slice3A_780 = vector.extract_strided_slice %convert_element_type3A_33 {offsets = [0, 29], sizes = [1024, 1], strides = [1, 1]} : vector<1024x32xi32> to vector<1024x1xi32>
    %xor3A_781 = vector.broadcast %slice3A_780 : vector<1024x1xi32> to vector<1024x512xi32>
    %xor3A_782 = vector.broadcast %abs3A_778 : vector<1x512xi32> to vector<1024x512xi32>
    %xor3A_783 = arith.xori %xor3A_781, %xor3A_782 : vector<1024x512xi32>
    %add3A_784 = arith.constant 1 : i32
    %add3A_785 = vector.broadcast %add3A_784 : i32 to vector<1024x512xi32>
    %add3A_786 = arith.addi %xor3A_783, %add3A_785 : vector<1024x512xi32>
    %clz3A_787 = math.ctlz %add3A_786 : vector<1024x512xi32>
    %mul3A_788 = vector.broadcast %select_n3A_777 : vector<1x512xi32> to vector<1024x512xi32>
    %mul3A_789 = arith.muli %mul3A_788, %clz3A_787 : vector<1024x512xi32>
    %add3A_790 = arith.addi %add3A_766, %mul3A_789 : vector<1024x512xi32>
    %slice3A_791 = vector.extract_strided_slice %convert_element_type3A_65 {offsets = [30, 0], sizes = [1, 512], strides = [1, 1]} : vector<32x512xi32> to vector<1x512xi32>
    %slice3A_792 = vector.extract_strided_slice %get3A_70 {offsets = [30, 0], sizes = [1, 512], strides = [1, 1]} : vector<32x512xi32> to vector<1x512xi32>
    %select_n3A_793 = arith.select %ge3A_67, %slice3A_791, %slice3A_792 : vector<1x512xi1>, vector<1x512xi32>
    %ge3A_794 = arith.constant 0 : i32
    %ge3A_795 = vector.broadcast %ge3A_794 : i32 to vector<1x512xi32>
    %ge3A_796 = arith.cmpi sge, %select_n3A_793, %ge3A_795 : vector<1x512xi32>
    %jit3A_797 = arith.constant 1 : i32
    %jit3A_798 = arith.constant -1 : i32
    %broadcast_in_dim3A_799 = vector.broadcast %jit3A_797 : i32 to vector<1x512xi32>
    %broadcast_in_dim3A_800 = vector.broadcast %jit3A_798 : i32 to vector<1x512xi32>
    %select_n3A_801 = arith.select %ge3A_796, %broadcast_in_dim3A_799, %broadcast_in_dim3A_800 : vector<1x512xi1>, vector<1x512xi32>
    %abs3A_802 = math.absi %select_n3A_793 : vector<1x512xi32>
    %add3A_803 = arith.addi %add3A_779, %select_n3A_801 : vector<1x512xi32>
    %slice3A_804 = vector.extract_strided_slice %convert_element_type3A_33 {offsets = [0, 30], sizes = [1024, 1], strides = [1, 1]} : vector<1024x32xi32> to vector<1024x1xi32>
    %xor3A_805 = vector.broadcast %slice3A_804 : vector<1024x1xi32> to vector<1024x512xi32>
    %xor3A_806 = vector.broadcast %abs3A_802 : vector<1x512xi32> to vector<1024x512xi32>
    %xor3A_807 = arith.xori %xor3A_805, %xor3A_806 : vector<1024x512xi32>
    %add3A_808 = arith.constant 1 : i32
    %add3A_809 = vector.broadcast %add3A_808 : i32 to vector<1024x512xi32>
    %add3A_810 = arith.addi %xor3A_807, %add3A_809 : vector<1024x512xi32>
    %clz3A_811 = math.ctlz %add3A_810 : vector<1024x512xi32>
    %mul3A_812 = vector.broadcast %select_n3A_801 : vector<1x512xi32> to vector<1024x512xi32>
    %mul3A_813 = arith.muli %mul3A_812, %clz3A_811 : vector<1024x512xi32>
    %add3A_814 = arith.addi %add3A_790, %mul3A_813 : vector<1024x512xi32>
    %slice3A_815 = vector.extract_strided_slice %convert_element_type3A_65 {offsets = [31, 0], sizes = [1, 512], strides = [1, 1]} : vector<32x512xi32> to vector<1x512xi32>
    %slice3A_816 = vector.extract_strided_slice %get3A_70 {offsets = [31, 0], sizes = [1, 512], strides = [1, 1]} : vector<32x512xi32> to vector<1x512xi32>
    %select_n3A_817 = arith.select %ge3A_67, %slice3A_815, %slice3A_816 : vector<1x512xi1>, vector<1x512xi32>
    %ge3A_818 = arith.constant 0 : i32
    %ge3A_819 = vector.broadcast %ge3A_818 : i32 to vector<1x512xi32>
    %ge3A_820 = arith.cmpi sge, %select_n3A_817, %ge3A_819 : vector<1x512xi32>
    %jit3A_821 = arith.constant 1 : i32
    %jit3A_822 = arith.constant -1 : i32
    %broadcast_in_dim3A_823 = vector.broadcast %jit3A_821 : i32 to vector<1x512xi32>
    %broadcast_in_dim3A_824 = vector.broadcast %jit3A_822 : i32 to vector<1x512xi32>
    %select_n3A_825 = arith.select %ge3A_820, %broadcast_in_dim3A_823, %broadcast_in_dim3A_824 : vector<1x512xi1>, vector<1x512xi32>
    %abs3A_826 = math.absi %select_n3A_817 : vector<1x512xi32>
    %add3A_827 = arith.addi %add3A_803, %select_n3A_825 : vector<1x512xi32>
    %slice3A_828 = vector.extract_strided_slice %convert_element_type3A_33 {offsets = [0, 31], sizes = [1024, 1], strides = [1, 1]} : vector<1024x32xi32> to vector<1024x1xi32>
    %xor3A_829 = vector.broadcast %slice3A_828 : vector<1024x1xi32> to vector<1024x512xi32>
    %xor3A_830 = vector.broadcast %abs3A_826 : vector<1x512xi32> to vector<1024x512xi32>
    %xor3A_831 = arith.xori %xor3A_829, %xor3A_830 : vector<1024x512xi32>
    %add3A_832 = arith.constant 1 : i32
    %add3A_833 = vector.broadcast %add3A_832 : i32 to vector<1024x512xi32>
    %add3A_834 = arith.addi %xor3A_831, %add3A_833 : vector<1024x512xi32>
    %clz3A_835 = math.ctlz %add3A_834 : vector<1024x512xi32>
    %mul3A_836 = vector.broadcast %select_n3A_825 : vector<1x512xi32> to vector<1024x512xi32>
    %mul3A_837 = arith.muli %mul3A_836, %clz3A_835 : vector<1024x512xi32>
    %add3A_838 = arith.addi %add3A_814, %mul3A_837 : vector<1024x512xi32>
    %mul3A_839 = arith.constant 16 : i32
    %mul3A_840 = vector.broadcast %mul3A_839 : i32 to vector<1x512xi32>
    %mul3A_841 = arith.muli %mul3A_840, %add3A_827 : vector<1x512xi32>
    %sub3A = vector.broadcast %mul3A_841 : vector<1x512xi32> to vector<1024x512xi32>
    %sub3A_842 = arith.subi %add3A_838, %sub3A : vector<1024x512xi32>
    %convert_element_type3A_843 = arith.sitofp %sub3A_842 : vector<1024x512xi32> to vector<1024x512xf32>
    %mul3A_844 = arith.constant 6.250000e-02 : f32
    %mul3A_845 = vector.broadcast %mul3A_844 : f32 to vector<1024x512xf32>
    %mul3A_846 = arith.mulf %convert_element_type3A_843, %mul3A_845 : vector<1024x512xf32>
    %get3A_847 = arith.constant 0 : index
    %get3A_848 = arith.constant 0 : index
    %get3A_849 = vector.load %arg6[%get3A_847, %get3A_848] : memref<1024x512xf32, #tpu.memory_space<vmem>>, vector<1024x512xf32>
    %mul3A_850 = arith.mulf %get3A_849, %mul3A_846 : vector<1024x512xf32>
    %swap3A = arith.constant 0 : index
    %swap3A_851 = arith.constant 0 : index
    %swap3A_852 = vector.load %arg7[%swap3A, %swap3A_851] : memref<1024x512xf32, #tpu.memory_space<vmem>>, vector<1024x512xf32>
    tpu.vector_store %arg7[%swap3A, %swap3A_851], %mul3A_850 {strides = array<i32>} : memref<1024x512xf32, #tpu.memory_space<vmem>>, vector<1024x512xf32>,
    return
  }
}

</mosaic_0001>

<sc_bundles>
// kernel: kernel.4.cloned.1.call-start
scs
__scs_entry_jumppad:
0x0: {  	(pc) =	sbr.rel $0x88, $3  }
0x1: {  	(tag) =	ssettag $0x0;
	lr =	simm.s32 $0x1  }
0x2: {  	[smem:$0x3F9C] =	sst lr;
	_ =	strace $0xD0000000  }
0x3: {  	_ = 	snop  }
0x4: {  	_ = 	snop  }
0x5: {  	_ = 	snop  }
0x6: {  	_ = 	snop  }
0x7: {  	_ = 	snop  }
__scs_overlays_trampoline_lowered:
0x8: {  	[smem:$0x3FAB] =	sst s0  }
0x9: {  	[smem:$0x3FAC] =	sst s1  }
0xa: {  	[smem:$0x3FAD] =	sst s2  }
0xb: {  	[smem:$0x3FAE] =	sst s3  }
0xc: {  	[smem:$0x3FAF] =	sst s4  }
0xd: {  	[smem:$0x3FB0] =	sst s5  }
0xe: {  	[smem:$0x3FB1] =	sst s6  }
0xf: {  	[smem:$0x3FB2] =	sst s7  }
0x10: {  	[smem:$0x3FB3] =	sst s8  }
0x11: {  	[smem:$0x3FB4] =	sst s9;
	s0 =	simm.s32 @!p0 $0x0  }
0x12: {  	s1 =	sld [smem:$0x3F9A];
	s0 =	simm.s32 @p0 $0x1  }
0x13: {  	[smem:$0x3FB5] =	sst s0;
	s0 =	simm.s32 @!p1 $0x0  }
0x14: {  	s2 =	sld [smem:$0x3F99];
	s0 =	simm.s32 @p1 $0x1  }
0x15: {  	[smem:$0x3FB6] =	sst s0;
	s0 =	simm.s32 @!p2 $0x0  }
0x16: {  	s3 =	sld [smem:$0x3FDB];
	s0 =	simm.s32 @p2 $0x1  }
0x17: {  	s4 =	simm.s32 $0x1BF5;
	[smem:$0x3FB8] =	sst s0  }
0x18: {  	s0 =	sld [smem:$0x3F9B];
	_ =	swait.ge [sflag:s4], $0x0  }
0x19: {  	s7 =	sld [smem:$0x3F9C]  }
0x1a: {  	s8 =	sadd.s32 $0xFFFFE003, lr  }
0x1b: {  	s9 =	sadd.s32 $0xFFFFFEF7, lr;
	s5 =	simm.s32 $0xFFFFFFFF;
	p2 =	slt.u32 s8, $0xFFFFF086  }
0x1c: {  	p1 =	slt.u32 s9, $0xF7A;
	s5 =	simm.s32 @!p2 $0x0  }
0x1d: {  	s5 =	simm.s32 @p1 $0x1;
	p0 =	seq.s32 s7, s2  }
0x1e: {  	s7 =	smul.u32 @!p0 $0xF7A, s2;
	p2 =	seq.s32 @!p0 s5, $0x0  }
0x1f: {  	s9 =	smul.u32 $0xF7A, s1;
	s8 =	simm.s32 @!p0 $0x1BF5;
	p2 =	por !p2, p0  }
0x20: {  	[sflag:s8] =	ssyncset.s32 @!p0 $0xFFFFF086;
	s6 =	sadd.s32 @!p0 s3, s7;
	s7 =	simm.s32 @!p0 $0x108  }
0x21: {  	s3 =	sadd.s32 s3, s9;
	s6 =	sadd.s32 @!p0 $0x88, s6;
	s7 =	simm.s32 @p2 $0x1082  }
0x22: {  	[simem:s7], [sflag:s8] =	dma.local @!p0 [hbm:s6], $0xF7A  }
0x23: {  	s9 =	sor.u32 $0xD0000000, s2;
	s6 =	simm.s32 $0x108;
	_ =	swait.ge @!p0 [sflag:s8], $0x0  }
0x24: {  	s3 =	sadd.s32 $0x88, s3;
	s6 =	simm.s32 @!p1 $0x1082;
	[sflag:s4] =	ssyncset.s32 $0xFFFFF086  }
0x25: {  	[simem:s6], [sflag:s4] =	dma.local [hbm:s3], $0xF7A  }
0x26: {  	[smem:$0x3F9C] =	sst s1;
	(tag) =	ssettag s2;
	_ =	strace s9  }
0x27: {  	s1 =	sld [smem:$0x3FAC]  }
0x28: {  	s2 =	sld [smem:$0x3FAD]  }
0x29: {  	s4 =	sld [smem:$0x3FAF]  }
0x2a: {  	p0 =	seq.s32 s5, $0x0;
	s5 =	sld [smem:$0x3FB0]  }
0x2b: {  	s6 =	sld [smem:$0x3FB1]  }
0x2c: {  	s7 =	sld [smem:$0x3FB2]  }
0x2d: {  	s3 =	simm.s32 $0x108;
	s8 =	sld [smem:$0x3FB3]  }
0x2e: {  	s3 =	simm.s32 @!p0 $0x1082;
	s9 =	sld [smem:$0x3FB4]  }
0x2f: {  	lr =	sadd.s32 s0, s3;
	s0 =	sld [smem:$0x3FAB]  }
0x30: {  	s3 =	sld [smem:$0x3FAE]  }
0x31: {  	[smem:$0x3FB7] =	sst s10  }
0x32: {  	s10 =	sld [smem:$0x3FB5];
	_ =	sdelay $0x3  }
0x33: {  	p0 =	seq.s32 s10, $0x1;
	s10 =	sld [smem:$0x3FB7];
	_ =	sdelay $0x3  }
0x34: {  	[smem:$0x3FB7] =	sst s10  }
0x35: {  	s10 =	sld [smem:$0x3FB6];
	_ =	sdelay $0x3  }
0x36: {  	p1 =	seq.s32 s10, $0x1;
	s10 =	sld [smem:$0x3FB7];
	_ =	sdelay $0x3  }
0x37: {  	[smem:$0x3FB7] =	sst s10  }
0x38: {  	s10 =	sld [smem:$0x3FB8]  }
0x39: {  	_ = 	snop;
	(pc) =	sbr.ind lr, $3  }
0x3a: {  	_ = 	snop  }
0x3b: {  	_ = 	snop  }
0x3c: {  	p2 =	seq.s32 s10, $0x1;
	s10 =	sld [smem:$0x3FB7]  }
0x3d: {  	_ =	shalt  }
0x3e: {  	_ =	shalt  }
0x3f: {  	_ =	shalt  }
0x40: {  	_ =	shalt  }
0x41: {  	_ =	shalt  }
0x42: {  	_ =	shalt  }
0x43: {  	_ =	shalt  }
0x44: {  	_ =	shalt  }
0x45: {  	_ =	shalt  }
0x46: {  	_ =	shalt  }
0x47: {  	_ =	shalt  }
0x48: {  	_ =	shalt  }
0x49: {  	_ =	shalt  }
0x4a: {  	_ =	shalt  }
0x4b: {  	_ =	shalt  }
0x4c: {  	_ =	shalt  }
0x4d: {  	_ =	shalt  }
0x4e: {  	_ =	shalt  }
0x4f: {  	_ =	shalt  }
0x50: {  	_ =	shalt  }
0x51: {  	_ =	shalt  }
0x52: {  	_ =	shalt  }
0x53: {  	_ =	shalt  }
0x54: {  	_ =	shalt  }
0x55: {  	_ =	shalt  }
0x56: {  	_ =	shalt  }
0x57: {  	_ =	shalt  }
0x58: {  	_ =	shalt  }
0x59: {  	_ =	shalt  }
0x5a: {  	_ =	shalt  }
0x5b: {  	_ =	shalt  }
0x5c: {  	_ =	shalt  }
0x5d: {  	_ =	shalt  }
0x5e: {  	_ =	shalt  }
0x5f: {  	_ =	shalt  }
0x60: {  	_ =	shalt  }
0x61: {  	_ =	shalt  }
0x62: {  	_ =	shalt  }
0x63: {  	_ =	shalt  }
0x64: {  	_ =	shalt  }
0x65: {  	_ =	shalt  }
0x66: {  	_ =	shalt  }
0x67: {  	_ =	shalt  }
0x68: {  	_ =	shalt  }
0x69: {  	_ =	shalt  }
0x6a: {  	_ =	shalt  }
0x6b: {  	_ =	shalt  }
0x6c: {  	_ =	shalt  }
0x6d: {  	_ =	shalt  }
0x6e: {  	_ =	shalt  }
0x6f: {  	_ =	shalt  }
0x70: {  	_ =	shalt  }
0x71: {  	_ =	shalt  }
0x72: {  	_ =	shalt  }
0x73: {  	_ =	shalt  }
0x74: {  	_ =	shalt  }
0x75: {  	_ =	shalt  }
0x76: {  	_ =	shalt  }
0x77: {  	_ =	shalt  }
0x78: {  	_ =	shalt  }
0x79: {  	_ =	shalt  }
0x7a: {  	_ =	shalt  }
0x7b: {  	_ =	shalt  }
0x7c: {  	_ =	shalt  }
0x7d: {  	_ =	shalt  }
0x7e: {  	_ =	shalt  }
0x7f: {  	_ =	shalt  }
0x80: {  	_ =	shalt  }
0x81: {  	_ =	shalt  }
0x82: {  	_ =	shalt  }
0x83: {  	_ =	shalt  }
0x84: {  	_ =	shalt  }
0x85: {  	_ =	shalt  }
0x86: {  	_ =	shalt  }
0x87: {  	_ =	shalt  }
.Lfunc_end0:
.L_simem_size_0:
called_computation_lowered:
.L_overlay_start_0:
0x88: {  	s2 =	sld [smem:$0x3FD9]  }
0x89: {  	s3 =	sld [smem:$0x3FFE];
	_ =	sdelay $0x1  }
0x8a: {  	s1 =	srdreg.scid  }
0x8b: {  	s0 =	sand.u32 $0x1, s1  }
0x8c: {  	s17 =	sshll.u32 s0, $0xA;
	s2 =	sadd.s32 s3, s2  }
0x8d: {  	s2 =	sadd.s32 s2, s17  }
0x8e: {  	[smem:$0x3FC3] =	sst s2  }
0x8f: {  	_ = 	snop  }
0x90: {  	s2 =	sld [smem:$0x3FD0];
	(tm) =	ssettm $0x1  }
0x91: {  	s18 =	sld [smem:$0x3FFB];
	_ =	sdelay $0x3  }
0x92: {  	_ =	strace s18  }
0x93: {  	s3 =	sld [smem:$0x3FFC];
	_ =	sdelay $0x3  }
0x94: {  	_ =	strace s3  }
0x95: {  	s3 =	sld [smem:$0x3FFD];
	_ =	sdelay $0x3  }
0x96: {  	_ =	strace s3  }
0x97: {  	_ =	strace $0x8FFFFFFF  }
0x98: {  	s19 =	sld [smem:$0x3FDB];
	_ =	sdelay $0x1  }
0x99: {  	s4 =	simm.s32 $_scs_section_size  }
0x9a: {  	s5 =	simm.s32 $_size__tile_overlayer_lowered;
	s6 =	simm.s32 $_tile_overlayer_lowered  }
0x9b: {  	s22 =	simm.s32 $0x1BFF;
	s21 =	sshll.u32 s6, $0x1;
	s3 =	sadd.s32 s4, s19  }
0x9c: {  	s7 =	simm.s32 $0x0;
	s20 =	sshll.u32 s5, $0x1;
	s5 =	sadd.s32 s21, s3  }
0x9d: {  	[timem:s7], [sflag:s22] =	dma.local [hbm:s5], s20  }
0x9e: {  	_ =	swait.ge [sflag:s22], s20  }
0x9f: {  	s4 =	ssub.s32 $0x0, s20;
	[sflag:s22] =	ssyncset.done $0x0  }
0xa0: {  	[sflag:s22] =	ssyncadd.s32 s4;
	_ =	sdelay $0x1  }
0xa1: {  	s23 =	simm.s32 $0x1B8B  }
0xa2: {  	_ =	swait.ge [sflag:s23], $0x1  }
0xa3: {  	[sflag:s23] =	ssyncset.done $0x0  }
0xa4: {  	s25 =	simm.s32 $0x1B8E;
	s24 =	sld [smem:$0x3FFE];
	[sflag:s23] =	ssyncadd.s32 $0xFFFFFFFF  }
0xa5: {  	s26 =	simm.s32 $execute0_lowered;
	[smem:$0x3FD2] =	sst s25  }
0xa6: {  	s5 =	sshll.u32 s26, $0x1;
	_ =	strace $0x80000046;
	[dreg:$0x1] =	wrdreg $0xFFFFFFFF  }
0xa7: {  	s28 =	simm.s32 $_size_execute0_lowered;
	s3 =	sadd.s32 s3, s5;
	[dreg:$0x0] =	wrdreg $0x0  }
0xa8: {  	s5 =	sshll.u32 s28, $0x1;
	[dreg:$0x2] =	wrdreg s3  }
0xa9: {  	[dreg:$0x3] =	wrdreg s5  }
0xaa: {  	[dreg:$0x4] =	wrdreg $0xC0  }
0xab: {  	_ =	task [dreg:s7], $0x5FFFF  }
0xac: {  	[dreg:$0x1] =	wrdreg $0xFFFFFFFF  }
0xad: {  	[dreg:$0x0] =	wrdreg $0x60  }
0xae: {  	[dreg:$0x2] =	wrdreg s24  }
0xaf: {  	[dreg:$0x3] =	wrdreg s2  }
0xb0: {  	[dreg:$0x4] =	wrdreg $0x9  }
0xb1: {  	_ =	task.clear_ibuf [dreg:s7], $0x5FFFF;
	_ =	strace $0x90000046  }
0xb2: {  	s29 =	simm.s32 $0x9;
	_ =	strace $0x80000048  }
0xb3: {  	_ =	swait.ge [sflag:s29], $0x1  }
0xb4: {  	[sflag:s29] =	ssyncadd.s32 $0xFFFFFFFF  }
0xb5: {  	_ =	strace $0x90000048  }
0xb6: {  	_ =	sfence  }
0xb7: {  	s30 =	sld [smem:$0x0];
	_ =	sdelay $0x2  }
0xb8: {  	s31 =	sshll.u32 s1, $0xD;
	s1 =	sshrl.u32 s1, $0x2  }
0xb9: {  	s3 =	sand.u32 $0x4000, s31;
	s1 =	sadd.s32 s1, s30  }
0xba: {  	s0 =	sor.u32 s3, s0;
	s1 =	sshll.u32 s1, $0x11  }
0xbb: {  	s0 =	sor.u32 s1, s0  }
0xbc: {  	s0 =	sadd.s32 $0x8F2B, s0  }
0xbd: {  	[sflag:s0] =	ssyncadd.remote.s32 $0x1  }
0xbe: {  	_ =	sfence.sel $0xFFFF  }
0xbf: {  	[dreg:$0x0] =	wrdreg $0xFFFFFFFF;
	(pc) =	sbr.abs _section_cstart, $3  }
0xc0: {  	[dreg:$0x1] =	wrdreg $0xFFFFFFFF  }
0xc1: {  	_ =	task.clear_ibuf [dreg:s7], $0x2FFFF;
	_ =	strace $0x9FFFFFFF  }
0xc2: {  	(tm) =	ssettm $0x7FFFFFFF  }
0xc3: {  	_ =	shalt  }
tec
execute0_lowered:
.L_overlay_start_1:
0x0: {  	(tag) =	ssettag $0x1  }
0x1: {  	s3 =	rddreg [dreg:$0x0]  }
0x2: {  	s2 =	rddreg [dreg:$0x1];
	s4 =	simm.s32 $0x0  }
0x3: {  	[smem:$0x7FF] =	sst s4;
	s6 =	sadd.s32 $0xC00, s3  }
0x4: {  	s10 =	sadd.s32 $0x3CD4, s3;
	_ =	strace $0x80000047;
	[dreg:$0x3] =	wrdreg s6  }
0x5: {  	s11 =	sadd.s32 $0x6DA8, s3;
	[dreg:$0x5] =	wrdreg s10  }
0x6: {  	s12 =	sadd.s32 $0x9E7C, s3;
	[dreg:$0x6] =	wrdreg s11  }
0x7: {  	s13 =	sadd.s32 $0xCF50, s3;
	[dreg:$0x7] =	wrdreg s12  }
0x8: {  	s14 =	sadd.s32 $0x10024, s3;
	[dreg:$0x8] =	wrdreg s13  }
0x9: {  	s15 =	sadd.s32 $0x130F8, s3;
	[dreg:$0x9] =	wrdreg s14  }
0xa: {  	s16 =	sadd.s32 $0x161CC, s3;
	[dreg:$0xa] =	wrdreg s15  }
0xb: {  	s17 =	sadd.s32 $0x192A0, s3;
	[dreg:$0xb] =	wrdreg s16  }
0xc: {  	s18 =	sadd.s32 $0x1C374, s3;
	[dreg:$0xc] =	wrdreg s17  }
0xd: {  	s19 =	sadd.s32 $0x1F448, s3;
	[dreg:$0xd] =	wrdreg s18  }
0xe: {  	s20 =	sadd.s32 $0x2251C, s3;
	[dreg:$0xe] =	wrdreg s19  }
0xf: {  	s21 =	sadd.s32 $0x255F0, s3;
	[dreg:$0xf] =	wrdreg s20  }
0x10: {  	s22 =	sadd.s32 $0x286C4, s3;
	[dreg:$0x10] =	wrdreg s21  }
0x11: {  	s23 =	sadd.s32 $0x2B798, s3;
	[dreg:$0x11] =	wrdreg s22  }
0x12: {  	s24 =	sadd.s32 $0x2E86C, s3;
	[dreg:$0x12] =	wrdreg s23  }
0x13: {  	s25 =	sadd.s32 $0x31940, s3;
	[dreg:$0x13] =	wrdreg s24  }
0x14: {  	s26 =	sadd.s32 $0x34A14, s3;
	[dreg:$0x14] =	wrdreg s25  }
0x15: {  	s28 =	sadd.s32 $0x37AE8, s3;
	[dreg:$0x15] =	wrdreg s26  }
0x16: {  	s7 =	sadd.s32 $0x3DC90, s3;
	[dreg:$0x16] =	wrdreg s28  }
0x17: {  	s8 =	sadd.s32 $0x40D64, s3;
	[dreg:$0x18] =	wrdreg s7  }
0x18: {  	s6 =	sadd.s32 $0x3ABBC, s3;
	[dreg:$0x19] =	wrdreg s8  }
0x19: {  	s10 =	sadd.s32 $0x43E38, s3;
	[dreg:$0x17] =	wrdreg s6  }
0x1a: {  	s11 =	sadd.s32 $0x46F0C, s3;
	[dreg:$0x1a] =	wrdreg s10  }
0x1b: {  	s12 =	sadd.s32 $0x49FE0, s3;
	[dreg:$0x1b] =	wrdreg s11  }
0x1c: {  	s0 =	srdreg.scid;
	s13 =	sadd.s32 $0x4D0B4, s3;
	[dreg:$0x1c] =	wrdreg s12  }
0x1d: {  	s9 =	stileid.u32;
	s14 =	sadd.s32 $0x50188, s3;
	[dreg:$0x1d] =	wrdreg s13  }
0x1e: {  	s31 =	simm.s32 $0x90;
	s15 =	sadd.s32 $0x5325C, s3;
	[dreg:$0x1e] =	wrdreg s14  }
0x1f: {  	s29 =	simm.s32 $0xB0;
	s16 =	sadd.s32 $0x56330, s3;
	[dreg:$0x1f] =	wrdreg s15  }
0x20: {  	p0 =	por $0x0, $0x0;
	s17 =	sadd.s32 $0x59404, s3;
	[smem:$0x7F3] =	sst s16  }
0x21: {  	s0 =	sand.u32 $0x1, s0;
	s18 =	sadd.s32 $0x5C4D8, s3;
	[smem:$0x7F4] =	sst s17  }
0x22: {  	s1 =	sshll.u32 s9, $0x2;
	s19 =	sadd.s32 $0x5F5AC, s3;
	[smem:$0x7F5] =	sst s18  }
0x23: {  	s5 =	sshll.u32 s0, $0x1;
	s21 =	simm.s32 $0x20;
	[smem:$0x7F6] =	sst s19  }
0x24: {  	s22 =	simm.s32 $0x30;
	s0 =	ssub.s32 $0x2, s0;
	[smem:$0x7F8] =	sst s21  }
0x25: {  	s23 =	simm.s32 $0x40;
	s25 =	simm.s32 $0x50;
	[smem:$0x7F9] =	sst s22  }
0x26: {  	s26 =	simm.s32 $0x60;
	s24 =	sshrl.u32 s0, $0x1;
	[smem:$0x7FA] =	sst s23  }
0x27: {  	s28 =	simm.s32 $0x70;
	[smem:$0x7FB] =	sst s25;
	s0 =	ssub.s32 s0, s24  }
0x28: {  	s5 =	sor.u32 s5, s1;
	[smem:$0x7FC] =	sst s26;
	s0 =	smax.u32 s0, $0x1  }
0x29: {  	[smem:$0x7FD] =	sst s28;
	s10 =	simm.s32 $0xC0;
	p1 =	sne.s32 s0, $0x1  }
.Ltmp0:
0x2a: {  	s12 =	simm.s32 $0x1B0;
	s13 =	simm.s32 $0x1E0;
	(pc) =	sbr.rel @!p1 .LBB2_1-.Ltmp0, $4  }
0x2b: {  	s11 =	simm.s32 $0x1F0;
	s1 =	sadd.s32 s5, s3;
	s20 =	sadd.s32 s2, s5  }
0x2c: {  	s6 =	simm.s32 $0x1;
	s1 =	sadd.s32 $0xA00, s1;
	[smem:$0x7F7] =	sst s20  }
0x2d: {  	s2 =	simm.s32 $0x2;
	s3 =	simm.s32 $0xA0;
	[dreg:$0x4] =	wrdreg s1  }
0x2e: {  	vm0 =	vmmov $0xffff;
	s5 =	simm.s32 $0x200;
	s30 =	sadd.s32 $0xFFFFFFFF, s0;
	s1 =	rddreg [dreg:$0x4]  }
0x2f: {  	[tilespmem:s4], [sflag:$0x2] =	stream.linear.gather [hbm4b:s1+s4], $0x10, $0x38;
	[tilespmem:$0x210] =	vst v63  }
0x30: {  	_ =	swait.ge [sflag:s2], $0x10  }
0x31: {  	s0 =	sld [smem:$0x7F9]  }
0x32: {  	[sflag:s2] =	ssyncset.done $0x0;
	s21 =	rddreg [dreg:$0x3]  }
0x33: {  	s7 =	sld [smem:$0x7F8];
	[sflag:s2] =	ssyncadd.s32 $0xFFFFFFF0  }
0x34: {  	s22 =	rddreg [dreg:$0x5];
	v0 =	vld [tilespmem:$0x0]  }
0x35: {  	s23 =	rddreg [dreg:$0x6]  }
0x36: {  	s24 =	sld [smem:$0x7FA]  }
0x37: {  	s25 =	rddreg [dreg:$0x7]  }
0x38: {  	s8 =	sld [smem:$0x7FB]  }
0x39: {  	s1 =	rddreg [dreg:$0x9]  }
0x3a: {  	[smem:$0x7F1] =	sst s0  }
0x3b: {  	s9 =	simm.s32 $0x10;
	[smem:$0x7F2] =	sst s8  }
0x3c: {  	[tilespmem:s9], [sflag:$0x1] =	stream.indirect_vreg.gather [hbm4b:s21+s4], $0x1, v0, vm0, $0xb8;
	[tilespmem:$0x210] =	vst v63  }
0x3d: {  	s26 =	sld [smem:$0x7F1]  }
0x3e: {  	[tilespmem:s7], [sflag:$0x1] =	stream.indirect_vreg.gather [hbm4b:s22+s4], $0x1, v0, vm0, $0xb8;
	[tilespmem:$0x210] =	vst v63  }
0x3f: {  	s0 =	rddreg [dreg:$0x8]  }
0x40: {  	[tilespmem:s26], [sflag:$0x1] =	stream.indirect_vreg.gather [hbm4b:s23+s4], $0x1, v0, vm0, $0xb8;
	[tilespmem:$0x210] =	vst v63  }
0x41: {  	s7 =	sld [smem:$0x7F2]  }
0x42: {  	[tilespmem:s24], [sflag:$0x1] =	stream.indirect_vreg.gather [hbm4b:s25+s4], $0x1, v0, vm0, $0xb8;
	[tilespmem:$0x210] =	vst v63  }
0x43: {  	s9 =	sld [smem:$0x7FC]  }
0x44: {  	[tilespmem:s7], [sflag:$0x1] =	stream.indirect_vreg.gather [hbm4b:s0+s4], $0x1, v0, vm0, $0xb8;
	[tilespmem:$0x210] =	vst v63  }
0x45: {  	s7 =	sld [smem:$0x7FD]  }
0x46: {  	s0 =	rddreg [dreg:$0xa]  }
0x47: {  	[tilespmem:s9], [sflag:$0x1] =	stream.indirect_vreg.gather [hbm4b:s1+s4], $0x1, v0, vm0, $0xb8;
	[tilespmem:$0x210] =	vst v63  }
0x48: {  	s9 =	rddreg [dreg:$0xb]  }
0x49: {  	[tilespmem:s7], [sflag:$0x1] =	stream.indirect_vreg.gather [hbm4b:s0+s4], $0x1, v0, vm0, $0xb8;
	[tilespmem:$0x210] =	vst v63  }
0x4a: {  	s0 =	rddreg [dreg:$0xc];
	s7 =	simm.s32 $0x80  }
0x4b: {  	[tilespmem:s7], [sflag:$0x1] =	stream.indirect_vreg.gather [hbm4b:s9+s4], $0x1, v0, vm0, $0xb8;
	[tilespmem:$0x210] =	vst v63  }
0x4c: {  	s7 =	rddreg [dreg:$0xd]  }
0x4d: {  	[tilespmem:s31], [sflag:$0x1] =	stream.indirect_vreg.gather [hbm4b:s0+s4], $0x1, v0, vm0, $0xb8;
	[tilespmem:$0x210] =	vst v63  }
0x4e: {  	s9 =	rddreg [dreg:$0xe]  }
0x4f: {  	[tilespmem:s3], [sflag:$0x1] =	stream.indirect_vreg.gather [hbm4b:s7+s4], $0x1, v0, vm0, $0xb8;
	[tilespmem:$0x210] =	vst v63  }
0x50: {  	s7 =	rddreg [dreg:$0xf]  }
0x51: {  	[tilespmem:s29], [sflag:$0x1] =	stream.indirect_vreg.gather [hbm4b:s9+s4], $0x1, v0, vm0, $0xb8;
	[tilespmem:$0x210] =	vst v63  }
0x52: {  	s3 =	rddreg [dreg:$0x12]  }
0x53: {  	[tilespmem:s10], [sflag:$0x1] =	stream.indirect_vreg.gather [hbm4b:s7+s4], $0x1, v0, vm0, $0xb8;
	[tilespmem:$0x210] =	vst v63  }
0x54: {  	s28 =	simm.s32 $0xD0;
	s9 =	rddreg [dreg:$0x10]  }
0x55: {  	[tilespmem:s28], [sflag:$0x1] =	stream.indirect_vreg.gather [hbm4b:s9+s4], $0x1, v0, vm0, $0xb8;
	[tilespmem:$0x210] =	vst v63  }
0x56: {  	s26 =	simm.s32 $0xE0;
	s10 =	rddreg [dreg:$0x11]  }
0x57: {  	[tilespmem:s26], [sflag:$0x1] =	stream.indirect_vreg.gather [hbm4b:s10+s4], $0x1, v0, vm0, $0xb8;
	[tilespmem:$0x210] =	vst v63  }
0x58: {  	s25 =	simm.s32 $0xF0;
	s7 =	rddreg [dreg:$0x13]  }
0x59: {  	[tilespmem:s25], [sflag:$0x1] =	stream.indirect_vreg.gather [hbm4b:s3+s4], $0x1, v0, vm0, $0xb8;
	[tilespmem:$0x210] =	vst v63  }
0x5a: {  	s24 =	simm.s32 $0x100;
	s9 =	rddreg [dreg:$0x14]  }
0x5b: {  	[tilespmem:s24], [sflag:$0x1] =	stream.indirect_vreg.gather [hbm4b:s7+s4], $0x1, v0, vm0, $0xb8;
	[tilespmem:$0x210] =	vst v63  }
0x5c: {  	s23 =	simm.s32 $0x110;
	s10 =	rddreg [dreg:$0x15]  }
0x5d: {  	[tilespmem:s23], [sflag:$0x1] =	stream.indirect_vreg.gather [hbm4b:s9+s4], $0x1, v0, vm0, $0xb8;
	[tilespmem:$0x210] =	vst v63  }
0x5e: {  	s22 =	simm.s32 $0x120;
	s26 =	rddreg [dreg:$0x18]  }
0x5f: {  	[tilespmem:s22], [sflag:$0x1] =	stream.indirect_vreg.gather [hbm4b:s10+s4], $0x1, v0, vm0, $0xb8;
	[tilespmem:$0x210] =	vst v63  }
0x60: {  	s21 =	simm.s32 $0x130;
	s24 =	rddreg [dreg:$0x16]  }
0x61: {  	[tilespmem:s21], [sflag:$0x1] =	stream.indirect_vreg.gather [hbm4b:s24+s4], $0x1, v0, vm0, $0xb8;
	[tilespmem:$0x210] =	vst v63  }
0x62: {  	s20 =	simm.s32 $0x140;
	s25 =	rddreg [dreg:$0x17]  }
0x63: {  	[tilespmem:s20], [sflag:$0x1] =	stream.indirect_vreg.gather [hbm4b:s25+s4], $0x1, v0, vm0, $0xb8;
	[tilespmem:$0x210] =	vst v63  }
0x64: {  	s19 =	simm.s32 $0x150;
	s3 =	rddreg [dreg:$0x19]  }
0x65: {  	[tilespmem:s19], [sflag:$0x1] =	stream.indirect_vreg.gather [hbm4b:s26+s4], $0x1, v0, vm0, $0xb8;
	[tilespmem:$0x210] =	vst v63  }
0x66: {  	s18 =	simm.s32 $0x160;
	s7 =	rddreg [dreg:$0x1a]  }
0x67: {  	[tilespmem:s18], [sflag:$0x1] =	stream.indirect_vreg.gather [hbm4b:s3+s4], $0x1, v0, vm0, $0xb8;
	[tilespmem:$0x210] =	vst v63  }
0x68: {  	s17 =	simm.s32 $0x170;
	s9 =	rddreg [dreg:$0x1b]  }
0x69: {  	[tilespmem:s17], [sflag:$0x1] =	stream.indirect_vreg.gather [hbm4b:s7+s4], $0x1, v0, vm0, $0xb8;
	[tilespmem:$0x210] =	vst v63  }
0x6a: {  	s16 =	simm.s32 $0x180;
	s10 =	rddreg [dreg:$0x1c]  }
0x6b: {  	[tilespmem:s16], [sflag:$0x1] =	stream.indirect_vreg.gather [hbm4b:s9+s4], $0x1, v0, vm0, $0xb8;
	[tilespmem:$0x210] =	vst v63  }
0x6c: {  	s14 =	simm.s32 $0x190;
	s20 =	sld [smem:$0x7F3]  }
0x6d: {  	[tilespmem:s14], [sflag:$0x1] =	stream.indirect_vreg.gather [hbm4b:s10+s4], $0x1, v0, vm0, $0xb8;
	[tilespmem:$0x210] =	vst v63  }
0x6e: {  	s8 =	simm.s32 $0x1A0;
	s17 =	rddreg [dreg:$0x1d]  }
0x6f: {  	[tilespmem:s8], [sflag:$0x1] =	stream.indirect_vreg.gather [hbm4b:s17+s4], $0x1, v0, vm0, $0xb8;
	[tilespmem:$0x210] =	vst v63  }
0x70: {  	s18 =	rddreg [dreg:$0x1e]  }
0x71: {  	[tilespmem:s12], [sflag:$0x1] =	stream.indirect_vreg.gather [hbm4b:s18+s4], $0x1, v0, vm0, $0xb8;
	[tilespmem:$0x210] =	vst v63  }
0x72: {  	s15 =	simm.s32 $0x1C0;
	s19 =	rddreg [dreg:$0x1f]  }
0x73: {  	[tilespmem:s15], [sflag:$0x1] =	stream.indirect_vreg.gather [hbm4b:s19+s4], $0x1, v0, vm0, $0xb8;
	[tilespmem:$0x210] =	vst v63  }
0x74: {  	s22 =	simm.s32 $0x1D0;
	s21 =	sld [smem:$0x7F4]  }
0x75: {  	[tilespmem:s22], [sflag:$0x1] =	stream.indirect_vreg.gather [hbm4b:s20+s4], $0x1, v0, vm0, $0xb8;
	[tilespmem:$0x210] =	vst v63  }
0x76: {  	s23 =	sld [smem:$0x7F5]  }
0x77: {  	[tilespmem:s13], [sflag:$0x1] =	stream.indirect_vreg.gather [hbm4b:s21+s4], $0x1, v0, vm0, $0xb8;
	[tilespmem:$0x210] =	vst v63  }
0x78: {  	s24 =	sld [smem:$0x7F6]  }
0x79: {  	[tilespmem:s11], [sflag:$0x1] =	stream.indirect_vreg.gather [hbm4b:s23+s4], $0x1, v0, vm0, $0xb8;
	[tilespmem:$0x210] =	vst v63  }
0x7a: {  	_ = 	snop  }
0x7b: {  	[tilespmem:s5], [sflag:$0x1] =	stream.indirect_vreg.gather [hbm4b:s24+s4], $0x1, v0, vm0, $0xb8;
	[tilespmem:$0x210] =	vst v63  }
0x7c: {  	_ =	swait.ge [sflag:s6], $0x10  }
0x7d: {  	[sflag:s6] =	ssyncset.done $0x0  }
0x7e: {  	[sflag:s6] =	ssyncadd.s32 $0xFFFFFFF0  }
0x7f: {  	_ =	swait.ge [sflag:s6], $0x10  }
0x80: {  	[sflag:s6] =	ssyncset.done $0x0  }
0x81: {  	[sflag:s6] =	ssyncadd.s32 $0xFFFFFFF0  }
0x82: {  	_ =	swait.ge [sflag:s6], $0x10  }
0x83: {  	[sflag:s6] =	ssyncset.done $0x0  }
0x84: {  	[sflag:s6] =	ssyncadd.s32 $0xFFFFFFF0  }
0x85: {  	_ =	swait.ge [sflag:s6], $0x10  }
0x86: {  	[sflag:s6] =	ssyncset.done $0x0  }
0x87: {  	[sflag:s6] =	ssyncadd.s32 $0xFFFFFFF0  }
0x88: {  	_ =	swait.ge [sflag:s6], $0x10  }
0x89: {  	[sflag:s6] =	ssyncset.done $0x0  }
0x8a: {  	[sflag:s6] =	ssyncadd.s32 $0xFFFFFFF0  }
0x8b: {  	_ =	swait.ge [sflag:s6], $0x10  }
0x8c: {  	[sflag:s6] =	ssyncset.done $0x0  }
0x8d: {  	[sflag:s6] =	ssyncadd.s32 $0xFFFFFFF0  }
0x8e: {  	_ =	swait.ge [sflag:s6], $0x10  }
0x8f: {  	[sflag:s6] =	ssyncset.done $0x0  }
0x90: {  	[sflag:s6] =	ssyncadd.s32 $0xFFFFFFF0  }
0x91: {  	_ =	swait.ge [sflag:s6], $0x10  }
0x92: {  	[sflag:s6] =	ssyncset.done $0x0  }
0x93: {  	[sflag:s6] =	ssyncadd.s32 $0xFFFFFFF0  }
0x94: {  	_ =	swait.ge [sflag:s6], $0x10  }
0x95: {  	[sflag:s6] =	ssyncset.done $0x0  }
0x96: {  	[sflag:s6] =	ssyncadd.s32 $0xFFFFFFF0  }
0x97: {  	_ =	swait.ge [sflag:s6], $0x10  }
0x98: {  	[sflag:s6] =	ssyncset.done $0x0  }
0x99: {  	[sflag:s6] =	ssyncadd.s32 $0xFFFFFFF0  }
0x9a: {  	_ =	swait.ge [sflag:s6], $0x10  }
0x9b: {  	[sflag:s6] =	ssyncset.done $0x0  }
0x9c: {  	[sflag:s6] =	ssyncadd.s32 $0xFFFFFFF0  }
0x9d: {  	_ =	swait.ge [sflag:s6], $0x10  }
0x9e: {  	[sflag:s6] =	ssyncset.done $0x0  }
0x9f: {  	[sflag:s6] =	ssyncadd.s32 $0xFFFFFFF0  }
0xa0: {  	_ =	swait.ge [sflag:s6], $0x10  }
0xa1: {  	[sflag:s6] =	ssyncset.done $0x0  }
0xa2: {  	[sflag:s6] =	ssyncadd.s32 $0xFFFFFFF0  }
0xa3: {  	_ =	swait.ge [sflag:s6], $0x10  }
0xa4: {  	[sflag:s6] =	ssyncset.done $0x0  }
0xa5: {  	[sflag:s6] =	ssyncadd.s32 $0xFFFFFFF0  }
0xa6: {  	_ =	swait.ge [sflag:s6], $0x10  }
0xa7: {  	[sflag:s6] =	ssyncset.done $0x0  }
0xa8: {  	[sflag:s6] =	ssyncadd.s32 $0xFFFFFFF0  }
0xa9: {  	_ =	swait.ge [sflag:s6], $0x10  }
0xaa: {  	[sflag:s6] =	ssyncset.done $0x0  }
0xab: {  	[sflag:s6] =	ssyncadd.s32 $0xFFFFFFF0  }
0xac: {  	_ =	swait.ge [sflag:s6], $0x10  }
0xad: {  	[sflag:s6] =	ssyncset.done $0x0  }
0xae: {  	[sflag:s6] =	ssyncadd.s32 $0xFFFFFFF0  }
0xaf: {  	_ =	swait.ge [sflag:s6], $0x10  }
0xb0: {  	[sflag:s6] =	ssyncset.done $0x0  }
0xb1: {  	[sflag:s6] =	ssyncadd.s32 $0xFFFFFFF0  }
0xb2: {  	_ =	swait.ge [sflag:s6], $0x10  }
0xb3: {  	[sflag:s6] =	ssyncset.done $0x0  }
0xb4: {  	[sflag:s6] =	ssyncadd.s32 $0xFFFFFFF0  }
0xb5: {  	_ =	swait.ge [sflag:s6], $0x10  }
0xb6: {  	[sflag:s6] =	ssyncset.done $0x0  }
0xb7: {  	[sflag:s6] =	ssyncadd.s32 $0xFFFFFFF0  }
0xb8: {  	_ =	swait.ge [sflag:s6], $0x10  }
0xb9: {  	[sflag:s6] =	ssyncset.done $0x0  }
0xba: {  	[sflag:s6] =	ssyncadd.s32 $0xFFFFFFF0  }
0xbb: {  	_ =	swait.ge [sflag:s6], $0x10  }
0xbc: {  	[sflag:s6] =	ssyncset.done $0x0  }
0xbd: {  	[sflag:s6] =	ssyncadd.s32 $0xFFFFFFF0  }
0xbe: {  	_ =	swait.ge [sflag:s6], $0x10  }
0xbf: {  	[sflag:s6] =	ssyncset.done $0x0  }
0xc0: {  	[sflag:s6] =	ssyncadd.s32 $0xFFFFFFF0  }
0xc1: {  	_ =	swait.ge [sflag:s6], $0x10  }
0xc2: {  	[sflag:s6] =	ssyncset.done $0x0  }
0xc3: {  	[sflag:s6] =	ssyncadd.s32 $0xFFFFFFF0  }
0xc4: {  	_ =	swait.ge [sflag:s6], $0x10  }
0xc5: {  	[sflag:s6] =	ssyncset.done $0x0  }
0xc6: {  	[sflag:s6] =	ssyncadd.s32 $0xFFFFFFF0  }
0xc7: {  	_ =	swait.ge [sflag:s6], $0x10  }
0xc8: {  	[sflag:s6] =	ssyncset.done $0x0  }
0xc9: {  	[sflag:s6] =	ssyncadd.s32 $0xFFFFFFF0  }
0xca: {  	_ =	swait.ge [sflag:s6], $0x10  }
0xcb: {  	[sflag:s6] =	ssyncset.done $0x0  }
0xcc: {  	[sflag:s6] =	ssyncadd.s32 $0xFFFFFFF0  }
0xcd: {  	_ =	swait.ge [sflag:s6], $0x10  }
0xce: {  	[sflag:s6] =	ssyncset.done $0x0  }
0xcf: {  	[sflag:s6] =	ssyncadd.s32 $0xFFFFFFF0  }
0xd0: {  	_ =	swait.ge [sflag:s6], $0x10  }
0xd1: {  	[sflag:s6] =	ssyncset.done $0x0  }
0xd2: {  	[sflag:s6] =	ssyncadd.s32 $0xFFFFFFF0  }
0xd3: {  	p1 =	sne.s32 s30, $0x1;
	p0 =	por $0x1, $0x1;
	_ =	swait.ge [sflag:s6], $0x10  }
0xd4: {  	s0 =	sadd.s32 $0xFFFFFFFF, s30;
	s31 =	simm.s32 $0xB0;
	[sflag:s6] =	ssyncset.done $0x0  }
0xd5: {  	s30 =	simm.s32 $0xC0;
	s29 =	simm.s32 $0xD0;
	[sflag:s6] =	ssyncadd.s32 $0xFFFFFFF0  }
0xd6: {  	s28 =	simm.s32 $0xE0;
	s26 =	simm.s32 $0x10;
	_ =	swait.ge [sflag:s6], $0x10  }
0xd7: {  	s3 =	simm.s32 $0xA0;
	s16 =	simm.s32 $0x90;
	[sflag:s6] =	ssyncset.done $0x0  }
0xd8: {  	s14 =	simm.s32 $0x10;
	s17 =	simm.s32 $0x180;
	[sflag:s6] =	ssyncadd.s32 $0xFFFFFFF0  }
0xd9: {  	s18 =	simm.s32 $0x170;
	s19 =	simm.s32 $0x160;
	_ =	swait.ge [sflag:s6], $0x10  }
0xda: {  	s15 =	simm.s32 $0x190;
	s22 =	simm.s32 $0x130;
	s25 =	sld [smem:$0x7F7]  }
.Ltmp1:
0xdb: {  	s20 =	simm.s32 $0x150;
	[sflag:s6] =	ssyncset.done $0x0;
	(pc) =	sbr.rel @!p1 .LBB2_3-.Ltmp1, $4  }
0xdc: {  	s21 =	simm.s32 $0x140;
	s23 =	simm.s32 $0x120;
	[sflag:s6] =	ssyncadd.s32 $0xFFFFFFF0  }
0xdd: {  	[hbm4b:s25+s26] =	stream.strided.scatter [tilespmem:s26], [sflag:$0x2], $0x200, s5, s26, $0x38;
	[tilespmem:$0x210] =	vst v63  }
0xde: {  	s24 =	simm.s32 $0x110;
	s26 =	simm.s32 $0xF0;
	_ =	swait.ge [sflag:s2], $0x200  }
0xdf: {  	s25 =	simm.s32 $0x100;
	s1 =	rddreg [dreg:$0x4];
	[sflag:s2] =	ssyncset.done $0x0  }
.LBB2_4:
0xe0: {  	[sflag:s2] =	ssyncadd.s32 $0xFFFFFE00  }
0xe1: {  	[tilespmem:s4], [sflag:$0x2] =	stream.linear.gather [hbm4b:s1+s4], $0x10, $0x38;
	[tilespmem:$0x210] =	vst v63  }
0xe2: {  	_ =	swait.ge [sflag:s2], $0x10  }
0xe3: {  	[sflag:s2] =	ssyncset.done $0x0  }
0xe4: {  	[sflag:s2] =	ssyncadd.s32 $0xFFFFFFF0  }
0xe5: {  	s1 =	sld [smem:$0x7FD];
	v0 =	vld [tilespmem:$0x0]  }
0xe6: {  	s7 =	sld [smem:$0x7FC]  }
0xe7: {  	s8 =	sld [smem:$0x7FB]  }
0xe8: {  	s9 =	sld [smem:$0x7FA]  }
0xe9: {  	s10 =	sld [smem:$0x7F9]  }
0xea: {  	s11 =	rddreg [dreg:$0x3]  }
0xeb: {  	s12 =	sld [smem:$0x7F8]  }
0xec: {  	s13 =	rddreg [dreg:$0x5]  }
0xed: {  	[tilespmem:s14], [sflag:$0x1] =	stream.indirect_vreg.gather [hbm4b:s11+s4], $0x1, v0, vm0, $0xb8;
	[tilespmem:$0x210] =	vst v63  }
0xee: {  	s11 =	rddreg [dreg:$0x6]  }
0xef: {  	[tilespmem:s12], [sflag:$0x1] =	stream.indirect_vreg.gather [hbm4b:s13+s4], $0x1, v0, vm0, $0xb8;
	[tilespmem:$0x210] =	vst v63  }
0xf0: {  	s12 =	rddreg [dreg:$0x7]  }
0xf1: {  	[tilespmem:s10], [sflag:$0x1] =	stream.indirect_vreg.gather [hbm4b:s11+s4], $0x1, v0, vm0, $0xb8;
	[tilespmem:$0x210] =	vst v63  }
0xf2: {  	s10 =	rddreg [dreg:$0x8]  }
0xf3: {  	[tilespmem:s9], [sflag:$0x1] =	stream.indirect_vreg.gather [hbm4b:s12+s4], $0x1, v0, vm0, $0xb8;
	[tilespmem:$0x210] =	vst v63  }
0xf4: {  	s9 =	rddreg [dreg:$0x9]  }
0xf5: {  	[tilespmem:s8], [sflag:$0x1] =	stream.indirect_vreg.gather [hbm4b:s10+s4], $0x1, v0, vm0, $0xb8;
	[tilespmem:$0x210] =	vst v63  }
0xf6: {  	s10 =	rddreg [dreg:$0xa]  }
0xf7: {  	[tilespmem:s7], [sflag:$0x1] =	stream.indirect_vreg.gather [hbm4b:s9+s4], $0x1, v0, vm0, $0xb8;
	[tilespmem:$0x210] =	vst v63  }
0xf8: {  	s9 =	rddreg [dreg:$0xb]  }
0xf9: {  	[tilespmem:s1], [sflag:$0x1] =	stream.indirect_vreg.gather [hbm4b:s10+s4], $0x1, v0, vm0, $0xb8;
	[tilespmem:$0x210] =	vst v63  }
0xfa: {  	s1 =	rddreg [dreg:$0xc];
	s10 =	simm.s32 $0x80  }
0xfb: {  	[tilespmem:s10], [sflag:$0x1] =	stream.indirect_vreg.gather [hbm4b:s9+s4], $0x1, v0, vm0, $0xb8;
	[tilespmem:$0x210] =	vst v63  }
0xfc: {  	s9 =	rddreg [dreg:$0xd]  }
0xfd: {  	[tilespmem:s16], [sflag:$0x1] =	stream.indirect_vreg.gather [hbm4b:s1+s4], $0x1, v0, vm0, $0xb8;
	[tilespmem:$0x210] =	vst v63  }
0xfe: {  	s10 =	rddreg [dreg:$0xe]  }
0xff: {  	[tilespmem:s3], [sflag:$0x1] =	stream.indirect_vreg.gather [hbm4b:s9+s4], $0x1, v0, vm0, $0xb8;
	[tilespmem:$0x210] =	vst v63  }
0x100: {  	s1 =	rddreg [dreg:$0x1e]  }
0x101: {  	[tilespmem:s31], [sflag:$0x1] =	stream.indirect_vreg.gather [hbm4b:s10+s4], $0x1, v0, vm0, $0xb8;
	[tilespmem:$0x210] =	vst v63  }
0x102: {  	s9 =	rddreg [dreg:$0xf]  }
0x103: {  	[tilespmem:s30], [sflag:$0x1] =	stream.indirect_vreg.gather [hbm4b:s9+s4], $0x1, v0, vm0, $0xb8;
	[tilespmem:$0x210] =	vst v63  }
0x104: {  	s10 =	rddreg [dreg:$0x10]  }
0x105: {  	[tilespmem:s29], [sflag:$0x1] =	stream.indirect_vreg.gather [hbm4b:s10+s4], $0x1, v0, vm0, $0xb8;
	[tilespmem:$0x210] =	vst v63  }
0x106: {  	s9 =	rddreg [dreg:$0x11]  }
0x107: {  	[tilespmem:s28], [sflag:$0x1] =	stream.indirect_vreg.gather [hbm4b:s9+s4], $0x1, v0, vm0, $0xb8;
	[tilespmem:$0x210] =	vst v63  }
0x108: {  	s10 =	rddreg [dreg:$0x12]  }
0x109: {  	[tilespmem:s26], [sflag:$0x1] =	stream.indirect_vreg.gather [hbm4b:s10+s4], $0x1, v0, vm0, $0xb8;
	[tilespmem:$0x210] =	vst v63  }
0x10a: {  	s9 =	rddreg [dreg:$0x13]  }
0x10b: {  	[tilespmem:s25], [sflag:$0x1] =	stream.indirect_vreg.gather [hbm4b:s9+s4], $0x1, v0, vm0, $0xb8;
	[tilespmem:$0x210] =	vst v63  }
0x10c: {  	s10 =	rddreg [dreg:$0x14]  }
0x10d: {  	[tilespmem:s24], [sflag:$0x1] =	stream.indirect_vreg.gather [hbm4b:s10+s4], $0x1, v0, vm0, $0xb8;
	[tilespmem:$0x210] =	vst v63  }
0x10e: {  	s9 =	rddreg [dreg:$0x15]  }
0x10f: {  	[tilespmem:s23], [sflag:$0x1] =	stream.indirect_vreg.gather [hbm4b:s9+s4], $0x1, v0, vm0, $0xb8;
	[tilespmem:$0x210] =	vst v63  }
0x110: {  	s10 =	rddreg [dreg:$0x16]  }
0x111: {  	[tilespmem:s22], [sflag:$0x1] =	stream.indirect_vreg.gather [hbm4b:s10+s4], $0x1, v0, vm0, $0xb8;
	[tilespmem:$0x210] =	vst v63  }
0x112: {  	s9 =	rddreg [dreg:$0x17]  }
0x113: {  	[tilespmem:s21], [sflag:$0x1] =	stream.indirect_vreg.gather [hbm4b:s9+s4], $0x1, v0, vm0, $0xb8;
	[tilespmem:$0x210] =	vst v63  }
0x114: {  	s10 =	rddreg [dreg:$0x18]  }
0x115: {  	[tilespmem:s20], [sflag:$0x1] =	stream.indirect_vreg.gather [hbm4b:s10+s4], $0x1, v0, vm0, $0xb8;
	[tilespmem:$0x210] =	vst v63  }
0x116: {  	s9 =	rddreg [dreg:$0x19]  }
0x117: {  	[tilespmem:s19], [sflag:$0x1] =	stream.indirect_vreg.gather [hbm4b:s9+s4], $0x1, v0, vm0, $0xb8;
	[tilespmem:$0x210] =	vst v63  }
0x118: {  	s10 =	rddreg [dreg:$0x1a]  }
0x119: {  	[tilespmem:s18], [sflag:$0x1] =	stream.indirect_vreg.gather [hbm4b:s10+s4], $0x1, v0, vm0, $0xb8;
	[tilespmem:$0x210] =	vst v63  }
0x11a: {  	s9 =	rddreg [dreg:$0x1b]  }
0x11b: {  	[tilespmem:s17], [sflag:$0x1] =	stream.indirect_vreg.gather [hbm4b:s9+s4], $0x1, v0, vm0, $0xb8;
	[tilespmem:$0x210] =	vst v63  }
0x11c: {  	s10 =	rddreg [dreg:$0x1c]  }
0x11d: {  	[tilespmem:s15], [sflag:$0x1] =	stream.indirect_vreg.gather [hbm4b:s10+s4], $0x1, v0, vm0, $0xb8;
	[tilespmem:$0x210] =	vst v63  }
0x11e: {  	s9 =	rddreg [dreg:$0x1d];
	s10 =	simm.s32 $0x1A0  }
0x11f: {  	[tilespmem:s10], [sflag:$0x1] =	stream.indirect_vreg.gather [hbm4b:s9+s4], $0x1, v0, vm0, $0xb8;
	[tilespmem:$0x210] =	vst v63  }
0x120: {  	s12 =	simm.s32 $0x1B0;
	s9 =	rddreg [dreg:$0x1f]  }
0x121: {  	[tilespmem:s12], [sflag:$0x1] =	stream.indirect_vreg.gather [hbm4b:s1+s4], $0x1, v0, vm0, $0xb8;
	[tilespmem:$0x210] =	vst v63  }
0x122: {  	s10 =	simm.s32 $0x1C0;
	s1 =	sld [smem:$0x7F3]  }
0x123: {  	[tilespmem:s10], [sflag:$0x1] =	stream.indirect_vreg.gather [hbm4b:s9+s4], $0x1, v0, vm0, $0xb8;
	[tilespmem:$0x210] =	vst v63  }
0x124: {  	s8 =	simm.s32 $0x1D0;
	s10 =	sld [smem:$0x7F4]  }
0x125: {  	[tilespmem:s8], [sflag:$0x1] =	stream.indirect_vreg.gather [hbm4b:s1+s4], $0x1, v0, vm0, $0xb8;
	[tilespmem:$0x210] =	vst v63  }
0x126: {  	s13 =	simm.s32 $0x1E0;
	s8 =	sld [smem:$0x7F5]  }
0x127: {  	[tilespmem:s13], [sflag:$0x1] =	stream.indirect_vreg.gather [hbm4b:s10+s4], $0x1, v0, vm0, $0xb8;
	[tilespmem:$0x210] =	vst v63  }
0x128: {  	s11 =	simm.s32 $0x1F0;
	s9 =	sld [smem:$0x7F6]  }
0x129: {  	[tilespmem:s11], [sflag:$0x1] =	stream.indirect_vreg.gather [hbm4b:s8+s4], $0x1, v0, vm0, $0xb8;
	[tilespmem:$0x210] =	vst v63  }
0x12a: {  	_ = 	snop  }
0x12b: {  	[tilespmem:s5], [sflag:$0x1] =	stream.indirect_vreg.gather [hbm4b:s9+s4], $0x1, v0, vm0, $0xb8;
	[tilespmem:$0x210] =	vst v63  }
0x12c: {  	_ =	swait.ge [sflag:s6], $0x10  }
0x12d: {  	[sflag:s6] =	ssyncset.done $0x0  }
0x12e: {  	[sflag:s6] =	ssyncadd.s32 $0xFFFFFFF0  }
0x12f: {  	_ =	swait.ge [sflag:s6], $0x10  }
0x130: {  	[sflag:s6] =	ssyncset.done $0x0  }
0x131: {  	[sflag:s6] =	ssyncadd.s32 $0xFFFFFFF0  }
0x132: {  	_ =	swait.ge [sflag:s6], $0x10  }
0x133: {  	[sflag:s6] =	ssyncset.done $0x0  }
0x134: {  	[sflag:s6] =	ssyncadd.s32 $0xFFFFFFF0  }
0x135: {  	_ =	swait.ge [sflag:s6], $0x10  }
0x136: {  	[sflag:s6] =	ssyncset.done $0x0  }
0x137: {  	[sflag:s6] =	ssyncadd.s32 $0xFFFFFFF0  }
0x138: {  	_ =	swait.ge [sflag:s6], $0x10  }
0x139: {  	[sflag:s6] =	ssyncset.done $0x0  }
0x13a: {  	[sflag:s6] =	ssyncadd.s32 $0xFFFFFFF0  }
0x13b: {  	_ =	swait.ge [sflag:s6], $0x10  }
0x13c: {  	[sflag:s6] =	ssyncset.done $0x0  }
0x13d: {  	[sflag:s6] =	ssyncadd.s32 $0xFFFFFFF0  }
0x13e: {  	_ =	swait.ge [sflag:s6], $0x10  }
0x13f: {  	[sflag:s6] =	ssyncset.done $0x0  }
0x140: {  	[sflag:s6] =	ssyncadd.s32 $0xFFFFFFF0  }
0x141: {  	_ =	swait.ge [sflag:s6], $0x10  }
0x142: {  	[sflag:s6] =	ssyncset.done $0x0  }
0x143: {  	[sflag:s6] =	ssyncadd.s32 $0xFFFFFFF0  }
0x144: {  	_ =	swait.ge [sflag:s6], $0x10  }
0x145: {  	[sflag:s6] =	ssyncset.done $0x0  }
0x146: {  	[sflag:s6] =	ssyncadd.s32 $0xFFFFFFF0  }
0x147: {  	_ =	swait.ge [sflag:s6], $0x10  }
0x148: {  	[sflag:s6] =	ssyncset.done $0x0  }
0x149: {  	[sflag:s6] =	ssyncadd.s32 $0xFFFFFFF0  }
0x14a: {  	_ =	swait.ge [sflag:s6], $0x10  }
0x14b: {  	[sflag:s6] =	ssyncset.done $0x0  }
0x14c: {  	[sflag:s6] =	ssyncadd.s32 $0xFFFFFFF0  }
0x14d: {  	_ =	swait.ge [sflag:s6], $0x10  }
0x14e: {  	[sflag:s6] =	ssyncset.done $0x0  }
0x14f: {  	[sflag:s6] =	ssyncadd.s32 $0xFFFFFFF0  }
0x150: {  	_ =	swait.ge [sflag:s6], $0x10  }
0x151: {  	[sflag:s6] =	ssyncset.done $0x0  }
0x152: {  	[sflag:s6] =	ssyncadd.s32 $0xFFFFFFF0  }
0x153: {  	_ =	swait.ge [sflag:s6], $0x10  }
0x154: {  	[sflag:s6] =	ssyncset.done $0x0  }
0x155: {  	[sflag:s6] =	ssyncadd.s32 $0xFFFFFFF0  }
0x156: {  	_ =	swait.ge [sflag:s6], $0x10  }
0x157: {  	[sflag:s6] =	ssyncset.done $0x0  }
0x158: {  	[sflag:s6] =	ssyncadd.s32 $0xFFFFFFF0  }
0x159: {  	_ =	swait.ge [sflag:s6], $0x10  }
0x15a: {  	[sflag:s6] =	ssyncset.done $0x0  }
0x15b: {  	[sflag:s6] =	ssyncadd.s32 $0xFFFFFFF0  }
0x15c: {  	_ =	swait.ge [sflag:s6], $0x10  }
0x15d: {  	[sflag:s6] =	ssyncset.done $0x0  }
0x15e: {  	[sflag:s6] =	ssyncadd.s32 $0xFFFFFFF0  }
0x15f: {  	_ =	swait.ge [sflag:s6], $0x10  }
0x160: {  	[sflag:s6] =	ssyncset.done $0x0  }
0x161: {  	[sflag:s6] =	ssyncadd.s32 $0xFFFFFFF0  }
0x162: {  	_ =	swait.ge [sflag:s6], $0x10  }
0x163: {  	[sflag:s6] =	ssyncset.done $0x0  }
0x164: {  	[sflag:s6] =	ssyncadd.s32 $0xFFFFFFF0  }
0x165: {  	_ =	swait.ge [sflag:s6], $0x10  }
0x166: {  	[sflag:s6] =	ssyncset.done $0x0  }
0x167: {  	[sflag:s6] =	ssyncadd.s32 $0xFFFFFFF0  }
0x168: {  	_ =	swait.ge [sflag:s6], $0x10  }
0x169: {  	[sflag:s6] =	ssyncset.done $0x0  }
0x16a: {  	[sflag:s6] =	ssyncadd.s32 $0xFFFFFFF0  }
0x16b: {  	_ =	swait.ge [sflag:s6], $0x10  }
0x16c: {  	[sflag:s6] =	ssyncset.done $0x0  }
0x16d: {  	[sflag:s6] =	ssyncadd.s32 $0xFFFFFFF0  }
0x16e: {  	_ =	swait.ge [sflag:s6], $0x10  }
0x16f: {  	[sflag:s6] =	ssyncset.done $0x0  }
0x170: {  	[sflag:s6] =	ssyncadd.s32 $0xFFFFFFF0  }
0x171: {  	_ =	swait.ge [sflag:s6], $0x10  }
0x172: {  	[sflag:s6] =	ssyncset.done $0x0  }
0x173: {  	[sflag:s6] =	ssyncadd.s32 $0xFFFFFFF0  }
0x174: {  	_ =	swait.ge [sflag:s6], $0x10  }
0x175: {  	[sflag:s6] =	ssyncset.done $0x0  }
0x176: {  	[sflag:s6] =	ssyncadd.s32 $0xFFFFFFF0  }
0x177: {  	_ =	swait.ge [sflag:s6], $0x10  }
0x178: {  	[sflag:s6] =	ssyncset.done $0x0  }
0x179: {  	[sflag:s6] =	ssyncadd.s32 $0xFFFFFFF0  }
0x17a: {  	_ =	swait.ge [sflag:s6], $0x10  }
0x17b: {  	[sflag:s6] =	ssyncset.done $0x0  }
0x17c: {  	[sflag:s6] =	ssyncadd.s32 $0xFFFFFFF0  }
0x17d: {  	_ =	swait.ge [sflag:s6], $0x10  }
0x17e: {  	[sflag:s6] =	ssyncset.done $0x0  }
0x17f: {  	[sflag:s6] =	ssyncadd.s32 $0xFFFFFFF0  }
0x180: {  	_ =	swait.ge [sflag:s6], $0x10  }
0x181: {  	[sflag:s6] =	ssyncset.done $0x0  }
0x182: {  	[sflag:s6] =	ssyncadd.s32 $0xFFFFFFF0  }
0x183: {  	_ =	swait.ge [sflag:s6], $0x10  }
0x184: {  	[sflag:s6] =	ssyncset.done $0x0  }
0x185: {  	[sflag:s6] =	ssyncadd.s32 $0xFFFFFFF0  }
0x186: {  	_ =	swait.ge [sflag:s6], $0x10  }
0x187: {  	[sflag:s6] =	ssyncset.done $0x0  }
0x188: {  	[sflag:s6] =	ssyncadd.s32 $0xFFFFFFF0  }
0x189: {  	_ =	swait.ge [sflag:s6], $0x10  }
0x18a: {  	p1 =	sne.s32 s0, $0x1;
	s10 =	sld [smem:$0x7F7]  }
.Ltmp2:
0x18b: {  	[sflag:s6] =	ssyncset.done $0x0;
	(pc) =	sbr.rel @p1 .LBB2_4-.Ltmp2, $4  }
0x18c: {  	[sflag:s6] =	ssyncadd.s32 $0xFFFFFFF0  }
0x18d: {  	[hbm4b:s10+s14] =	stream.strided.scatter [tilespmem:s14], [sflag:$0x2], $0x200, s5, s14, $0x38;
	[tilespmem:$0x210] =	vst v63  }
0x18e: {  	_ =	swait.ge [sflag:s2], $0x200  }
0x18f: {  	s0 =	sadd.s32 $0xFFFFFFFF, s0;
	s1 =	rddreg [dreg:$0x4];
	[sflag:s2] =	ssyncset.done $0x0  }
0x190: {  	s16 =	simm.s32 $0x80;
	s10 =	simm.s32 $0x90  }
0x191: {  	s3 =	simm.s32 $0xA0;
	s31 =	simm.s32 $0xB0;
	s30 =	simm.s32 $0xC0  }
0x192: {  	s29 =	simm.s32 $0xD0;
	s28 =	simm.s32 $0xE0;
	s26 =	simm.s32 $0xF0  }
0x193: {  	s25 =	simm.s32 $0x100;
	s24 =	simm.s32 $0x110;
	s23 =	simm.s32 $0x120  }
0x194: {  	s22 =	simm.s32 $0x130;
	s21 =	simm.s32 $0x140;
	s20 =	simm.s32 $0x150  }
0x195: {  	s19 =	simm.s32 $0x160;
	s18 =	simm.s32 $0x170;
	s17 =	simm.s32 $0x180  }
0x196: {  	s15 =	simm.s32 $0x190;
	s14 =	simm.s32 $0x1A0;
	s9 =	stileid.u32  }
.LBB2_6:
0x197: {  	[sflag:s2] =	ssyncadd.s32 @p0 $0xFFFFFE00  }
0x198: {  	[tilespmem:s4], [sflag:$0x2] =	stream.linear.gather [hbm4b:s1+s4], $0x10, $0x38;
	[tilespmem:$0x210] =	vst v63  }
0x199: {  	_ =	swait.ge [sflag:s2], $0x10  }
0x19a: {  	[sflag:s2] =	ssyncset.done $0x0  }
0x19b: {  	[sflag:s2] =	ssyncadd.s32 $0xFFFFFFF0  }
0x19c: {  	v0 =	vld [tilespmem:$0x0];
	_ =	sdelay $0x5  }
0x19d: {  	s0 =	rddreg [dreg:$0x3]  }
0x19e: {  	s8 =	simm.s32 $0x10;
	s1 =	rddreg [dreg:$0x5]  }
0x19f: {  	[tilespmem:s8], [sflag:$0x1] =	stream.indirect_vreg.gather [hbm4b:s0+s4], $0x1, v0, vm0, $0xb8;
	[tilespmem:$0x210] =	vst v63  }
0x1a0: {  	s0 =	sld [smem:$0x7F8]  }
0x1a1: {  	s7 =	sld [smem:$0x7F9]  }
0x1a2: {  	s8 =	rddreg [dreg:$0x6]  }
0x1a3: {  	[tilespmem:s0], [sflag:$0x1] =	stream.indirect_vreg.gather [hbm4b:s1+s4], $0x1, v0, vm0, $0xb8;
	[tilespmem:$0x210] =	vst v63  }
0x1a4: {  	s0 =	sld [smem:$0x7FA]  }
0x1a5: {  	s1 =	rddreg [dreg:$0x7]  }
0x1a6: {  	[tilespmem:s7], [sflag:$0x1] =	stream.indirect_vreg.gather [hbm4b:s8+s4], $0x1, v0, vm0, $0xb8;
	[tilespmem:$0x210] =	vst v63  }
0x1a7: {  	s7 =	sld [smem:$0x7FB]  }
0x1a8: {  	s8 =	rddreg [dreg:$0x8]  }
0x1a9: {  	[tilespmem:s0], [sflag:$0x1] =	stream.indirect_vreg.gather [hbm4b:s1+s4], $0x1, v0, vm0, $0xb8;
	[tilespmem:$0x210] =	vst v63  }
0x1aa: {  	s0 =	sld [smem:$0x7FC]  }
0x1ab: {  	s1 =	rddreg [dreg:$0x9]  }
0x1ac: {  	[tilespmem:s7], [sflag:$0x1] =	stream.indirect_vreg.gather [hbm4b:s8+s4], $0x1, v0, vm0, $0xb8;
	[tilespmem:$0x210] =	vst v63  }
0x1ad: {  	s7 =	sld [smem:$0x7FD]  }
0x1ae: {  	s8 =	rddreg [dreg:$0xa]  }
0x1af: {  	[tilespmem:s0], [sflag:$0x1] =	stream.indirect_vreg.gather [hbm4b:s1+s4], $0x1, v0, vm0, $0xb8;
	[tilespmem:$0x210] =	vst v63  }
0x1b0: {  	s1 =	rddreg [dreg:$0xb]  }
0x1b1: {  	[tilespmem:s7], [sflag:$0x1] =	stream.indirect_vreg.gather [hbm4b:s8+s4], $0x1, v0, vm0, $0xb8;
	[tilespmem:$0x210] =	vst v63  }
0x1b2: {  	s7 =	rddreg [dreg:$0xc]  }
0x1b3: {  	[tilespmem:s16], [sflag:$0x1] =	stream.indirect_vreg.gather [hbm4b:s1+s4], $0x1, v0, vm0, $0xb8;
	[tilespmem:$0x210] =	vst v63  }
0x1b4: {  	s8 =	rddreg [dreg:$0xd]  }
0x1b5: {  	[tilespmem:s10], [sflag:$0x1] =	stream.indirect_vreg.gather [hbm4b:s7+s4], $0x1, v0, vm0, $0xb8;
	[tilespmem:$0x210] =	vst v63  }
0x1b6: {  	s16 =	rddreg [dreg:$0xe]  }
0x1b7: {  	[tilespmem:s3], [sflag:$0x1] =	stream.indirect_vreg.gather [hbm4b:s8+s4], $0x1, v0, vm0, $0xb8;
	[tilespmem:$0x210] =	vst v63  }
0x1b8: {  	s7 =	rddreg [dreg:$0xf]  }
0x1b9: {  	[tilespmem:s31], [sflag:$0x1] =	stream.indirect_vreg.gather [hbm4b:s16+s4], $0x1, v0, vm0, $0xb8;
	[tilespmem:$0x210] =	vst v63  }
0x1ba: {  	s10 =	rddreg [dreg:$0x11]  }
0x1bb: {  	[tilespmem:s30], [sflag:$0x1] =	stream.indirect_vreg.gather [hbm4b:s7+s4], $0x1, v0, vm0, $0xb8;
	[tilespmem:$0x210] =	vst v63  }
0x1bc: {  	s8 =	rddreg [dreg:$0x10]  }
0x1bd: {  	[tilespmem:s29], [sflag:$0x1] =	stream.indirect_vreg.gather [hbm4b:s8+s4], $0x1, v0, vm0, $0xb8;
	[tilespmem:$0x210] =	vst v63  }
0x1be: {  	s3 =	rddreg [dreg:$0x17]  }
0x1bf: {  	[tilespmem:s28], [sflag:$0x1] =	stream.indirect_vreg.gather [hbm4b:s10+s4], $0x1, v0, vm0, $0xb8;
	[tilespmem:$0x210] =	vst v63  }
0x1c0: {  	s16 =	rddreg [dreg:$0x12]  }
0x1c1: {  	[tilespmem:s26], [sflag:$0x1] =	stream.indirect_vreg.gather [hbm4b:s16+s4], $0x1, v0, vm0, $0xb8;
	[tilespmem:$0x210] =	vst v63  }
0x1c2: {  	s28 =	rddreg [dreg:$0x13]  }
0x1c3: {  	[tilespmem:s25], [sflag:$0x1] =	stream.indirect_vreg.gather [hbm4b:s28+s4], $0x1, v0, vm0, $0xb8;
	[tilespmem:$0x210] =	vst v63  }
0x1c4: {  	s29 =	rddreg [dreg:$0x14]  }
0x1c5: {  	[tilespmem:s24], [sflag:$0x1] =	stream.indirect_vreg.gather [hbm4b:s29+s4], $0x1, v0, vm0, $0xb8;
	[tilespmem:$0x210] =	vst v63  }
0x1c6: {  	s30 =	rddreg [dreg:$0x15]  }
0x1c7: {  	[tilespmem:s23], [sflag:$0x1] =	stream.indirect_vreg.gather [hbm4b:s30+s4], $0x1, v0, vm0, $0xb8;
	[tilespmem:$0x210] =	vst v63  }
0x1c8: {  	s31 =	rddreg [dreg:$0x16]  }
0x1c9: {  	[tilespmem:s22], [sflag:$0x1] =	stream.indirect_vreg.gather [hbm4b:s31+s4], $0x1, v0, vm0, $0xb8;
	[tilespmem:$0x210] =	vst v63  }
0x1ca: {  	s7 =	rddreg [dreg:$0x18]  }
0x1cb: {  	[tilespmem:s21], [sflag:$0x1] =	stream.indirect_vreg.gather [hbm4b:s3+s4], $0x1, v0, vm0, $0xb8;
	[tilespmem:$0x210] =	vst v63  }
0x1cc: {  	s8 =	rddreg [dreg:$0x19]  }
0x1cd: {  	[tilespmem:s20], [sflag:$0x1] =	stream.indirect_vreg.gather [hbm4b:s7+s4], $0x1, v0, vm0, $0xb8;
	[tilespmem:$0x210] =	vst v63  }
0x1ce: {  	s10 =	rddreg [dreg:$0x1a]  }
0x1cf: {  	[tilespmem:s19], [sflag:$0x1] =	stream.indirect_vreg.gather [hbm4b:s8+s4], $0x1, v0, vm0, $0xb8;
	[tilespmem:$0x210] =	vst v63  }
0x1d0: {  	s16 =	rddreg [dreg:$0x1b]  }
0x1d1: {  	[tilespmem:s18], [sflag:$0x1] =	stream.indirect_vreg.gather [hbm4b:s10+s4], $0x1, v0, vm0, $0xb8;
	[tilespmem:$0x210] =	vst v63  }
0x1d2: {  	s23 =	sld [smem:$0x7F3]  }
0x1d3: {  	[tilespmem:s17], [sflag:$0x1] =	stream.indirect_vreg.gather [hbm4b:s16+s4], $0x1, v0, vm0, $0xb8;
	[tilespmem:$0x210] =	vst v63  }
0x1d4: {  	s19 =	rddreg [dreg:$0x1c]  }
0x1d5: {  	[tilespmem:s15], [sflag:$0x1] =	stream.indirect_vreg.gather [hbm4b:s19+s4], $0x1, v0, vm0, $0xb8;
	[tilespmem:$0x210] =	vst v63  }
0x1d6: {  	s20 =	rddreg [dreg:$0x1d]  }
0x1d7: {  	[tilespmem:s14], [sflag:$0x1] =	stream.indirect_vreg.gather [hbm4b:s20+s4], $0x1, v0, vm0, $0xb8;
	[tilespmem:$0x210] =	vst v63  }
0x1d8: {  	s21 =	rddreg [dreg:$0x1e]  }
0x1d9: {  	[tilespmem:s12], [sflag:$0x1] =	stream.indirect_vreg.gather [hbm4b:s21+s4], $0x1, v0, vm0, $0xb8;
	[tilespmem:$0x210] =	vst v63  }
0x1da: {  	s24 =	simm.s32 $0x1C0;
	s22 =	rddreg [dreg:$0x1f]  }
0x1db: {  	[tilespmem:s24], [sflag:$0x1] =	stream.indirect_vreg.gather [hbm4b:s22+s4], $0x1, v0, vm0, $0xb8;
	[tilespmem:$0x210] =	vst v63  }
0x1dc: {  	s26 =	simm.s32 $0x1D0;
	s25 =	sld [smem:$0x7F4]  }
0x1dd: {  	[tilespmem:s26], [sflag:$0x1] =	stream.indirect_vreg.gather [hbm4b:s23+s4], $0x1, v0, vm0, $0xb8;
	[tilespmem:$0x210] =	vst v63  }
0x1de: {  	s28 =	sld [smem:$0x7F5]  }
0x1df: {  	[tilespmem:s13], [sflag:$0x1] =	stream.indirect_vreg.gather [hbm4b:s25+s4], $0x1, v0, vm0, $0xb8;
	[tilespmem:$0x210] =	vst v63  }
0x1e0: {  	s29 =	sld [smem:$0x7F6]  }
0x1e1: {  	[tilespmem:s11], [sflag:$0x1] =	stream.indirect_vreg.gather [hbm4b:s28+s4], $0x1, v0, vm0, $0xb8;
	[tilespmem:$0x210] =	vst v63  }
0x1e2: {  	_ = 	snop  }
0x1e3: {  	[tilespmem:s5], [sflag:$0x1] =	stream.indirect_vreg.gather [hbm4b:s29+s4], $0x1, v0, vm0, $0xb8;
	[tilespmem:$0x210] =	vst v63  }
0x1e4: {  	_ =	swait.ge [sflag:s6], $0x10  }
0x1e5: {  	[sflag:s6] =	ssyncset.done $0x0  }
0x1e6: {  	[sflag:s6] =	ssyncadd.s32 $0xFFFFFFF0  }
0x1e7: {  	_ =	swait.ge [sflag:s6], $0x10  }
0x1e8: {  	[sflag:s6] =	ssyncset.done $0x0  }
0x1e9: {  	[sflag:s6] =	ssyncadd.s32 $0xFFFFFFF0  }
0x1ea: {  	_ =	swait.ge [sflag:s6], $0x10  }
0x1eb: {  	[sflag:s6] =	ssyncset.done $0x0  }
0x1ec: {  	[sflag:s6] =	ssyncadd.s32 $0xFFFFFFF0  }
0x1ed: {  	_ =	swait.ge [sflag:s6], $0x10  }
0x1ee: {  	[sflag:s6] =	ssyncset.done $0x0  }
0x1ef: {  	[sflag:s6] =	ssyncadd.s32 $0xFFFFFFF0  }
0x1f0: {  	_ =	swait.ge [sflag:s6], $0x10  }
0x1f1: {  	[sflag:s6] =	ssyncset.done $0x0  }
0x1f2: {  	[sflag:s6] =	ssyncadd.s32 $0xFFFFFFF0  }
0x1f3: {  	_ =	swait.ge [sflag:s6], $0x10  }
0x1f4: {  	[sflag:s6] =	ssyncset.done $0x0  }
0x1f5: {  	[sflag:s6] =	ssyncadd.s32 $0xFFFFFFF0  }
0x1f6: {  	_ =	swait.ge [sflag:s6], $0x10  }
0x1f7: {  	[sflag:s6] =	ssyncset.done $0x0  }
0x1f8: {  	[sflag:s6] =	ssyncadd.s32 $0xFFFFFFF0  }
0x1f9: {  	_ =	swait.ge [sflag:s6], $0x10  }
0x1fa: {  	[sflag:s6] =	ssyncset.done $0x0  }
0x1fb: {  	[sflag:s6] =	ssyncadd.s32 $0xFFFFFFF0  }
0x1fc: {  	_ =	swait.ge [sflag:s6], $0x10  }
0x1fd: {  	[sflag:s6] =	ssyncset.done $0x0  }
0x1fe: {  	[sflag:s6] =	ssyncadd.s32 $0xFFFFFFF0  }
0x1ff: {  	_ =	swait.ge [sflag:s6], $0x10  }
0x200: {  	[sflag:s6] =	ssyncset.done $0x0  }
0x201: {  	[sflag:s6] =	ssyncadd.s32 $0xFFFFFFF0  }
0x202: {  	_ =	swait.ge [sflag:s6], $0x10  }
0x203: {  	[sflag:s6] =	ssyncset.done $0x0  }
0x204: {  	[sflag:s6] =	ssyncadd.s32 $0xFFFFFFF0  }
0x205: {  	_ =	swait.ge [sflag:s6], $0x10  }
0x206: {  	[sflag:s6] =	ssyncset.done $0x0  }
0x207: {  	[sflag:s6] =	ssyncadd.s32 $0xFFFFFFF0  }
0x208: {  	_ =	swait.ge [sflag:s6], $0x10  }
0x209: {  	[sflag:s6] =	ssyncset.done $0x0  }
0x20a: {  	[sflag:s6] =	ssyncadd.s32 $0xFFFFFFF0  }
0x20b: {  	_ =	swait.ge [sflag:s6], $0x10  }
0x20c: {  	[sflag:s6] =	ssyncset.done $0x0  }
0x20d: {  	[sflag:s6] =	ssyncadd.s32 $0xFFFFFFF0  }
0x20e: {  	_ =	swait.ge [sflag:s6], $0x10  }
0x20f: {  	[sflag:s6] =	ssyncset.done $0x0  }
0x210: {  	[sflag:s6] =	ssyncadd.s32 $0xFFFFFFF0  }
0x211: {  	_ =	swait.ge [sflag:s6], $0x10  }
0x212: {  	[sflag:s6] =	ssyncset.done $0x0  }
0x213: {  	[sflag:s6] =	ssyncadd.s32 $0xFFFFFFF0  }
0x214: {  	_ =	swait.ge [sflag:s6], $0x10  }
0x215: {  	[sflag:s6] =	ssyncset.done $0x0  }
0x216: {  	[sflag:s6] =	ssyncadd.s32 $0xFFFFFFF0  }
0x217: {  	_ =	swait.ge [sflag:s6], $0x10  }
0x218: {  	[sflag:s6] =	ssyncset.done $0x0  }
0x219: {  	[sflag:s6] =	ssyncadd.s32 $0xFFFFFFF0  }
0x21a: {  	_ =	swait.ge [sflag:s6], $0x10  }
0x21b: {  	[sflag:s6] =	ssyncset.done $0x0  }
0x21c: {  	[sflag:s6] =	ssyncadd.s32 $0xFFFFFFF0  }
0x21d: {  	_ =	swait.ge [sflag:s6], $0x10  }
0x21e: {  	[sflag:s6] =	ssyncset.done $0x0  }
0x21f: {  	[sflag:s6] =	ssyncadd.s32 $0xFFFFFFF0  }
0x220: {  	_ =	swait.ge [sflag:s6], $0x10  }
0x221: {  	[sflag:s6] =	ssyncset.done $0x0  }
0x222: {  	[sflag:s6] =	ssyncadd.s32 $0xFFFFFFF0  }
0x223: {  	_ =	swait.ge [sflag:s6], $0x10  }
0x224: {  	[sflag:s6] =	ssyncset.done $0x0  }
0x225: {  	[sflag:s6] =	ssyncadd.s32 $0xFFFFFFF0  }
0x226: {  	_ =	swait.ge [sflag:s6], $0x10  }
0x227: {  	[sflag:s6] =	ssyncset.done $0x0  }
0x228: {  	[sflag:s6] =	ssyncadd.s32 $0xFFFFFFF0  }
0x229: {  	_ =	swait.ge [sflag:s6], $0x10  }
0x22a: {  	[sflag:s6] =	ssyncset.done $0x0  }
0x22b: {  	[sflag:s6] =	ssyncadd.s32 $0xFFFFFFF0  }
0x22c: {  	_ =	swait.ge [sflag:s6], $0x10  }
0x22d: {  	[sflag:s6] =	ssyncset.done $0x0  }
0x22e: {  	[sflag:s6] =	ssyncadd.s32 $0xFFFFFFF0  }
0x22f: {  	_ =	swait.ge [sflag:s6], $0x10  }
0x230: {  	[sflag:s6] =	ssyncset.done $0x0  }
0x231: {  	[sflag:s6] =	ssyncadd.s32 $0xFFFFFFF0  }
0x232: {  	_ =	swait.ge [sflag:s6], $0x10  }
0x233: {  	[sflag:s6] =	ssyncset.done $0x0  }
0x234: {  	[sflag:s6] =	ssyncadd.s32 $0xFFFFFFF0  }
0x235: {  	_ =	swait.ge [sflag:s6], $0x10  }
0x236: {  	[sflag:s6] =	ssyncset.done $0x0  }
0x237: {  	[sflag:s6] =	ssyncadd.s32 $0xFFFFFFF0  }
0x238: {  	_ =	swait.ge [sflag:s6], $0x10  }
0x239: {  	[sflag:s6] =	ssyncset.done $0x0  }
0x23a: {  	[sflag:s6] =	ssyncadd.s32 $0xFFFFFFF0  }
0x23b: {  	_ =	swait.ge [sflag:s6], $0x10  }
0x23c: {  	[sflag:s6] =	ssyncset.done $0x0  }
0x23d: {  	[sflag:s6] =	ssyncadd.s32 $0xFFFFFFF0  }
0x23e: {  	_ =	swait.ge [sflag:s6], $0x10  }
0x23f: {  	[sflag:s6] =	ssyncset.done $0x0  }
0x240: {  	[sflag:s6] =	ssyncadd.s32 $0xFFFFFFF0  }
0x241: {  	_ =	swait.ge [sflag:s6], $0x10  }
0x242: {  	s30 =	sld [smem:$0x7F7]  }
0x243: {  	[sflag:s6] =	ssyncset.done $0x0  }
0x244: {  	s31 =	simm.s32 $0x10;
	[sflag:s6] =	ssyncadd.s32 $0xFFFFFFF0  }
0x245: {  	[hbm4b:s30+s31] =	stream.strided.scatter [tilespmem:s31], [sflag:$0x2], $0x200, s5, s31, $0x38;
	[tilespmem:$0x210] =	vst v63  }
0x246: {  	_ =	swait.ge [sflag:s2], $0x200  }
0x247: {  	[sflag:s2] =	ssyncset.done $0x0  }
0x248: {  	[sflag:s2] =	ssyncadd.s32 $0xFFFFFE00  }
0x249: {  	_ =	sfence.sel $0x180000  }
0x24a: {  	[bflag:$0x0] =	sbarrier.arrive $0xFFFF  }
0x24b: {  	_ =	strace $0x90000047  }
0x24c: {  	[bflag:$0x2] =	sbarrier.arrive $0xFFFF  }
0x24d: {  	p0 =	sne.s32 s9, $0x0;
	s0 =	rddreg [dreg:$0x2]  }
0x24e: {  	s0 =	sadd.s32 @!p0 $0x100000, s0  }
0x24f: {  	[sflag:s0] =	ssyncadd.tile.s32 @!p0 $0x1;
	_ =	shalt  }
.LBB2_1:
0x250: {  	s16 =	simm.s32 $0x80;
	s10 =	simm.s32 $0x90  }
0x251: {  	s3 =	simm.s32 $0xA0;
	s31 =	simm.s32 $0xB0;
	s30 =	simm.s32 $0xC0  }
.Ltmp3:
0x252: {  	s29 =	simm.s32 $0xD0;
	s28 =	simm.s32 $0xE0;
	(pc) =	sbr.rel .LBB2_6-.Ltmp3, $4  }
0x253: {  	s26 =	simm.s32 $0xF0;
	s25 =	simm.s32 $0x100;
	s24 =	simm.s32 $0x110  }
0x254: {  	s23 =	simm.s32 $0x120;
	s22 =	simm.s32 $0x130;
	s21 =	simm.s32 $0x140  }
0x255: {  	s20 =	simm.s32 $0x150;
	s19 =	simm.s32 $0x160;
	s18 =	simm.s32 $0x170  }
0x256: {  	s17 =	simm.s32 $0x180;
	s15 =	simm.s32 $0x190;
	s14 =	simm.s32 $0x1A0  }
.LBB2_3:
0x257: {  	s16 =	simm.s32 $0x80;
	s10 =	simm.s32 $0x90;
	s3 =	simm.s32 $0xA0  }
0x258: {  	s31 =	simm.s32 $0xB0;
	s30 =	simm.s32 $0xC0;
	s29 =	simm.s32 $0xD0  }
.Ltmp4:
0x259: {  	s28 =	simm.s32 $0xE0;
	s26 =	simm.s32 $0xF0;
	(pc) =	sbr.rel .LBB2_6-.Ltmp4, $4  }
0x25a: {  	s25 =	simm.s32 $0x100;
	s24 =	simm.s32 $0x110;
	s23 =	simm.s32 $0x120  }
0x25b: {  	s22 =	simm.s32 $0x130;
	s21 =	simm.s32 $0x140;
	s20 =	simm.s32 $0x150  }
0x25c: {  	s19 =	simm.s32 $0x160;
	s18 =	simm.s32 $0x170;
	s17 =	simm.s32 $0x180  }
0x25d: {  	s15 =	simm.s32 $0x190;
	s14 =	simm.s32 $0x1A0;
	s9 =	stileid.u32  }
.Lfunc_end2:
_tile_overlayer_lowered:
.L_overlay_start_2:
0x25e: {  	(tag) =	ssettag $0x2  }
0x25f: {  	s0 =	rddreg [dreg:$0x0];
	s2 =	stileid.u32  }
0x260: {  	s1 =	rddreg [dreg:$0x1];
	p0 =	sne.s32 s2, $0x0  }
0x261: {  	s3 =	rddreg [dreg:$0x2];
	[bflag:$0x3] =	sbarrier.arrive $0xFFFF;
	s2 =	simm.s32 @!p0 $0x1C02  }
0x262: {  	[timem:s3], [sflag:s2] =	dma.local @!p0 [hbm:s0], s1  }
0x263: {  	s0 =	simm.s32 @!p0 $0x2  }
0x264: {  	_ =	swait.ge @!p0 [sflag:s0], s1  }
0x265: {  	s1 =	ssub.s32 @!p0 $0x0, s1;
	[sflag:s0] =	ssyncset.done @!p0 $0x0  }
0x266: {  	[sflag:s0] =	ssyncadd.s32 @!p0 s1  }
0x267: {  	[bflag:$0x3] =	sbarrier.arrive $0xFFFF  }
0x268: {  	_ =	shalt  }

</sc_bundles>
